<compile_context>
chip_gen: v7x
topology: tpu7x:2x2x1
jax: 0.10.2.dev20260603
libtpu: 0.0.44.dev20260713+nightly
codegen_flags: <defaults>
</compile_context>

<pallas_src>
import jax
import jax.numpy as jnp
from jax import lax
from jax.experimental import pallas as pl
from jax.experimental.pallas import tpu as pltpu
from jax.experimental.pallas import tpu_sc as plsc

N = 10000
NP = 10240
E = 320000
NC, NS = 2, 16
NW = NC * NS
CHUNK = 128
K = 80
KI = 40
KID = 16
EP = NW * K * CHUNK
STRIPE = NP // NS

_MESH = plsc.VectorSubcoreMesh(core_axis_name="c", subcore_axis_name="s")


def _make_sc_agg():

    out_type = jax.ShapeDtypeStruct((NC, NP, 128), jnp.float32)
    scratch = [
        pltpu.VMEM((KI, CHUNK), jnp.int32),
        pltpu.VMEM((KI, CHUNK), jnp.int32),
        pltpu.VMEM((CHUNK, 128), jnp.float32),
        pltpu.VMEM((CHUNK, 128), jnp.float32),
        pltpu.VMEM_SHARED((NP, 128), jnp.float32),
        pltpu.SemaphoreType.DMA,
        pltpu.SemaphoreType.DMA,
    ]

    def body(m_hbm, srcw, dstw, z_hbm, out_hbm, sidx, didx, rows_a, rows_b,
             acc_sh, sga, sgb):
        c = lax.axis_index("c")
        s = lax.axis_index("s")
        wid = c * NS + s
        sl = pl.ds(s * STRIPE, STRIPE)

        def wait_g(sem, dst):
            pltpu.make_async_copy(m_hbm.at[pl.ds(0, CHUNK)], dst, sem).wait()

        pltpu.sync_copy(z_hbm.at[sl], acc_sh.at[sl])
        plsc.subcore_barrier()

        def blk(bi, carry):
            pltpu.sync_copy(srcw.at[wid, pl.ds(bi * KI, KI)], sidx)
            pltpu.sync_copy(dstw.at[wid, pl.ds(bi * KI, KI)], didx)
            pltpu.async_copy(m_hbm.at[sidx.at[0]], rows_a, sga)
            pltpu.async_copy(m_hbm.at[sidx.at[1]], rows_b, sgb)

            def pair(t, c2):
                j0 = 2 * t
                wait_g(sga, rows_a)
                pltpu.sync_copy(rows_a, acc_sh.at[didx.at[j0]], add=True)
                pltpu.async_copy(m_hbm.at[sidx.at[j0 + 2]], rows_a, sga)
                wait_g(sgb, rows_b)
                pltpu.sync_copy(rows_b, acc_sh.at[didx.at[j0 + 1]], add=True)
                pltpu.async_copy(m_hbm.at[sidx.at[j0 + 3]], rows_b, sgb)
                return c2

            lax.fori_loop(0, KI // 2 - 1, pair, 0)
            wait_g(sga, rows_a)
            pltpu.sync_copy(rows_a, acc_sh.at[didx.at[KI - 2]], add=True)
            wait_g(sgb, rows_b)
            pltpu.sync_copy(rows_b, acc_sh.at[didx.at[KI - 1]], add=True)
            return carry

        lax.fori_loop(0, K // KI, blk, 0)
        plsc.subcore_barrier()

        pltpu.sync_copy(acc_sh.at[sl], out_hbm.at[c, sl])

    return pl.kernel(body, out_type=out_type, mesh=_MESH,
                     scratch_types=scratch)


def _make_sc_deg():

    out_type = jax.ShapeDtypeStruct((NC, NP, 128), jnp.float32)
    scratch = [
        pltpu.VMEM((KID, CHUNK), jnp.int32),
        pltpu.VMEM((CHUNK, 128), jnp.float32),
        pltpu.VMEM_SHARED((NP, 128), jnp.float32),
    ]

    def body(dstw, z_hbm, ones_hbm, out_hbm, didx, ones_v, acc_sh):
        c = lax.axis_index("c")
        s = lax.axis_index("s")
        wid = c * NS + s
        sl = pl.ds(s * STRIPE, STRIPE)

        pltpu.sync_copy(z_hbm.at[sl], acc_sh.at[sl])
        pltpu.sync_copy(ones_hbm, ones_v)
        plsc.subcore_barrier()

        def blk(bi, carry):
            pltpu.sync_copy(dstw.at[wid, pl.ds(bi * KID, KID)], didx)

            def chunk(j, c2):
                pltpu.sync_copy(ones_v, acc_sh.at[didx.at[j]], add=True)
                return c2

            lax.fori_loop(0, KID, chunk, 0)
            return carry

        lax.fori_loop(0, K // KID, blk, 0)
        plsc.subcore_barrier()

        pltpu.sync_copy(acc_sh.at[sl], out_hbm.at[c, sl])

    return pl.kernel(body, out_type=out_type, mesh=_MESH,
                     scratch_types=scratch)


_AGG128 = _make_sc_agg()
_DEG = _make_sc_deg()

BR = 1024


def _tc0_body(x_ref, wn_ref, ws_ref, b_ref, m_ref, s_ref):
    xb = x_ref[...]
    m_ref[...] = jnp.dot(xb, wn_ref[...], preferred_element_type=jnp.float32)
    s_ref[...] = (jnp.dot(xb, ws_ref[...], preferred_element_type=jnp.float32)
                  + b_ref[...])


def _tc0(x, wn, ws, b):
    return pl.pallas_call(
        _tc0_body,
        grid=(NP // BR,),
        in_specs=[
            pl.BlockSpec((BR, 128), lambda r: (r, 0)),
            pl.BlockSpec((128, 128), lambda r: (0, 0)),
            pl.BlockSpec((128, 128), lambda r: (0, 0)),
            pl.BlockSpec((1, 128), lambda r: (0, 0)),
        ],
        out_specs=[pl.BlockSpec((BR, 128), lambda r: (r, 0)),
                   pl.BlockSpec((BR, 128), lambda r: (r, 0))],
        out_shape=[jax.ShapeDtypeStruct((NP, 128), jnp.float32)] * 2,
    )(x, wn, ws, b)


def _combine(s_ref, p_ref, degp_ref):
    deg = degp_ref[0, :, 0:1] + degp_ref[1, :, 0:1]
    invd = 1.0 / jnp.maximum(deg, 1.0)
    return s_ref[...] + (p_ref[0] + p_ref[1]) * invd


def _make_tc_mid(DN, DS):
    def tc_mid_body(s_ref, p_ref, degp_ref, wn_ref, ws_ref, b_ref,
                    m_ref, so_ref):
        h = jnp.maximum(_combine(s_ref, p_ref, degp_ref), 0.0)
        m_ref[...] = jnp.dot(h, wn_ref[...],
                             preferred_element_type=jnp.float32)
        so_ref[...] = (jnp.dot(h, ws_ref[...],
                               preferred_element_type=jnp.float32)
                       + b_ref[...])

    def tc_mid(s, p, degp, wn, ws, b):
        return pl.pallas_call(
            tc_mid_body,
            grid=(NP // BR,),
            in_specs=[
                pl.BlockSpec((BR, 128), lambda r: (r, 0)),
                pl.BlockSpec((NC, BR, 128), lambda r: (0, r, 0)),
                pl.BlockSpec((NC, BR, 128), lambda r: (0, r, 0)),
                pl.BlockSpec((128, DN), lambda r: (0, 0)),
                pl.BlockSpec((128, DS), lambda r: (0, 0)),
                pl.BlockSpec((1, DS), lambda r: (0, 0)),
            ],
            out_specs=[pl.BlockSpec((BR, DN), lambda r: (r, 0)),
                       pl.BlockSpec((BR, DS), lambda r: (r, 0))],
            out_shape=[jax.ShapeDtypeStruct((NP, DN), jnp.float32),
                       jax.ShapeDtypeStruct((NP, DS), jnp.float32)],
        )(s, p, degp, wn, ws, b)

    return tc_mid


_TC_MID128 = _make_tc_mid(128, 128)
_TC_MID2 = _make_tc_mid(128, 64)


def _tc_fin_body(s_ref, p_ref, degp_ref, o_ref):
    deg = degp_ref[0, :, 0:1] + degp_ref[1, :, 0:1]
    invd = 1.0 / jnp.maximum(deg, 1.0)
    o_ref[...] = s_ref[...] + (p_ref[0, :, :64] + p_ref[1, :, :64]) * invd


def _tc_fin(s, p, degp):
    return pl.pallas_call(
        _tc_fin_body,
        grid=(NP // BR,),
        in_specs=[
            pl.BlockSpec((BR, 64), lambda r: (r, 0)),
            pl.BlockSpec((NC, BR, 128), lambda r: (0, r, 0)),
            pl.BlockSpec((NC, BR, 128), lambda r: (0, r, 0)),
        ],
        out_specs=pl.BlockSpec((BR, 64), lambda r: (r, 0)),
        out_shape=jax.ShapeDtypeStruct((NP, 64), jnp.float32),
    )(s, p, degp)


@jax.jit
def kernel(x, edge_index, W_self0, W_neigh0, b0, W_self1, W_neigh1, b1,
           W_self2, W_neigh2, b2):
    xp = jnp.pad(x, ((0, NP - N), (0, 0)))
    src = jnp.pad(edge_index[0], (0, EP - E)).reshape(NW, K, CHUNK)
    dst = jnp.pad(edge_index[1], (0, EP - E),
                  constant_values=N).reshape(NW, K, CHUNK)
    z128 = jnp.zeros((NP, 128), jnp.float32)
    ones = jnp.ones((CHUNK, 128), jnp.float32)
    wn2p = jnp.pad(W_neigh2, ((0, 0), (0, 128 - 64)))

    degp = _DEG(dst, z128, ones)
    m0, s0 = _tc0(xp, W_neigh0, W_self0, b0.reshape(1, -1))
    p0 = _AGG128(m0, src, dst, z128)
    m1, s1 = _TC_MID128(s0, p0, degp, W_neigh1, W_self1, b1.reshape(1, -1))
    p1 = _AGG128(m1, src, dst, z128)
    m2, s2 = _TC_MID2(s1, p1, degp, wn2p, W_self2, b2.reshape(1, -1))
    p2 = _AGG128(m2, src, dst, z128)
    out = _tc_fin(s2, p2, degp)
    return out[:N]

# --- scband reference (transcript-rebuilt; emitter-appended) ---
"""Pipeline reference for scband-sagebc-49486613185053 (READ-ONLY COPY).

The authoritative reference and input builder live on the scoring server;
editing this copy changes nothing except your own understanding.
"""

import jax, jax.numpy as jnp
import numpy as np

N = 10000
E = 320000
D_IN = 128
D_H = 128
D_OUT = 64


def setup_inputs(seed: int = 0) -> dict:
    key = jax.random.key(seed)
    ks = jax.random.split(key, 12)
    x = jax.random.normal(ks[0], (N, D_IN), dtype=jnp.float32)
    edge_index = jax.random.randint(ks[1], (2, E), 0, N, dtype=jnp.int32)
    s = 0.05
    W_self0 = jax.random.normal(ks[2], (D_IN, D_H), dtype=jnp.float32) * s
    W_neigh0 = jax.random.normal(ks[3], (D_IN, D_H), dtype=jnp.float32) * s
    b0 = jnp.zeros((D_H,), dtype=jnp.float32)
    W_self1 = jax.random.normal(ks[4], (D_H, D_H), dtype=jnp.float32) * s
    W_neigh1 = jax.random.normal(ks[5], (D_H, D_H), dtype=jnp.float32) * s
    b1 = jnp.zeros((D_H,), dtype=jnp.float32)
    W_self2 = jax.random.normal(ks[6], (D_H, D_OUT), dtype=jnp.float32) * s
    W_neigh2 = jax.random.normal(ks[7], (D_H, D_OUT), dtype=jnp.float32) * s
    b2 = jnp.zeros((D_OUT,), dtype=jnp.float32)
    return {"x": x, "edge_index": edge_index,
            "W_self0": W_self0, "W_neigh0": W_neigh0, "b0": b0,
            "W_self1": W_self1, "W_neigh1": W_neigh1, "b1": b1,
            "W_self2": W_self2, "W_neigh2": W_neigh2, "b2": b2}


def _sage_conv(h, src, dst, W_self, W_neigh, b):
    # DGL SAGEConv with 'mean' aggregator:
    # out = h_dst @ W_self + mean_{src->dst}(h_src) @ W_neigh + b
    msg = jnp.take(h, src, axis=0)                                  # gather  [E, d]
    agg = jax.ops.segment_sum(msg, dst, num_segments=N)             # scatter-add [N, d]
    deg = jax.ops.segment_sum(jnp.ones_like(dst, dtype=h.dtype), dst, num_segments=N)
    mean = agg / jnp.clip(deg, 1.0, None)[:, None]
    return h @ W_self + mean @ W_neigh + b


def reference(x, edge_index, W_self0, W_neigh0, b0, W_self1, W_neigh1, b1, W_self2, W_neigh2, b2):
    src = edge_index[0]
    dst = edge_index[1]
    h = _sage_conv(x, src, dst, W_self0, W_neigh0, b0)
    h = jax.nn.relu(h)  # dropout is identity at inference
    h = _sage_conv(h, src, dst, W_self1, W_neigh1, b1)
    h = jax.nn.relu(h)
    h = _sage_conv(h, src, dst, W_self2, W_neigh2, b2)
    return h

if __name__ == "__main__":
    import jax
    _d = setup_inputs()
    print(jax.jit(kernel)(*tuple(_d.values())))

</pallas_src>

<mosaic_0001>
#map = affine_map<(d0, d1) -> (0, 0, 0)>
#map1 = affine_map<(d0, d1) -> (0, 0)>
module attributes {stable_mosaic.version = 14 : i64} {
  func.func @body(%arg0: i32, %arg1: i32, %arg2: memref<32x80x128xi32, #tpu.memory_space<hbm>>, %arg3: memref<10240x128xf32, #tpu.memory_space<hbm>>, %arg4: memref<128x128xf32, #tpu.memory_space<hbm>>, %arg5: memref<2x10240x128xf32, #tpu.memory_space<hbm>>, %arg6: memref<16x128xi32, #tpu.memory_space<vmem>>, %arg7: memref<128x128xf32, #tpu.memory_space<vmem>>, %arg8: memref<10240x128xf32, #tpu.memory_space<vmem_shared>>) attributes {dimension_semantics = [#tpu.dimension_semantics<core_parallel>, #tpu.dimension_semantics<subcore_parallel>], iteration_bounds = array<i64: 2, 16>, scalar_prefetch = 0 : i64, scratch_operands = 3 : i64, tpu.core_type = #tpu.core_type<sc_vector_subcore>, window_params = [{transform_indices = #map}, {transform_indices = #map1}, {transform_indices = #map1}, {transform_indices = #map}]} {
    %mul3A = arith.constant 16 : i32
    %mul3A_0 = arith.muli %arg0, %mul3A : i32
    %add3A = arith.addi %mul3A_0, %arg1 : i32
    %mul3A_1 = arith.constant 640 : i32
    %mul3A_2 = arith.muli %arg1, %mul3A_1 : i32
    "tpu.region"() ({
      %run_scoped3A = tpu.sem_alloc : memref<!tpu.dma_semaphore, #tpu.memory_space<semaphore_mem>>
      %dma_start3A = arith.constant 0 : i32
      %dma_start3A_9 = tpu.memref_slice %arg8[%mul3A_2, %dma_start3A] : memref<10240x128xf32, #tpu.memory_space<vmem_shared>> -> memref<640x128xf32, #tpu.memory_space<vmem_shared>>
      %dma_start3A_10 = arith.constant 0 : i32
      %dma_start3A_11 = tpu.memref_slice %arg3[%mul3A_2, %dma_start3A_10] : memref<10240x128xf32, #tpu.memory_space<hbm>> -> memref<640x128xf32, #tpu.memory_space<hbm>>
      tpu.enqueue_dma source(%dma_start3A_11 : memref<640x128xf32, #tpu.memory_space<hbm>>) target(%dma_start3A_9 : memref<640x128xf32, #tpu.memory_space<vmem_shared>>) target_semaphore(%run_scoped3A : memref<!tpu.dma_semaphore, #tpu.memory_space<semaphore_mem>>)
      %dma_wait3A = arith.constant 0 : i32
      %dma_wait3A_12 = tpu.memref_slice %arg8[%mul3A_2, %dma_wait3A] : memref<10240x128xf32, #tpu.memory_space<vmem_shared>> -> memref<640x128xf32, #tpu.memory_space<vmem_shared>>
      %dma_wait3A_13 = arith.constant 0 : i32
      %dma_wait3A_14 = tpu.memref_slice %arg3[%mul3A_2, %dma_wait3A_13] : memref<10240x128xf32, #tpu.memory_space<hbm>> -> memref<640x128xf32, #tpu.memory_space<hbm>>
      tpu.wait_dma2 semaphore(%run_scoped3A : memref<!tpu.dma_semaphore, #tpu.memory_space<semaphore_mem>>) src(%dma_wait3A_14 : memref<640x128xf32, #tpu.memory_space<hbm>>) dst(%dma_wait3A_12 : memref<640x128xf32, #tpu.memory_space<vmem_shared>>)
      tpu.yield
    }) : () -> ()
    "tpu.region"() ({
      %run_scoped3A = tpu.sem_alloc : memref<!tpu.dma_semaphore, #tpu.memory_space<semaphore_mem>>
      tpu.enqueue_dma source(%arg4 : memref<128x128xf32, #tpu.memory_space<hbm>>) target(%arg7 : memref<128x128xf32, #tpu.memory_space<vmem>>) target_semaphore(%run_scoped3A : memref<!tpu.dma_semaphore, #tpu.memory_space<semaphore_mem>>)
      tpu.wait_dma2 semaphore(%run_scoped3A : memref<!tpu.dma_semaphore, #tpu.memory_space<semaphore_mem>>) src(%arg4 : memref<128x128xf32, #tpu.memory_space<hbm>>) dst(%arg7 : memref<128x128xf32, #tpu.memory_space<vmem>>)
      tpu.yield
    }) : () -> ()
    %barrier3A = arith.constant 0 : index
    tpu.barrier barrier_id(%barrier3A)
    %scan3A = arith.constant 0 : i32
    %scan3A_3 = arith.constant 0 : i32
    %scan3A_4 = arith.constant 5 : i32
    %scan3A_5 = arith.addi %scan3A_3, %scan3A_4 : i32
    %scan3A_6 = arith.constant 1 : i32
    scf.for %scan3A_9 = %scan3A_3 to %scan3A_5 step %scan3A_6  : i32 {
      %mul3A_10 = arith.constant 16 : i32
      %mul3A_11 = arith.muli %scan3A_9, %mul3A_10 : i32
      "tpu.region"() ({
        %run_scoped3A = tpu.sem_alloc : memref<!tpu.dma_semaphore, #tpu.memory_space<semaphore_mem>>
        %dma_start3A = arith.constant 0 : i32
        %dma_start3A_18 = tpu.memref_slice %arg2[%add3A, %mul3A_11, %dma_start3A] : memref<32x80x128xi32, #tpu.memory_space<hbm>> -> memref<1x16x128xi32, #tpu.memory_space<hbm>>
        %dma_start3A_19 = tpu.memref_squeeze %dma_start3A_18 : memref<1x16x128xi32, #tpu.memory_space<hbm>> -> memref<16x128xi32, #tpu.memory_space<hbm>>
        %dma_start3A_20 = arith.constant 0 : i32
        %dma_start3A_21 = tpu.memref_slice %arg2[%add3A, %mul3A_11, %dma_start3A_20] : memref<32x80x128xi32, #tpu.memory_space<hbm>> -> memref<1x16x128xi32, #tpu.memory_space<hbm>>
        %dma_start3A_22 = tpu.memref_squeeze %dma_start3A_21 : memref<1x16x128xi32, #tpu.memory_space<hbm>> -> memref<16x128xi32, #tpu.memory_space<hbm>>
        tpu.enqueue_dma source(%dma_start3A_22 : memref<16x128xi32, #tpu.memory_space<hbm>>) target(%arg6 : memref<16x128xi32, #tpu.memory_space<vmem>>) target_semaphore(%run_scoped3A : memref<!tpu.dma_semaphore, #tpu.memory_space<semaphore_mem>>)
        %dma_wait3A = arith.constant 0 : i32
        %dma_wait3A_23 = tpu.memref_slice %arg2[%add3A, %mul3A_11, %dma_wait3A] : memref<32x80x128xi32, #tpu.memory_space<hbm>> -> memref<1x16x128xi32, #tpu.memory_space<hbm>>
        %dma_wait3A_24 = tpu.memref_squeeze %dma_wait3A_23 : memref<1x16x128xi32, #tpu.memory_space<hbm>> -> memref<16x128xi32, #tpu.memory_space<hbm>>
        %dma_wait3A_25 = arith.constant 0 : i32
        %dma_wait3A_26 = tpu.memref_slice %arg2[%add3A, %mul3A_11, %dma_wait3A_25] : memref<32x80x128xi32, #tpu.memory_space<hbm>> -> memref<1x16x128xi32, #tpu.memory_space<hbm>>
        %dma_wait3A_27 = tpu.memref_squeeze %dma_wait3A_26 : memref<1x16x128xi32, #tpu.memory_space<hbm>> -> memref<16x128xi32, #tpu.memory_space<hbm>>
        tpu.wait_dma2 semaphore(%run_scoped3A : memref<!tpu.dma_semaphore, #tpu.memory_space<semaphore_mem>>) src(%dma_wait3A_27 : memref<16x128xi32, #tpu.memory_space<hbm>>) dst(%arg6 : memref<16x128xi32, #tpu.memory_space<vmem>>)
        tpu.yield
      }) : () -> ()
      %scan3A_12 = arith.constant 0 : i32
      %scan3A_13 = arith.constant 0 : i32
      %scan3A_14 = arith.constant 16 : i32
      %scan3A_15 = arith.addi %scan3A_13, %scan3A_14 : i32
      %scan3A_16 = arith.constant 1 : i32
      scf.for %scan3A_18 = %scan3A_13 to %scan3A_15 step %scan3A_16  : i32 {
        "tpu.region"() ({
          %run_scoped3A = tpu.sem_alloc : memref<!tpu.dma_semaphore, #tpu.memory_space<semaphore_mem>>
          %dma_start3A = arith.constant 0 : i32
          %dma_start3A_19 = tpu.memref_slice %arg6[%scan3A_18, %dma_start3A] : memref<16x128xi32, #tpu.memory_space<vmem>> -> memref<1x128xi32, #tpu.memory_space<vmem>>
          %dma_start3A_20 = tpu.memref_squeeze %dma_start3A_19 : memref<1x128xi32, #tpu.memory_space<vmem>> -> memref<128xi32, #tpu.memory_space<vmem>>
          %dma_start3A_21 = arith.constant 0 : i32
          %dma_start3A_22 = arith.constant 0 : i32
          %dma_start3A_23 = tpu.memref_slice %arg8[%dma_start3A_21, %dma_start3A_22] : memref<10240x128xf32, #tpu.memory_space<vmem_shared>> -> memref<10240x128xf32, #tpu.memory_space<vmem_shared>>
          tpu.enqueue_indirect_dma source(%arg7 : memref<128x128xf32, #tpu.memory_space<vmem>>) target(%dma_start3A_23 : memref<10240x128xf32, #tpu.memory_space<vmem_shared>>) offsets(%dma_start3A_20 : memref<128xi32, #tpu.memory_space<vmem>>) semaphore(%run_scoped3A : memref<!tpu.dma_semaphore, #tpu.memory_space<semaphore_mem>>) {add = true}
          %dma_wait3A = arith.constant 0 : i32
          %dma_wait3A_24 = tpu.memref_slice %arg6[%scan3A_18, %dma_wait3A] : memref<16x128xi32, #tpu.memory_space<vmem>> -> memref<1x128xi32, #tpu.memory_space<vmem>>
          %dma_wait3A_25 = tpu.memref_squeeze %dma_wait3A_24 : memref<1x128xi32, #tpu.memory_space<vmem>> -> memref<128xi32, #tpu.memory_space<vmem>>
          %dma_wait3A_26 = arith.constant 0 : i32
          %dma_wait3A_27 = arith.constant 0 : i32
          %dma_wait3A_28 = tpu.memref_slice %arg8[%dma_wait3A_26, %dma_wait3A_27] : memref<10240x128xf32, #tpu.memory_space<vmem_shared>> -> memref<10240x128xf32, #tpu.memory_space<vmem_shared>>
          tpu.wait_indirect_dma semaphore(%run_scoped3A : memref<!tpu.dma_semaphore, #tpu.memory_space<semaphore_mem>>) src(%arg7 : memref<128x128xf32, #tpu.memory_space<vmem>>) dst(%dma_wait3A_28 : memref<10240x128xf32, #tpu.memory_space<vmem_shared>>)
          tpu.yield
        }) : () -> ()
      }
      %scan3A_17 = arith.constant 16 : i32
    }
    %scan3A_7 = arith.constant 5 : i32
    %barrier3A_8 = arith.constant 0 : index
    tpu.barrier barrier_id(%barrier3A_8)
    "tpu.region"() ({
      %run_scoped3A = tpu.sem_alloc : memref<!tpu.dma_semaphore, #tpu.memory_space<semaphore_mem>>
      %dma_start3A = arith.constant 0 : i32
      %dma_start3A_9 = tpu.memref_slice %arg5[%arg0, %mul3A_2, %dma_start3A] : memref<2x10240x128xf32, #tpu.memory_space<hbm>> -> memref<1x640x128xf32, #tpu.memory_space<hbm>>
      %dma_start3A_10 = tpu.memref_squeeze %dma_start3A_9 : memref<1x640x128xf32, #tpu.memory_space<hbm>> -> memref<640x128xf32, #tpu.memory_space<hbm>>
      %dma_start3A_11 = arith.constant 0 : i32
      %dma_start3A_12 = tpu.memref_slice %arg8[%mul3A_2, %dma_start3A_11] : memref<10240x128xf32, #tpu.memory_space<vmem_shared>> -> memref<640x128xf32, #tpu.memory_space<vmem_shared>>
      tpu.enqueue_dma source(%dma_start3A_12 : memref<640x128xf32, #tpu.memory_space<vmem_shared>>) target(%dma_start3A_10 : memref<640x128xf32, #tpu.memory_space<hbm>>) target_semaphore(%run_scoped3A : memref<!tpu.dma_semaphore, #tpu.memory_space<semaphore_mem>>)
      %dma_wait3A = arith.constant 0 : i32
      %dma_wait3A_13 = tpu.memref_slice %arg5[%arg0, %mul3A_2, %dma_wait3A] : memref<2x10240x128xf32, #tpu.memory_space<hbm>> -> memref<1x640x128xf32, #tpu.memory_space<hbm>>
      %dma_wait3A_14 = tpu.memref_squeeze %dma_wait3A_13 : memref<1x640x128xf32, #tpu.memory_space<hbm>> -> memref<640x128xf32, #tpu.memory_space<hbm>>
      %dma_wait3A_15 = arith.constant 0 : i32
      %dma_wait3A_16 = tpu.memref_slice %arg8[%mul3A_2, %dma_wait3A_15] : memref<10240x128xf32, #tpu.memory_space<vmem_shared>> -> memref<640x128xf32, #tpu.memory_space<vmem_shared>>
      tpu.wait_dma2 semaphore(%run_scoped3A : memref<!tpu.dma_semaphore, #tpu.memory_space<semaphore_mem>>) src(%dma_wait3A_16 : memref<640x128xf32, #tpu.memory_space<vmem_shared>>) dst(%dma_wait3A_14 : memref<640x128xf32, #tpu.memory_space<hbm>>)
      tpu.yield
    }) : () -> ()
    return
  }
}

#map = affine_map<(d0, d1) -> (0, 0)>
#map1 = affine_map<(d0, d1) -> (0, 0, 0)>
module attributes {stable_mosaic.version = 14 : i64} {
  func.func @body(%arg0: i32, %arg1: i32, %arg2: memref<10240x128xf32, #tpu.memory_space<hbm>>, %arg3: memref<32x80x128xi32, #tpu.memory_space<hbm>>, %arg4: memref<32x80x128xi32, #tpu.memory_space<hbm>>, %arg5: memref<10240x128xf32, #tpu.memory_space<hbm>>, %arg6: memref<2x10240x128xf32, #tpu.memory_space<hbm>>, %arg7: memref<40x128xi32, #tpu.memory_space<vmem>>, %arg8: memref<40x128xi32, #tpu.memory_space<vmem>>, %arg9: memref<128x128xf32, #tpu.memory_space<vmem>>, %arg10: memref<128x128xf32, #tpu.memory_space<vmem>>, %arg11: memref<10240x128xf32, #tpu.memory_space<vmem_shared>>, %arg12: memref<!tpu.dma_semaphore, #tpu.memory_space<semaphore_mem>>, %arg13: memref<!tpu.dma_semaphore, #tpu.memory_space<semaphore_mem>>) attributes {dimension_semantics = [#tpu.dimension_semantics<core_parallel>, #tpu.dimension_semantics<subcore_parallel>], iteration_bounds = array<i64: 2, 16>, scalar_prefetch = 0 : i64, scratch_operands = 7 : i64, tpu.core_type = #tpu.core_type<sc_vector_subcore>, window_params = [{transform_indices = #map}, {transform_indices = #map1}, {transform_indices = #map1}, {transform_indices = #map}, {transform_indices = #map1}]} {
    %mul3A = arith.constant 16 : i32
    %mul3A_0 = arith.muli %arg0, %mul3A : i32
    %add3A = arith.addi %mul3A_0, %arg1 : i32
    %mul3A_1 = arith.constant 640 : i32
    %mul3A_2 = arith.muli %arg1, %mul3A_1 : i32
    "tpu.region"() ({
      %run_scoped3A = tpu.sem_alloc : memref<!tpu.dma_semaphore, #tpu.memory_space<semaphore_mem>>
      %dma_start3A = arith.constant 0 : i32
      %dma_start3A_9 = tpu.memref_slice %arg11[%mul3A_2, %dma_start3A] : memref<10240x128xf32, #tpu.memory_space<vmem_shared>> -> memref<640x128xf32, #tpu.memory_space<vmem_shared>>
      %dma_start3A_10 = arith.constant 0 : i32
      %dma_start3A_11 = tpu.memref_slice %arg5[%mul3A_2, %dma_start3A_10] : memref<10240x128xf32, #tpu.memory_space<hbm>> -> memref<640x128xf32, #tpu.memory_space<hbm>>
      tpu.enqueue_dma source(%dma_start3A_11 : memref<640x128xf32, #tpu.memory_space<hbm>>) target(%dma_start3A_9 : memref<640x128xf32, #tpu.memory_space<vmem_shared>>) target_semaphore(%run_scoped3A : memref<!tpu.dma_semaphore, #tpu.memory_space<semaphore_mem>>)
      %dma_wait3A = arith.constant 0 : i32
      %dma_wait3A_12 = tpu.memref_slice %arg11[%mul3A_2, %dma_wait3A] : memref<10240x128xf32, #tpu.memory_space<vmem_shared>> -> memref<640x128xf32, #tpu.memory_space<vmem_shared>>
      %dma_wait3A_13 = arith.constant 0 : i32
      %dma_wait3A_14 = tpu.memref_slice %arg5[%mul3A_2, %dma_wait3A_13] : memref<10240x128xf32, #tpu.memory_space<hbm>> -> memref<640x128xf32, #tpu.memory_space<hbm>>
      tpu.wait_dma2 semaphore(%run_scoped3A : memref<!tpu.dma_semaphore, #tpu.memory_space<semaphore_mem>>) src(%dma_wait3A_14 : memref<640x128xf32, #tpu.memory_space<hbm>>) dst(%dma_wait3A_12 : memref<640x128xf32, #tpu.memory_space<vmem_shared>>)
      tpu.yield
    }) : () -> ()
    %barrier3A = arith.constant 0 : index
    tpu.barrier barrier_id(%barrier3A)
    %scan3A = arith.constant 0 : i32
    %scan3A_3 = arith.constant 0 : i32
    %scan3A_4 = arith.constant 2 : i32
    %scan3A_5 = arith.addi %scan3A_3, %scan3A_4 : i32
    %scan3A_6 = arith.constant 1 : i32
    scf.for %scan3A_9 = %scan3A_3 to %scan3A_5 step %scan3A_6  : i32 {
      %mul3A_10 = arith.constant 40 : i32
      %mul3A_11 = arith.muli %scan3A_9, %mul3A_10 : i32
      "tpu.region"() ({
        %run_scoped3A_45 = tpu.sem_alloc : memref<!tpu.dma_semaphore, #tpu.memory_space<semaphore_mem>>
        %dma_start3A_46 = arith.constant 0 : i32
        %dma_start3A_47 = tpu.memref_slice %arg3[%add3A, %mul3A_11, %dma_start3A_46] : memref<32x80x128xi32, #tpu.memory_space<hbm>> -> memref<1x40x128xi32, #tpu.memory_space<hbm>>
        %dma_start3A_48 = tpu.memref_squeeze %dma_start3A_47 : memref<1x40x128xi32, #tpu.memory_space<hbm>> -> memref<40x128xi32, #tpu.memory_space<hbm>>
        %dma_start3A_49 = arith.constant 0 : i32
        %dma_start3A_50 = tpu.memref_slice %arg3[%add3A, %mul3A_11, %dma_start3A_49] : memref<32x80x128xi32, #tpu.memory_space<hbm>> -> memref<1x40x128xi32, #tpu.memory_space<hbm>>
        %dma_start3A_51 = tpu.memref_squeeze %dma_start3A_50 : memref<1x40x128xi32, #tpu.memory_space<hbm>> -> memref<40x128xi32, #tpu.memory_space<hbm>>
        tpu.enqueue_dma source(%dma_start3A_51 : memref<40x128xi32, #tpu.memory_space<hbm>>) target(%arg7 : memref<40x128xi32, #tpu.memory_space<vmem>>) target_semaphore(%run_scoped3A_45 : memref<!tpu.dma_semaphore, #tpu.memory_space<semaphore_mem>>)
        %dma_wait3A_52 = arith.constant 0 : i32
        %dma_wait3A_53 = tpu.memref_slice %arg3[%add3A, %mul3A_11, %dma_wait3A_52] : memref<32x80x128xi32, #tpu.memory_space<hbm>> -> memref<1x40x128xi32, #tpu.memory_space<hbm>>
        %dma_wait3A_54 = tpu.memref_squeeze %dma_wait3A_53 : memref<1x40x128xi32, #tpu.memory_space<hbm>> -> memref<40x128xi32, #tpu.memory_space<hbm>>
        %dma_wait3A_55 = arith.constant 0 : i32
        %dma_wait3A_56 = tpu.memref_slice %arg3[%add3A, %mul3A_11, %dma_wait3A_55] : memref<32x80x128xi32, #tpu.memory_space<hbm>> -> memref<1x40x128xi32, #tpu.memory_space<hbm>>
        %dma_wait3A_57 = tpu.memref_squeeze %dma_wait3A_56 : memref<1x40x128xi32, #tpu.memory_space<hbm>> -> memref<40x128xi32, #tpu.memory_space<hbm>>
        tpu.wait_dma2 semaphore(%run_scoped3A_45 : memref<!tpu.dma_semaphore, #tpu.memory_space<semaphore_mem>>) src(%dma_wait3A_57 : memref<40x128xi32, #tpu.memory_space<hbm>>) dst(%arg7 : memref<40x128xi32, #tpu.memory_space<vmem>>)
        tpu.yield
      }) : () -> ()
      %mul3A_12 = arith.constant 40 : i32
      %mul3A_13 = arith.muli %scan3A_9, %mul3A_12 : i32
      "tpu.region"() ({
        %run_scoped3A_45 = tpu.sem_alloc : memref<!tpu.dma_semaphore, #tpu.memory_space<semaphore_mem>>
        %dma_start3A_46 = arith.constant 0 : i32
        %dma_start3A_47 = tpu.memref_slice %arg4[%add3A, %mul3A_13, %dma_start3A_46] : memref<32x80x128xi32, #tpu.memory_space<hbm>> -> memref<1x40x128xi32, #tpu.memory_space<hbm>>
        %dma_start3A_48 = tpu.memref_squeeze %dma_start3A_47 : memref<1x40x128xi32, #tpu.memory_space<hbm>> -> memref<40x128xi32, #tpu.memory_space<hbm>>
        %dma_start3A_49 = arith.constant 0 : i32
        %dma_start3A_50 = tpu.memref_slice %arg4[%add3A, %mul3A_13, %dma_start3A_49] : memref<32x80x128xi32, #tpu.memory_space<hbm>> -> memref<1x40x128xi32, #tpu.memory_space<hbm>>
        %dma_start3A_51 = tpu.memref_squeeze %dma_start3A_50 : memref<1x40x128xi32, #tpu.memory_space<hbm>> -> memref<40x128xi32, #tpu.memory_space<hbm>>
        tpu.enqueue_dma source(%dma_start3A_51 : memref<40x128xi32, #tpu.memory_space<hbm>>) target(%arg8 : memref<40x128xi32, #tpu.memory_space<vmem>>) target_semaphore(%run_scoped3A_45 : memref<!tpu.dma_semaphore, #tpu.memory_space<semaphore_mem>>)
        %dma_wait3A_52 = arith.constant 0 : i32
        %dma_wait3A_53 = tpu.memref_slice %arg4[%add3A, %mul3A_13, %dma_wait3A_52] : memref<32x80x128xi32, #tpu.memory_space<hbm>> -> memref<1x40x128xi32, #tpu.memory_space<hbm>>
        %dma_wait3A_54 = tpu.memref_squeeze %dma_wait3A_53 : memref<1x40x128xi32, #tpu.memory_space<hbm>> -> memref<40x128xi32, #tpu.memory_space<hbm>>
        %dma_wait3A_55 = arith.constant 0 : i32
        %dma_wait3A_56 = tpu.memref_slice %arg4[%add3A, %mul3A_13, %dma_wait3A_55] : memref<32x80x128xi32, #tpu.memory_space<hbm>> -> memref<1x40x128xi32, #tpu.memory_space<hbm>>
        %dma_wait3A_57 = tpu.memref_squeeze %dma_wait3A_56 : memref<1x40x128xi32, #tpu.memory_space<hbm>> -> memref<40x128xi32, #tpu.memory_space<hbm>>
        tpu.wait_dma2 semaphore(%run_scoped3A_45 : memref<!tpu.dma_semaphore, #tpu.memory_space<semaphore_mem>>) src(%dma_wait3A_57 : memref<40x128xi32, #tpu.memory_space<hbm>>) dst(%arg8 : memref<40x128xi32, #tpu.memory_space<vmem>>)
        tpu.yield
      }) : () -> ()
      %dma_start3A = arith.constant 0 : i32
      %dma_start3A_14 = arith.constant 0 : i32
      %dma_start3A_15 = tpu.memref_slice %arg7[%dma_start3A, %dma_start3A_14] : memref<40x128xi32, #tpu.memory_space<vmem>> -> memref<1x128xi32, #tpu.memory_space<vmem>>
      %dma_start3A_16 = tpu.memref_squeeze %dma_start3A_15 : memref<1x128xi32, #tpu.memory_space<vmem>> -> memref<128xi32, #tpu.memory_space<vmem>>
      %dma_start3A_17 = arith.constant 0 : i32
      %dma_start3A_18 = arith.constant 0 : i32
      %dma_start3A_19 = tpu.memref_slice %arg2[%dma_start3A_17, %dma_start3A_18] : memref<10240x128xf32, #tpu.memory_space<hbm>> -> memref<10240x128xf32, #tpu.memory_space<hbm>>
      tpu.enqueue_indirect_dma source(%dma_start3A_19 : memref<10240x128xf32, #tpu.memory_space<hbm>>) target(%arg9 : memref<128x128xf32, #tpu.memory_space<vmem>>) offsets(%dma_start3A_16 : memref<128xi32, #tpu.memory_space<vmem>>) semaphore(%arg12 : memref<!tpu.dma_semaphore, #tpu.memory_space<semaphore_mem>>)
      %dma_start3A_20 = arith.constant 1 : i32
      %dma_start3A_21 = arith.constant 0 : i32
      %dma_start3A_22 = tpu.memref_slice %arg7[%dma_start3A_20, %dma_start3A_21] : memref<40x128xi32, #tpu.memory_space<vmem>> -> memref<1x128xi32, #tpu.memory_space<vmem>>
      %dma_start3A_23 = tpu.memref_squeeze %dma_start3A_22 : memref<1x128xi32, #tpu.memory_space<vmem>> -> memref<128xi32, #tpu.memory_space<vmem>>
      %dma_start3A_24 = arith.constant 0 : i32
      %dma_start3A_25 = arith.constant 0 : i32
      %dma_start3A_26 = tpu.memref_slice %arg2[%dma_start3A_24, %dma_start3A_25] : memref<10240x128xf32, #tpu.memory_space<hbm>> -> memref<10240x128xf32, #tpu.memory_space<hbm>>
      tpu.enqueue_indirect_dma source(%dma_start3A_26 : memref<10240x128xf32, #tpu.memory_space<hbm>>) target(%arg10 : memref<128x128xf32, #tpu.memory_space<vmem>>) offsets(%dma_start3A_23 : memref<128xi32, #tpu.memory_space<vmem>>) semaphore(%arg13 : memref<!tpu.dma_semaphore, #tpu.memory_space<semaphore_mem>>)
      %scan3A_27 = arith.constant 0 : i32
      %scan3A_28 = arith.constant 0 : i32
      %scan3A_29 = arith.constant 19 : i32
      %scan3A_30 = arith.addi %scan3A_28, %scan3A_29 : i32
      %scan3A_31 = arith.constant 1 : i32
      scf.for %scan3A_45 = %scan3A_28 to %scan3A_30 step %scan3A_31  : i32 {
        %mul3A_46 = arith.constant 2 : i32
        %mul3A_47 = arith.muli %mul3A_46, %scan3A_45 : i32
        %dma_wait3A_48 = arith.constant 0 : i32
        %dma_wait3A_49 = arith.constant 0 : i32
        %dma_wait3A_50 = tpu.memref_slice %arg2[%dma_wait3A_48, %dma_wait3A_49] : memref<10240x128xf32, #tpu.memory_space<hbm>> -> memref<128x128xf32, #tpu.memory_space<hbm>>
        %dma_wait3A_51 = arith.constant 0 : i32
        %dma_wait3A_52 = arith.constant 0 : i32
        %dma_wait3A_53 = tpu.memref_slice %arg2[%dma_wait3A_51, %dma_wait3A_52] : memref<10240x128xf32, #tpu.memory_space<hbm>> -> memref<128x128xf32, #tpu.memory_space<hbm>>
        tpu.wait_dma2 semaphore(%arg12 : memref<!tpu.dma_semaphore, #tpu.memory_space<semaphore_mem>>) src(%dma_wait3A_53 : memref<128x128xf32, #tpu.memory_space<hbm>>) dst(%arg9 : memref<128x128xf32, #tpu.memory_space<vmem>>)
        "tpu.region"() ({
          %run_scoped3A_78 = tpu.sem_alloc : memref<!tpu.dma_semaphore, #tpu.memory_space<semaphore_mem>>
          %dma_start3A_79 = arith.constant 0 : i32
          %dma_start3A_80 = tpu.memref_slice %arg8[%mul3A_47, %dma_start3A_79] : memref<40x128xi32, #tpu.memory_space<vmem>> -> memref<1x128xi32, #tpu.memory_space<vmem>>
          %dma_start3A_81 = tpu.memref_squeeze %dma_start3A_80 : memref<1x128xi32, #tpu.memory_space<vmem>> -> memref<128xi32, #tpu.memory_space<vmem>>
          %dma_start3A_82 = arith.constant 0 : i32
          %dma_start3A_83 = arith.constant 0 : i32
          %dma_start3A_84 = tpu.memref_slice %arg11[%dma_start3A_82, %dma_start3A_83] : memref<10240x128xf32, #tpu.memory_space<vmem_shared>> -> memref<10240x128xf32, #tpu.memory_space<vmem_shared>>
          tpu.enqueue_indirect_dma source(%arg9 : memref<128x128xf32, #tpu.memory_space<vmem>>) target(%dma_start3A_84 : memref<10240x128xf32, #tpu.memory_space<vmem_shared>>) offsets(%dma_start3A_81 : memref<128xi32, #tpu.memory_space<vmem>>) semaphore(%run_scoped3A_78 : memref<!tpu.dma_semaphore, #tpu.memory_space<semaphore_mem>>) {add = true}
          %dma_wait3A_85 = arith.constant 0 : i32
          %dma_wait3A_86 = tpu.memref_slice %arg8[%mul3A_47, %dma_wait3A_85] : memref<40x128xi32, #tpu.memory_space<vmem>> -> memref<1x128xi32, #tpu.memory_space<vmem>>
          %dma_wait3A_87 = tpu.memref_squeeze %dma_wait3A_86 : memref<1x128xi32, #tpu.memory_space<vmem>> -> memref<128xi32, #tpu.memory_space<vmem>>
          %dma_wait3A_88 = arith.constant 0 : i32
          %dma_wait3A_89 = arith.constant 0 : i32
          %dma_wait3A_90 = tpu.memref_slice %arg11[%dma_wait3A_88, %dma_wait3A_89] : memref<10240x128xf32, #tpu.memory_space<vmem_shared>> -> memref<10240x128xf32, #tpu.memory_space<vmem_shared>>
          tpu.wait_indirect_dma semaphore(%run_scoped3A_78 : memref<!tpu.dma_semaphore, #tpu.memory_space<semaphore_mem>>) src(%arg9 : memref<128x128xf32, #tpu.memory_space<vmem>>) dst(%dma_wait3A_90 : memref<10240x128xf32, #tpu.memory_space<vmem_shared>>)
          tpu.yield
        }) : () -> ()
        %add3A_54 = arith.constant 2 : i32
        %add3A_55 = arith.addi %mul3A_47, %add3A_54 : i32
        %dma_start3A_56 = arith.constant 0 : i32
        %dma_start3A_57 = tpu.memref_slice %arg7[%add3A_55, %dma_start3A_56] : memref<40x128xi32, #tpu.memory_space<vmem>> -> memref<1x128xi32, #tpu.memory_space<vmem>>
        %dma_start3A_58 = tpu.memref_squeeze %dma_start3A_57 : memref<1x128xi32, #tpu.memory_space<vmem>> -> memref<128xi32, #tpu.memory_space<vmem>>
        %dma_start3A_59 = arith.constant 0 : i32
        %dma_start3A_60 = arith.constant 0 : i32
        %dma_start3A_61 = tpu.memref_slice %arg2[%dma_start3A_59, %dma_start3A_60] : memref<10240x128xf32, #tpu.memory_space<hbm>> -> memref<10240x128xf32, #tpu.memory_space<hbm>>
        tpu.enqueue_indirect_dma source(%dma_start3A_61 : memref<10240x128xf32, #tpu.memory_space<hbm>>) target(%arg9 : memref<128x128xf32, #tpu.memory_space<vmem>>) offsets(%dma_start3A_58 : memref<128xi32, #tpu.memory_space<vmem>>) semaphore(%arg12 : memref<!tpu.dma_semaphore, #tpu.memory_space<semaphore_mem>>)
        %dma_wait3A_62 = arith.constant 0 : i32
        %dma_wait3A_63 = arith.constant 0 : i32
        %dma_wait3A_64 = tpu.memref_slice %arg2[%dma_wait3A_62, %dma_wait3A_63] : memref<10240x128xf32, #tpu.memory_space<hbm>> -> memref<128x128xf32, #tpu.memory_space<hbm>>
        %dma_wait3A_65 = arith.constant 0 : i32
        %dma_wait3A_66 = arith.constant 0 : i32
        %dma_wait3A_67 = tpu.memref_slice %arg2[%dma_wait3A_65, %dma_wait3A_66] : memref<10240x128xf32, #tpu.memory_space<hbm>> -> memref<128x128xf32, #tpu.memory_space<hbm>>
        tpu.wait_dma2 semaphore(%arg13 : memref<!tpu.dma_semaphore, #tpu.memory_space<semaphore_mem>>) src(%dma_wait3A_67 : memref<128x128xf32, #tpu.memory_space<hbm>>) dst(%arg10 : memref<128x128xf32, #tpu.memory_space<vmem>>)
        %add3A_68 = arith.constant 1 : i32
        %add3A_69 = arith.addi %mul3A_47, %add3A_68 : i32
        "tpu.region"() ({
          %run_scoped3A_78 = tpu.sem_alloc : memref<!tpu.dma_semaphore, #tpu.memory_space<semaphore_mem>>
          %dma_start3A_79 = arith.constant 0 : i32
          %dma_start3A_80 = tpu.memref_slice %arg8[%add3A_69, %dma_start3A_79] : memref<40x128xi32, #tpu.memory_space<vmem>> -> memref<1x128xi32, #tpu.memory_space<vmem>>
          %dma_start3A_81 = tpu.memref_squeeze %dma_start3A_80 : memref<1x128xi32, #tpu.memory_space<vmem>> -> memref<128xi32, #tpu.memory_space<vmem>>
          %dma_start3A_82 = arith.constant 0 : i32
          %dma_start3A_83 = arith.constant 0 : i32
          %dma_start3A_84 = tpu.memref_slice %arg11[%dma_start3A_82, %dma_start3A_83] : memref<10240x128xf32, #tpu.memory_space<vmem_shared>> -> memref<10240x128xf32, #tpu.memory_space<vmem_shared>>
          tpu.enqueue_indirect_dma source(%arg10 : memref<128x128xf32, #tpu.memory_space<vmem>>) target(%dma_start3A_84 : memref<10240x128xf32, #tpu.memory_space<vmem_shared>>) offsets(%dma_start3A_81 : memref<128xi32, #tpu.memory_space<vmem>>) semaphore(%run_scoped3A_78 : memref<!tpu.dma_semaphore, #tpu.memory_space<semaphore_mem>>) {add = true}
          %dma_wait3A_85 = arith.constant 0 : i32
          %dma_wait3A_86 = tpu.memref_slice %arg8[%add3A_69, %dma_wait3A_85] : memref<40x128xi32, #tpu.memory_space<vmem>> -> memref<1x128xi32, #tpu.memory_space<vmem>>
          %dma_wait3A_87 = tpu.memref_squeeze %dma_wait3A_86 : memref<1x128xi32, #tpu.memory_space<vmem>> -> memref<128xi32, #tpu.memory_space<vmem>>
          %dma_wait3A_88 = arith.constant 0 : i32
          %dma_wait3A_89 = arith.constant 0 : i32
          %dma_wait3A_90 = tpu.memref_slice %arg11[%dma_wait3A_88, %dma_wait3A_89] : memref<10240x128xf32, #tpu.memory_space<vmem_shared>> -> memref<10240x128xf32, #tpu.memory_space<vmem_shared>>
          tpu.wait_indirect_dma semaphore(%run_scoped3A_78 : memref<!tpu.dma_semaphore, #tpu.memory_space<semaphore_mem>>) src(%arg10 : memref<128x128xf32, #tpu.memory_space<vmem>>) dst(%dma_wait3A_90 : memref<10240x128xf32, #tpu.memory_space<vmem_shared>>)
          tpu.yield
        }) : () -> ()
        %add3A_70 = arith.constant 3 : i32
        %add3A_71 = arith.addi %mul3A_47, %add3A_70 : i32
        %dma_start3A_72 = arith.constant 0 : i32
        %dma_start3A_73 = tpu.memref_slice %arg7[%add3A_71, %dma_start3A_72] : memref<40x128xi32, #tpu.memory_space<vmem>> -> memref<1x128xi32, #tpu.memory_space<vmem>>
        %dma_start3A_74 = tpu.memref_squeeze %dma_start3A_73 : memref<1x128xi32, #tpu.memory_space<vmem>> -> memref<128xi32, #tpu.memory_space<vmem>>
        %dma_start3A_75 = arith.constant 0 : i32
        %dma_start3A_76 = arith.constant 0 : i32
        %dma_start3A_77 = tpu.memref_slice %arg2[%dma_start3A_75, %dma_start3A_76] : memref<10240x128xf32, #tpu.memory_space<hbm>> -> memref<10240x128xf32, #tpu.memory_space<hbm>>
        tpu.enqueue_indirect_dma source(%dma_start3A_77 : memref<10240x128xf32, #tpu.memory_space<hbm>>) target(%arg10 : memref<128x128xf32, #tpu.memory_space<vmem>>) offsets(%dma_start3A_74 : memref<128xi32, #tpu.memory_space<vmem>>) semaphore(%arg13 : memref<!tpu.dma_semaphore, #tpu.memory_space<semaphore_mem>>)
      }
      %scan3A_32 = arith.constant 19 : i32
      %dma_wait3A = arith.constant 0 : i32
      %dma_wait3A_33 = arith.constant 0 : i32
      %dma_wait3A_34 = tpu.memref_slice %arg2[%dma_wait3A, %dma_wait3A_33] : memref<10240x128xf32, #tpu.memory_space<hbm>> -> memref<128x128xf32, #tpu.memory_space<hbm>>
      %dma_wait3A_35 = arith.constant 0 : i32
      %dma_wait3A_36 = arith.constant 0 : i32
      %dma_wait3A_37 = tpu.memref_slice %arg2[%dma_wait3A_35, %dma_wait3A_36] : memref<10240x128xf32, #tpu.memory_space<hbm>> -> memref<128x128xf32, #tpu.memory_space<hbm>>
      tpu.wait_dma2 semaphore(%arg12 : memref<!tpu.dma_semaphore, #tpu.memory_space<semaphore_mem>>) src(%dma_wait3A_37 : memref<128x128xf32, #tpu.memory_space<hbm>>) dst(%arg9 : memref<128x128xf32, #tpu.memory_space<vmem>>)
      %run_scoped3A = arith.constant 38 : i32
      "tpu.region"() ({
        %run_scoped3A_45 = tpu.sem_alloc : memref<!tpu.dma_semaphore, #tpu.memory_space<semaphore_mem>>
        %dma_start3A_46 = arith.constant 0 : i32
        %dma_start3A_47 = tpu.memref_slice %arg8[%run_scoped3A, %dma_start3A_46] : memref<40x128xi32, #tpu.memory_space<vmem>> -> memref<1x128xi32, #tpu.memory_space<vmem>>
        %dma_start3A_48 = tpu.memref_squeeze %dma_start3A_47 : memref<1x128xi32, #tpu.memory_space<vmem>> -> memref<128xi32, #tpu.memory_space<vmem>>
        %dma_start3A_49 = arith.constant 0 : i32
        %dma_start3A_50 = arith.constant 0 : i32
        %dma_start3A_51 = tpu.memref_slice %arg11[%dma_start3A_49, %dma_start3A_50] : memref<10240x128xf32, #tpu.memory_space<vmem_shared>> -> memref<10240x128xf32, #tpu.memory_space<vmem_shared>>
        tpu.enqueue_indirect_dma source(%arg9 : memref<128x128xf32, #tpu.memory_space<vmem>>) target(%dma_start3A_51 : memref<10240x128xf32, #tpu.memory_space<vmem_shared>>) offsets(%dma_start3A_48 : memref<128xi32, #tpu.memory_space<vmem>>) semaphore(%run_scoped3A_45 : memref<!tpu.dma_semaphore, #tpu.memory_space<semaphore_mem>>) {add = true}
        %dma_wait3A_52 = arith.constant 0 : i32
        %dma_wait3A_53 = tpu.memref_slice %arg8[%run_scoped3A, %dma_wait3A_52] : memref<40x128xi32, #tpu.memory_space<vmem>> -> memref<1x128xi32, #tpu.memory_space<vmem>>
        %dma_wait3A_54 = tpu.memref_squeeze %dma_wait3A_53 : memref<1x128xi32, #tpu.memory_space<vmem>> -> memref<128xi32, #tpu.memory_space<vmem>>
        %dma_wait3A_55 = arith.constant 0 : i32
        %dma_wait3A_56 = arith.constant 0 : i32
        %dma_wait3A_57 = tpu.memref_slice %arg11[%dma_wait3A_55, %dma_wait3A_56] : memref<10240x128xf32, #tpu.memory_space<vmem_shared>> -> memref<10240x128xf32, #tpu.memory_space<vmem_shared>>
        tpu.wait_indirect_dma semaphore(%run_scoped3A_45 : memref<!tpu.dma_semaphore, #tpu.memory_space<semaphore_mem>>) src(%arg9 : memref<128x128xf32, #tpu.memory_space<vmem>>) dst(%dma_wait3A_57 : memref<10240x128xf32, #tpu.memory_space<vmem_shared>>)
        tpu.yield
      }) : () -> ()
      %dma_wait3A_38 = arith.constant 0 : i32
      %dma_wait3A_39 = arith.constant 0 : i32
      %dma_wait3A_40 = tpu.memref_slice %arg2[%dma_wait3A_38, %dma_wait3A_39] : memref<10240x128xf32, #tpu.memory_space<hbm>> -> memref<128x128xf32, #tpu.memory_space<hbm>>
      %dma_wait3A_41 = arith.constant 0 : i32
      %dma_wait3A_42 = arith.constant 0 : i32
      %dma_wait3A_43 = tpu.memref_slice %arg2[%dma_wait3A_41, %dma_wait3A_42] : memref<10240x128xf32, #tpu.memory_space<hbm>> -> memref<128x128xf32, #tpu.memory_space<hbm>>
      tpu.wait_dma2 semaphore(%arg13 : memref<!tpu.dma_semaphore, #tpu.memory_space<semaphore_mem>>) src(%dma_wait3A_43 : memref<128x128xf32, #tpu.memory_space<hbm>>) dst(%arg10 : memref<128x128xf32, #tpu.memory_space<vmem>>)
      %run_scoped3A_44 = arith.constant 39 : i32
      "tpu.region"() ({
        %run_scoped3A_45 = tpu.sem_alloc : memref<!tpu.dma_semaphore, #tpu.memory_space<semaphore_mem>>
        %dma_start3A_46 = arith.constant 0 : i32
        %dma_start3A_47 = tpu.memref_slice %arg8[%run_scoped3A_44, %dma_start3A_46] : memref<40x128xi32, #tpu.memory_space<vmem>> -> memref<1x128xi32, #tpu.memory_space<vmem>>
        %dma_start3A_48 = tpu.memref_squeeze %dma_start3A_47 : memref<1x128xi32, #tpu.memory_space<vmem>> -> memref<128xi32, #tpu.memory_space<vmem>>
        %dma_start3A_49 = arith.constant 0 : i32
        %dma_start3A_50 = arith.constant 0 : i32
        %dma_start3A_51 = tpu.memref_slice %arg11[%dma_start3A_49, %dma_start3A_50] : memref<10240x128xf32, #tpu.memory_space<vmem_shared>> -> memref<10240x128xf32, #tpu.memory_space<vmem_shared>>
        tpu.enqueue_indirect_dma source(%arg10 : memref<128x128xf32, #tpu.memory_space<vmem>>) target(%dma_start3A_51 : memref<10240x128xf32, #tpu.memory_space<vmem_shared>>) offsets(%dma_start3A_48 : memref<128xi32, #tpu.memory_space<vmem>>) semaphore(%run_scoped3A_45 : memref<!tpu.dma_semaphore, #tpu.memory_space<semaphore_mem>>) {add = true}
        %dma_wait3A_52 = arith.constant 0 : i32
        %dma_wait3A_53 = tpu.memref_slice %arg8[%run_scoped3A_44, %dma_wait3A_52] : memref<40x128xi32, #tpu.memory_space<vmem>> -> memref<1x128xi32, #tpu.memory_space<vmem>>
        %dma_wait3A_54 = tpu.memref_squeeze %dma_wait3A_53 : memref<1x128xi32, #tpu.memory_space<vmem>> -> memref<128xi32, #tpu.memory_space<vmem>>
        %dma_wait3A_55 = arith.constant 0 : i32
        %dma_wait3A_56 = arith.constant 0 : i32
        %dma_wait3A_57 = tpu.memref_slice %arg11[%dma_wait3A_55, %dma_wait3A_56] : memref<10240x128xf32, #tpu.memory_space<vmem_shared>> -> memref<10240x128xf32, #tpu.memory_space<vmem_shared>>
        tpu.wait_indirect_dma semaphore(%run_scoped3A_45 : memref<!tpu.dma_semaphore, #tpu.memory_space<semaphore_mem>>) src(%arg10 : memref<128x128xf32, #tpu.memory_space<vmem>>) dst(%dma_wait3A_57 : memref<10240x128xf32, #tpu.memory_space<vmem_shared>>)
        tpu.yield
      }) : () -> ()
    }
    %scan3A_7 = arith.constant 2 : i32
    %barrier3A_8 = arith.constant 0 : index
    tpu.barrier barrier_id(%barrier3A_8)
    "tpu.region"() ({
      %run_scoped3A = tpu.sem_alloc : memref<!tpu.dma_semaphore, #tpu.memory_space<semaphore_mem>>
      %dma_start3A = arith.constant 0 : i32
      %dma_start3A_9 = tpu.memref_slice %arg6[%arg0, %mul3A_2, %dma_start3A] : memref<2x10240x128xf32, #tpu.memory_space<hbm>> -> memref<1x640x128xf32, #tpu.memory_space<hbm>>
      %dma_start3A_10 = tpu.memref_squeeze %dma_start3A_9 : memref<1x640x128xf32, #tpu.memory_space<hbm>> -> memref<640x128xf32, #tpu.memory_space<hbm>>
      %dma_start3A_11 = arith.constant 0 : i32
      %dma_start3A_12 = tpu.memref_slice %arg11[%mul3A_2, %dma_start3A_11] : memref<10240x128xf32, #tpu.memory_space<vmem_shared>> -> memref<640x128xf32, #tpu.memory_space<vmem_shared>>
      tpu.enqueue_dma source(%dma_start3A_12 : memref<640x128xf32, #tpu.memory_space<vmem_shared>>) target(%dma_start3A_10 : memref<640x128xf32, #tpu.memory_space<hbm>>) target_semaphore(%run_scoped3A : memref<!tpu.dma_semaphore, #tpu.memory_space<semaphore_mem>>)
      %dma_wait3A = arith.constant 0 : i32
      %dma_wait3A_13 = tpu.memref_slice %arg6[%arg0, %mul3A_2, %dma_wait3A] : memref<2x10240x128xf32, #tpu.memory_space<hbm>> -> memref<1x640x128xf32, #tpu.memory_space<hbm>>
      %dma_wait3A_14 = tpu.memref_squeeze %dma_wait3A_13 : memref<1x640x128xf32, #tpu.memory_space<hbm>> -> memref<640x128xf32, #tpu.memory_space<hbm>>
      %dma_wait3A_15 = arith.constant 0 : i32
      %dma_wait3A_16 = tpu.memref_slice %arg11[%mul3A_2, %dma_wait3A_15] : memref<10240x128xf32, #tpu.memory_space<vmem_shared>> -> memref<640x128xf32, #tpu.memory_space<vmem_shared>>
      tpu.wait_dma2 semaphore(%run_scoped3A : memref<!tpu.dma_semaphore, #tpu.memory_space<semaphore_mem>>) src(%dma_wait3A_16 : memref<640x128xf32, #tpu.memory_space<vmem_shared>>) dst(%dma_wait3A_14 : memref<640x128xf32, #tpu.memory_space<hbm>>)
      tpu.yield
    }) : () -> ()
    return
  }
}

#map = affine_map<(d0, d1) -> (0, 0)>
#map1 = affine_map<(d0, d1) -> (0, 0, 0)>
module attributes {stable_mosaic.version = 14 : i64} {
  func.func @body(%arg0: i32, %arg1: i32, %arg2: memref<10240x128xf32, #tpu.memory_space<hbm>>, %arg3: memref<32x80x128xi32, #tpu.memory_space<hbm>>, %arg4: memref<32x80x128xi32, #tpu.memory_space<hbm>>, %arg5: memref<10240x128xf32, #tpu.memory_space<hbm>>, %arg6: memref<2x10240x128xf32, #tpu.memory_space<hbm>>, %arg7: memref<40x128xi32, #tpu.memory_space<vmem>>, %arg8: memref<40x128xi32, #tpu.memory_space<vmem>>, %arg9: memref<128x128xf32, #tpu.memory_space<vmem>>, %arg10: memref<128x128xf32, #tpu.memory_space<vmem>>, %arg11: memref<10240x128xf32, #tpu.memory_space<vmem_shared>>, %arg12: memref<!tpu.dma_semaphore, #tpu.memory_space<semaphore_mem>>, %arg13: memref<!tpu.dma_semaphore, #tpu.memory_space<semaphore_mem>>) attributes {dimension_semantics = [#tpu.dimension_semantics<core_parallel>, #tpu.dimension_semantics<subcore_parallel>], iteration_bounds = array<i64: 2, 16>, scalar_prefetch = 0 : i64, scratch_operands = 7 : i64, tpu.core_type = #tpu.core_type<sc_vector_subcore>, window_params = [{transform_indices = #map}, {transform_indices = #map1}, {transform_indices = #map1}, {transform_indices = #map}, {transform_indices = #map1}]} {
    %mul3A = arith.constant 16 : i32
    %mul3A_0 = arith.muli %arg0, %mul3A : i32
    %add3A = arith.addi %mul3A_0, %arg1 : i32
    %mul3A_1 = arith.constant 640 : i32
    %mul3A_2 = arith.muli %arg1, %mul3A_1 : i32
    "tpu.region"() ({
      %run_scoped3A = tpu.sem_alloc : memref<!tpu.dma_semaphore, #tpu.memory_space<semaphore_mem>>
      %dma_start3A = arith.constant 0 : i32
      %dma_start3A_9 = tpu.memref_slice %arg11[%mul3A_2, %dma_start3A] : memref<10240x128xf32, #tpu.memory_space<vmem_shared>> -> memref<640x128xf32, #tpu.memory_space<vmem_shared>>
      %dma_start3A_10 = arith.constant 0 : i32
      %dma_start3A_11 = tpu.memref_slice %arg5[%mul3A_2, %dma_start3A_10] : memref<10240x128xf32, #tpu.memory_space<hbm>> -> memref<640x128xf32, #tpu.memory_space<hbm>>
      tpu.enqueue_dma source(%dma_start3A_11 : memref<640x128xf32, #tpu.memory_space<hbm>>) target(%dma_start3A_9 : memref<640x128xf32, #tpu.memory_space<vmem_shared>>) target_semaphore(%run_scoped3A : memref<!tpu.dma_semaphore, #tpu.memory_space<semaphore_mem>>)
      %dma_wait3A = arith.constant 0 : i32
      %dma_wait3A_12 = tpu.memref_slice %arg11[%mul3A_2, %dma_wait3A] : memref<10240x128xf32, #tpu.memory_space<vmem_shared>> -> memref<640x128xf32, #tpu.memory_space<vmem_shared>>
      %dma_wait3A_13 = arith.constant 0 : i32
      %dma_wait3A_14 = tpu.memref_slice %arg5[%mul3A_2, %dma_wait3A_13] : memref<10240x128xf32, #tpu.memory_space<hbm>> -> memref<640x128xf32, #tpu.memory_space<hbm>>
      tpu.wait_dma2 semaphore(%run_scoped3A : memref<!tpu.dma_semaphore, #tpu.memory_space<semaphore_mem>>) src(%dma_wait3A_14 : memref<640x128xf32, #tpu.memory_space<hbm>>) dst(%dma_wait3A_12 : memref<640x128xf32, #tpu.memory_space<vmem_shared>>)
      tpu.yield
    }) : () -> ()
    %barrier3A = arith.constant 0 : index
    tpu.barrier barrier_id(%barrier3A)
    %scan3A = arith.constant 0 : i32
    %scan3A_3 = arith.constant 0 : i32
    %scan3A_4 = arith.constant 2 : i32
    %scan3A_5 = arith.addi %scan3A_3, %scan3A_4 : i32
    %scan3A_6 = arith.constant 1 : i32
    scf.for %scan3A_9 = %scan3A_3 to %scan3A_5 step %scan3A_6  : i32 {
      %mul3A_10 = arith.constant 40 : i32
      %mul3A_11 = arith.muli %scan3A_9, %mul3A_10 : i32
      "tpu.region"() ({
        %run_scoped3A_45 = tpu.sem_alloc : memref<!tpu.dma_semaphore, #tpu.memory_space<semaphore_mem>>
        %dma_start3A_46 = arith.constant 0 : i32
        %dma_start3A_47 = tpu.memref_slice %arg3[%add3A, %mul3A_11, %dma_start3A_46] : memref<32x80x128xi32, #tpu.memory_space<hbm>> -> memref<1x40x128xi32, #tpu.memory_space<hbm>>
        %dma_start3A_48 = tpu.memref_squeeze %dma_start3A_47 : memref<1x40x128xi32, #tpu.memory_space<hbm>> -> memref<40x128xi32, #tpu.memory_space<hbm>>
        %dma_start3A_49 = arith.constant 0 : i32
        %dma_start3A_50 = tpu.memref_slice %arg3[%add3A, %mul3A_11, %dma_start3A_49] : memref<32x80x128xi32, #tpu.memory_space<hbm>> -> memref<1x40x128xi32, #tpu.memory_space<hbm>>
        %dma_start3A_51 = tpu.memref_squeeze %dma_start3A_50 : memref<1x40x128xi32, #tpu.memory_space<hbm>> -> memref<40x128xi32, #tpu.memory_space<hbm>>
        tpu.enqueue_dma source(%dma_start3A_51 : memref<40x128xi32, #tpu.memory_space<hbm>>) target(%arg7 : memref<40x128xi32, #tpu.memory_space<vmem>>) target_semaphore(%run_scoped3A_45 : memref<!tpu.dma_semaphore, #tpu.memory_space<semaphore_mem>>)
        %dma_wait3A_52 = arith.constant 0 : i32
        %dma_wait3A_53 = tpu.memref_slice %arg3[%add3A, %mul3A_11, %dma_wait3A_52] : memref<32x80x128xi32, #tpu.memory_space<hbm>> -> memref<1x40x128xi32, #tpu.memory_space<hbm>>
        %dma_wait3A_54 = tpu.memref_squeeze %dma_wait3A_53 : memref<1x40x128xi32, #tpu.memory_space<hbm>> -> memref<40x128xi32, #tpu.memory_space<hbm>>
        %dma_wait3A_55 = arith.constant 0 : i32
        %dma_wait3A_56 = tpu.memref_slice %arg3[%add3A, %mul3A_11, %dma_wait3A_55] : memref<32x80x128xi32, #tpu.memory_space<hbm>> -> memref<1x40x128xi32, #tpu.memory_space<hbm>>
        %dma_wait3A_57 = tpu.memref_squeeze %dma_wait3A_56 : memref<1x40x128xi32, #tpu.memory_space<hbm>> -> memref<40x128xi32, #tpu.memory_space<hbm>>
        tpu.wait_dma2 semaphore(%run_scoped3A_45 : memref<!tpu.dma_semaphore, #tpu.memory_space<semaphore_mem>>) src(%dma_wait3A_57 : memref<40x128xi32, #tpu.memory_space<hbm>>) dst(%arg7 : memref<40x128xi32, #tpu.memory_space<vmem>>)
        tpu.yield
      }) : () -> ()
      %mul3A_12 = arith.constant 40 : i32
      %mul3A_13 = arith.muli %scan3A_9, %mul3A_12 : i32
      "tpu.region"() ({
        %run_scoped3A_45 = tpu.sem_alloc : memref<!tpu.dma_semaphore, #tpu.memory_space<semaphore_mem>>
        %dma_start3A_46 = arith.constant 0 : i32
        %dma_start3A_47 = tpu.memref_slice %arg4[%add3A, %mul3A_13, %dma_start3A_46] : memref<32x80x128xi32, #tpu.memory_space<hbm>> -> memref<1x40x128xi32, #tpu.memory_space<hbm>>
        %dma_start3A_48 = tpu.memref_squeeze %dma_start3A_47 : memref<1x40x128xi32, #tpu.memory_space<hbm>> -> memref<40x128xi32, #tpu.memory_space<hbm>>
        %dma_start3A_49 = arith.constant 0 : i32
        %dma_start3A_50 = tpu.memref_slice %arg4[%add3A, %mul3A_13, %dma_start3A_49] : memref<32x80x128xi32, #tpu.memory_space<hbm>> -> memref<1x40x128xi32, #tpu.memory_space<hbm>>
        %dma_start3A_51 = tpu.memref_squeeze %dma_start3A_50 : memref<1x40x128xi32, #tpu.memory_space<hbm>> -> memref<40x128xi32, #tpu.memory_space<hbm>>
        tpu.enqueue_dma source(%dma_start3A_51 : memref<40x128xi32, #tpu.memory_space<hbm>>) target(%arg8 : memref<40x128xi32, #tpu.memory_space<vmem>>) target_semaphore(%run_scoped3A_45 : memref<!tpu.dma_semaphore, #tpu.memory_space<semaphore_mem>>)
        %dma_wait3A_52 = arith.constant 0 : i32
        %dma_wait3A_53 = tpu.memref_slice %arg4[%add3A, %mul3A_13, %dma_wait3A_52] : memref<32x80x128xi32, #tpu.memory_space<hbm>> -> memref<1x40x128xi32, #tpu.memory_space<hbm>>
        %dma_wait3A_54 = tpu.memref_squeeze %dma_wait3A_53 : memref<1x40x128xi32, #tpu.memory_space<hbm>> -> memref<40x128xi32, #tpu.memory_space<hbm>>
        %dma_wait3A_55 = arith.constant 0 : i32
        %dma_wait3A_56 = tpu.memref_slice %arg4[%add3A, %mul3A_13, %dma_wait3A_55] : memref<32x80x128xi32, #tpu.memory_space<hbm>> -> memref<1x40x128xi32, #tpu.memory_space<hbm>>
        %dma_wait3A_57 = tpu.memref_squeeze %dma_wait3A_56 : memref<1x40x128xi32, #tpu.memory_space<hbm>> -> memref<40x128xi32, #tpu.memory_space<hbm>>
        tpu.wait_dma2 semaphore(%run_scoped3A_45 : memref<!tpu.dma_semaphore, #tpu.memory_space<semaphore_mem>>) src(%dma_wait3A_57 : memref<40x128xi32, #tpu.memory_space<hbm>>) dst(%arg8 : memref<40x128xi32, #tpu.memory_space<vmem>>)
        tpu.yield
      }) : () -> ()
      %dma_start3A = arith.constant 0 : i32
      %dma_start3A_14 = arith.constant 0 : i32
      %dma_start3A_15 = tpu.memref_slice %arg7[%dma_start3A, %dma_start3A_14] : memref<40x128xi32, #tpu.memory_space<vmem>> -> memref<1x128xi32, #tpu.memory_space<vmem>>
      %dma_start3A_16 = tpu.memref_squeeze %dma_start3A_15 : memref<1x128xi32, #tpu.memory_space<vmem>> -> memref<128xi32, #tpu.memory_space<vmem>>
      %dma_start3A_17 = arith.constant 0 : i32
      %dma_start3A_18 = arith.constant 0 : i32
      %dma_start3A_19 = tpu.memref_slice %arg2[%dma_start3A_17, %dma_start3A_18] : memref<10240x128xf32, #tpu.memory_space<hbm>> -> memref<10240x128xf32, #tpu.memory_space<hbm>>
      tpu.enqueue_indirect_dma source(%dma_start3A_19 : memref<10240x128xf32, #tpu.memory_space<hbm>>) target(%arg9 : memref<128x128xf32, #tpu.memory_space<vmem>>) offsets(%dma_start3A_16 : memref<128xi32, #tpu.memory_space<vmem>>) semaphore(%arg12 : memref<!tpu.dma_semaphore, #tpu.memory_space<semaphore_mem>>)
      %dma_start3A_20 = arith.constant 1 : i32
      %dma_start3A_21 = arith.constant 0 : i32
      %dma_start3A_22 = tpu.memref_slice %arg7[%dma_start3A_20, %dma_start3A_21] : memref<40x128xi32, #tpu.memory_space<vmem>> -> memref<1x128xi32, #tpu.memory_space<vmem>>
      %dma_start3A_23 = tpu.memref_squeeze %dma_start3A_22 : memref<1x128xi32, #tpu.memory_space<vmem>> -> memref<128xi32, #tpu.memory_space<vmem>>
      %dma_start3A_24 = arith.constant 0 : i32
      %dma_start3A_25 = arith.constant 0 : i32
      %dma_start3A_26 = tpu.memref_slice %arg2[%dma_start3A_24, %dma_start3A_25] : memref<10240x128xf32, #tpu.memory_space<hbm>> -> memref<10240x128xf32, #tpu.memory_space<hbm>>
      tpu.enqueue_indirect_dma source(%dma_start3A_26 : memref<10240x128xf32, #tpu.memory_space<hbm>>) target(%arg10 : memref<128x128xf32, #tpu.memory_space<vmem>>) offsets(%dma_start3A_23 : memref<128xi32, #tpu.memory_space<vmem>>) semaphore(%arg13 : memref<!tpu.dma_semaphore, #tpu.memory_space<semaphore_mem>>)
      %scan3A_27 = arith.constant 0 : i32
      %scan3A_28 = arith.constant 0 : i32
      %scan3A_29 = arith.constant 19 : i32
      %scan3A_30 = arith.addi %scan3A_28, %scan3A_29 : i32
      %scan3A_31 = arith.constant 1 : i32
      scf.for %scan3A_45 = %scan3A_28 to %scan3A_30 step %scan3A_31  : i32 {
        %mul3A_46 = arith.constant 2 : i32
        %mul3A_47 = arith.muli %mul3A_46, %scan3A_45 : i32
        %dma_wait3A_48 = arith.constant 0 : i32
        %dma_wait3A_49 = arith.constant 0 : i32
        %dma_wait3A_50 = tpu.memref_slice %arg2[%dma_wait3A_48, %dma_wait3A_49] : memref<10240x128xf32, #tpu.memory_space<hbm>> -> memref<128x128xf32, #tpu.memory_space<hbm>>
        %dma_wait3A_51 = arith.constant 0 : i32
        %dma_wait3A_52 = arith.constant 0 : i32
        %dma_wait3A_53 = tpu.memref_slice %arg2[%dma_wait3A_51, %dma_wait3A_52] : memref<10240x128xf32, #tpu.memory_space<hbm>> -> memref<128x128xf32, #tpu.memory_space<hbm>>
        tpu.wait_dma2 semaphore(%arg12 : memref<!tpu.dma_semaphore, #tpu.memory_space<semaphore_mem>>) src(%dma_wait3A_53 : memref<128x128xf32, #tpu.memory_space<hbm>>) dst(%arg9 : memref<128x128xf32, #tpu.memory_space<vmem>>)
        "tpu.region"() ({
          %run_scoped3A_78 = tpu.sem_alloc : memref<!tpu.dma_semaphore, #tpu.memory_space<semaphore_mem>>
          %dma_start3A_79 = arith.constant 0 : i32
          %dma_start3A_80 = tpu.memref_slice %arg8[%mul3A_47, %dma_start3A_79] : memref<40x128xi32, #tpu.memory_space<vmem>> -> memref<1x128xi32, #tpu.memory_space<vmem>>
          %dma_start3A_81 = tpu.memref_squeeze %dma_start3A_80 : memref<1x128xi32, #tpu.memory_space<vmem>> -> memref<128xi32, #tpu.memory_space<vmem>>
          %dma_start3A_82 = arith.constant 0 : i32
          %dma_start3A_83 = arith.constant 0 : i32
          %dma_start3A_84 = tpu.memref_slice %arg11[%dma_start3A_82, %dma_start3A_83] : memref<10240x128xf32, #tpu.memory_space<vmem_shared>> -> memref<10240x128xf32, #tpu.memory_space<vmem_shared>>
          tpu.enqueue_indirect_dma source(%arg9 : memref<128x128xf32, #tpu.memory_space<vmem>>) target(%dma_start3A_84 : memref<10240x128xf32, #tpu.memory_space<vmem_shared>>) offsets(%dma_start3A_81 : memref<128xi32, #tpu.memory_space<vmem>>) semaphore(%run_scoped3A_78 : memref<!tpu.dma_semaphore, #tpu.memory_space<semaphore_mem>>) {add = true}
          %dma_wait3A_85 = arith.constant 0 : i32
          %dma_wait3A_86 = tpu.memref_slice %arg8[%mul3A_47, %dma_wait3A_85] : memref<40x128xi32, #tpu.memory_space<vmem>> -> memref<1x128xi32, #tpu.memory_space<vmem>>
          %dma_wait3A_87 = tpu.memref_squeeze %dma_wait3A_86 : memref<1x128xi32, #tpu.memory_space<vmem>> -> memref<128xi32, #tpu.memory_space<vmem>>
          %dma_wait3A_88 = arith.constant 0 : i32
          %dma_wait3A_89 = arith.constant 0 : i32
          %dma_wait3A_90 = tpu.memref_slice %arg11[%dma_wait3A_88, %dma_wait3A_89] : memref<10240x128xf32, #tpu.memory_space<vmem_shared>> -> memref<10240x128xf32, #tpu.memory_space<vmem_shared>>
          tpu.wait_indirect_dma semaphore(%run_scoped3A_78 : memref<!tpu.dma_semaphore, #tpu.memory_space<semaphore_mem>>) src(%arg9 : memref<128x128xf32, #tpu.memory_space<vmem>>) dst(%dma_wait3A_90 : memref<10240x128xf32, #tpu.memory_space<vmem_shared>>)
          tpu.yield
        }) : () -> ()
        %add3A_54 = arith.constant 2 : i32
        %add3A_55 = arith.addi %mul3A_47, %add3A_54 : i32
        %dma_start3A_56 = arith.constant 0 : i32
        %dma_start3A_57 = tpu.memref_slice %arg7[%add3A_55, %dma_start3A_56] : memref<40x128xi32, #tpu.memory_space<vmem>> -> memref<1x128xi32, #tpu.memory_space<vmem>>
        %dma_start3A_58 = tpu.memref_squeeze %dma_start3A_57 : memref<1x128xi32, #tpu.memory_space<vmem>> -> memref<128xi32, #tpu.memory_space<vmem>>
        %dma_start3A_59 = arith.constant 0 : i32
        %dma_start3A_60 = arith.constant 0 : i32
        %dma_start3A_61 = tpu.memref_slice %arg2[%dma_start3A_59, %dma_start3A_60] : memref<10240x128xf32, #tpu.memory_space<hbm>> -> memref<10240x128xf32, #tpu.memory_space<hbm>>
        tpu.enqueue_indirect_dma source(%dma_start3A_61 : memref<10240x128xf32, #tpu.memory_space<hbm>>) target(%arg9 : memref<128x128xf32, #tpu.memory_space<vmem>>) offsets(%dma_start3A_58 : memref<128xi32, #tpu.memory_space<vmem>>) semaphore(%arg12 : memref<!tpu.dma_semaphore, #tpu.memory_space<semaphore_mem>>)
        %dma_wait3A_62 = arith.constant 0 : i32
        %dma_wait3A_63 = arith.constant 0 : i32
        %dma_wait3A_64 = tpu.memref_slice %arg2[%dma_wait3A_62, %dma_wait3A_63] : memref<10240x128xf32, #tpu.memory_space<hbm>> -> memref<128x128xf32, #tpu.memory_space<hbm>>
        %dma_wait3A_65 = arith.constant 0 : i32
        %dma_wait3A_66 = arith.constant 0 : i32
        %dma_wait3A_67 = tpu.memref_slice %arg2[%dma_wait3A_65, %dma_wait3A_66] : memref<10240x128xf32, #tpu.memory_space<hbm>> -> memref<128x128xf32, #tpu.memory_space<hbm>>
        tpu.wait_dma2 semaphore(%arg13 : memref<!tpu.dma_semaphore, #tpu.memory_space<semaphore_mem>>) src(%dma_wait3A_67 : memref<128x128xf32, #tpu.memory_space<hbm>>) dst(%arg10 : memref<128x128xf32, #tpu.memory_space<vmem>>)
        %add3A_68 = arith.constant 1 : i32
        %add3A_69 = arith.addi %mul3A_47, %add3A_68 : i32
        "tpu.region"() ({
          %run_scoped3A_78 = tpu.sem_alloc : memref<!tpu.dma_semaphore, #tpu.memory_space<semaphore_mem>>
          %dma_start3A_79 = arith.constant 0 : i32
          %dma_start3A_80 = tpu.memref_slice %arg8[%add3A_69, %dma_start3A_79] : memref<40x128xi32, #tpu.memory_space<vmem>> -> memref<1x128xi32, #tpu.memory_space<vmem>>
          %dma_start3A_81 = tpu.memref_squeeze %dma_start3A_80 : memref<1x128xi32, #tpu.memory_space<vmem>> -> memref<128xi32, #tpu.memory_space<vmem>>
          %dma_start3A_82 = arith.constant 0 : i32
          %dma_start3A_83 = arith.constant 0 : i32
          %dma_start3A_84 = tpu.memref_slice %arg11[%dma_start3A_82, %dma_start3A_83] : memref<10240x128xf32, #tpu.memory_space<vmem_shared>> -> memref<10240x128xf32, #tpu.memory_space<vmem_shared>>
          tpu.enqueue_indirect_dma source(%arg10 : memref<128x128xf32, #tpu.memory_space<vmem>>) target(%dma_start3A_84 : memref<10240x128xf32, #tpu.memory_space<vmem_shared>>) offsets(%dma_start3A_81 : memref<128xi32, #tpu.memory_space<vmem>>) semaphore(%run_scoped3A_78 : memref<!tpu.dma_semaphore, #tpu.memory_space<semaphore_mem>>) {add = true}
          %dma_wait3A_85 = arith.constant 0 : i32
          %dma_wait3A_86 = tpu.memref_slice %arg8[%add3A_69, %dma_wait3A_85] : memref<40x128xi32, #tpu.memory_space<vmem>> -> memref<1x128xi32, #tpu.memory_space<vmem>>
          %dma_wait3A_87 = tpu.memref_squeeze %dma_wait3A_86 : memref<1x128xi32, #tpu.memory_space<vmem>> -> memref<128xi32, #tpu.memory_space<vmem>>
          %dma_wait3A_88 = arith.constant 0 : i32
          %dma_wait3A_89 = arith.constant 0 : i32
          %dma_wait3A_90 = tpu.memref_slice %arg11[%dma_wait3A_88, %dma_wait3A_89] : memref<10240x128xf32, #tpu.memory_space<vmem_shared>> -> memref<10240x128xf32, #tpu.memory_space<vmem_shared>>
          tpu.wait_indirect_dma semaphore(%run_scoped3A_78 : memref<!tpu.dma_semaphore, #tpu.memory_space<semaphore_mem>>) src(%arg10 : memref<128x128xf32, #tpu.memory_space<vmem>>) dst(%dma_wait3A_90 : memref<10240x128xf32, #tpu.memory_space<vmem_shared>>)
          tpu.yield
        }) : () -> ()
        %add3A_70 = arith.constant 3 : i32
        %add3A_71 = arith.addi %mul3A_47, %add3A_70 : i32
        %dma_start3A_72 = arith.constant 0 : i32
        %dma_start3A_73 = tpu.memref_slice %arg7[%add3A_71, %dma_start3A_72] : memref<40x128xi32, #tpu.memory_space<vmem>> -> memref<1x128xi32, #tpu.memory_space<vmem>>
        %dma_start3A_74 = tpu.memref_squeeze %dma_start3A_73 : memref<1x128xi32, #tpu.memory_space<vmem>> -> memref<128xi32, #tpu.memory_space<vmem>>
        %dma_start3A_75 = arith.constant 0 : i32
        %dma_start3A_76 = arith.constant 0 : i32
        %dma_start3A_77 = tpu.memref_slice %arg2[%dma_start3A_75, %dma_start3A_76] : memref<10240x128xf32, #tpu.memory_space<hbm>> -> memref<10240x128xf32, #tpu.memory_space<hbm>>
        tpu.enqueue_indirect_dma source(%dma_start3A_77 : memref<10240x128xf32, #tpu.memory_space<hbm>>) target(%arg10 : memref<128x128xf32, #tpu.memory_space<vmem>>) offsets(%dma_start3A_74 : memref<128xi32, #tpu.memory_space<vmem>>) semaphore(%arg13 : memref<!tpu.dma_semaphore, #tpu.memory_space<semaphore_mem>>)
      }
      %scan3A_32 = arith.constant 19 : i32
      %dma_wait3A = arith.constant 0 : i32
      %dma_wait3A_33 = arith.constant 0 : i32
      %dma_wait3A_34 = tpu.memref_slice %arg2[%dma_wait3A, %dma_wait3A_33] : memref<10240x128xf32, #tpu.memory_space<hbm>> -> memref<128x128xf32, #tpu.memory_space<hbm>>
      %dma_wait3A_35 = arith.constant 0 : i32
      %dma_wait3A_36 = arith.constant 0 : i32
      %dma_wait3A_37 = tpu.memref_slice %arg2[%dma_wait3A_35, %dma_wait3A_36] : memref<10240x128xf32, #tpu.memory_space<hbm>> -> memref<128x128xf32, #tpu.memory_space<hbm>>
      tpu.wait_dma2 semaphore(%arg12 : memref<!tpu.dma_semaphore, #tpu.memory_space<semaphore_mem>>) src(%dma_wait3A_37 : memref<128x128xf32, #tpu.memory_space<hbm>>) dst(%arg9 : memref<128x128xf32, #tpu.memory_space<vmem>>)
      %run_scoped3A = arith.constant 38 : i32
      "tpu.region"() ({
        %run_scoped3A_45 = tpu.sem_alloc : memref<!tpu.dma_semaphore, #tpu.memory_space<semaphore_mem>>
        %dma_start3A_46 = arith.constant 0 : i32
        %dma_start3A_47 = tpu.memref_slice %arg8[%run_scoped3A, %dma_start3A_46] : memref<40x128xi32, #tpu.memory_space<vmem>> -> memref<1x128xi32, #tpu.memory_space<vmem>>
        %dma_start3A_48 = tpu.memref_squeeze %dma_start3A_47 : memref<1x128xi32, #tpu.memory_space<vmem>> -> memref<128xi32, #tpu.memory_space<vmem>>
        %dma_start3A_49 = arith.constant 0 : i32
        %dma_start3A_50 = arith.constant 0 : i32
        %dma_start3A_51 = tpu.memref_slice %arg11[%dma_start3A_49, %dma_start3A_50] : memref<10240x128xf32, #tpu.memory_space<vmem_shared>> -> memref<10240x128xf32, #tpu.memory_space<vmem_shared>>
        tpu.enqueue_indirect_dma source(%arg9 : memref<128x128xf32, #tpu.memory_space<vmem>>) target(%dma_start3A_51 : memref<10240x128xf32, #tpu.memory_space<vmem_shared>>) offsets(%dma_start3A_48 : memref<128xi32, #tpu.memory_space<vmem>>) semaphore(%run_scoped3A_45 : memref<!tpu.dma_semaphore, #tpu.memory_space<semaphore_mem>>) {add = true}
        %dma_wait3A_52 = arith.constant 0 : i32
        %dma_wait3A_53 = tpu.memref_slice %arg8[%run_scoped3A, %dma_wait3A_52] : memref<40x128xi32, #tpu.memory_space<vmem>> -> memref<1x128xi32, #tpu.memory_space<vmem>>
        %dma_wait3A_54 = tpu.memref_squeeze %dma_wait3A_53 : memref<1x128xi32, #tpu.memory_space<vmem>> -> memref<128xi32, #tpu.memory_space<vmem>>
        %dma_wait3A_55 = arith.constant 0 : i32
        %dma_wait3A_56 = arith.constant 0 : i32
        %dma_wait3A_57 = tpu.memref_slice %arg11[%dma_wait3A_55, %dma_wait3A_56] : memref<10240x128xf32, #tpu.memory_space<vmem_shared>> -> memref<10240x128xf32, #tpu.memory_space<vmem_shared>>
        tpu.wait_indirect_dma semaphore(%run_scoped3A_45 : memref<!tpu.dma_semaphore, #tpu.memory_space<semaphore_mem>>) src(%arg9 : memref<128x128xf32, #tpu.memory_space<vmem>>) dst(%dma_wait3A_57 : memref<10240x128xf32, #tpu.memory_space<vmem_shared>>)
        tpu.yield
      }) : () -> ()
      %dma_wait3A_38 = arith.constant 0 : i32
      %dma_wait3A_39 = arith.constant 0 : i32
      %dma_wait3A_40 = tpu.memref_slice %arg2[%dma_wait3A_38, %dma_wait3A_39] : memref<10240x128xf32, #tpu.memory_space<hbm>> -> memref<128x128xf32, #tpu.memory_space<hbm>>
      %dma_wait3A_41 = arith.constant 0 : i32
      %dma_wait3A_42 = arith.constant 0 : i32
      %dma_wait3A_43 = tpu.memref_slice %arg2[%dma_wait3A_41, %dma_wait3A_42] : memref<10240x128xf32, #tpu.memory_space<hbm>> -> memref<128x128xf32, #tpu.memory_space<hbm>>
      tpu.wait_dma2 semaphore(%arg13 : memref<!tpu.dma_semaphore, #tpu.memory_space<semaphore_mem>>) src(%dma_wait3A_43 : memref<128x128xf32, #tpu.memory_space<hbm>>) dst(%arg10 : memref<128x128xf32, #tpu.memory_space<vmem>>)
      %run_scoped3A_44 = arith.constant 39 : i32
      "tpu.region"() ({
        %run_scoped3A_45 = tpu.sem_alloc : memref<!tpu.dma_semaphore, #tpu.memory_space<semaphore_mem>>
        %dma_start3A_46 = arith.constant 0 : i32
        %dma_start3A_47 = tpu.memref_slice %arg8[%run_scoped3A_44, %dma_start3A_46] : memref<40x128xi32, #tpu.memory_space<vmem>> -> memref<1x128xi32, #tpu.memory_space<vmem>>
        %dma_start3A_48 = tpu.memref_squeeze %dma_start3A_47 : memref<1x128xi32, #tpu.memory_space<vmem>> -> memref<128xi32, #tpu.memory_space<vmem>>
        %dma_start3A_49 = arith.constant 0 : i32
        %dma_start3A_50 = arith.constant 0 : i32
        %dma_start3A_51 = tpu.memref_slice %arg11[%dma_start3A_49, %dma_start3A_50] : memref<10240x128xf32, #tpu.memory_space<vmem_shared>> -> memref<10240x128xf32, #tpu.memory_space<vmem_shared>>
        tpu.enqueue_indirect_dma source(%arg10 : memref<128x128xf32, #tpu.memory_space<vmem>>) target(%dma_start3A_51 : memref<10240x128xf32, #tpu.memory_space<vmem_shared>>) offsets(%dma_start3A_48 : memref<128xi32, #tpu.memory_space<vmem>>) semaphore(%run_scoped3A_45 : memref<!tpu.dma_semaphore, #tpu.memory_space<semaphore_mem>>) {add = true}
        %dma_wait3A_52 = arith.constant 0 : i32
        %dma_wait3A_53 = tpu.memref_slice %arg8[%run_scoped3A_44, %dma_wait3A_52] : memref<40x128xi32, #tpu.memory_space<vmem>> -> memref<1x128xi32, #tpu.memory_space<vmem>>
        %dma_wait3A_54 = tpu.memref_squeeze %dma_wait3A_53 : memref<1x128xi32, #tpu.memory_space<vmem>> -> memref<128xi32, #tpu.memory_space<vmem>>
        %dma_wait3A_55 = arith.constant 0 : i32
        %dma_wait3A_56 = arith.constant 0 : i32
        %dma_wait3A_57 = tpu.memref_slice %arg11[%dma_wait3A_55, %dma_wait3A_56] : memref<10240x128xf32, #tpu.memory_space<vmem_shared>> -> memref<10240x128xf32, #tpu.memory_space<vmem_shared>>
        tpu.wait_indirect_dma semaphore(%run_scoped3A_45 : memref<!tpu.dma_semaphore, #tpu.memory_space<semaphore_mem>>) src(%arg10 : memref<128x128xf32, #tpu.memory_space<vmem>>) dst(%dma_wait3A_57 : memref<10240x128xf32, #tpu.memory_space<vmem_shared>>)
        tpu.yield
      }) : () -> ()
    }
    %scan3A_7 = arith.constant 2 : i32
    %barrier3A_8 = arith.constant 0 : index
    tpu.barrier barrier_id(%barrier3A_8)
    "tpu.region"() ({
      %run_scoped3A = tpu.sem_alloc : memref<!tpu.dma_semaphore, #tpu.memory_space<semaphore_mem>>
      %dma_start3A = arith.constant 0 : i32
      %dma_start3A_9 = tpu.memref_slice %arg6[%arg0, %mul3A_2, %dma_start3A] : memref<2x10240x128xf32, #tpu.memory_space<hbm>> -> memref<1x640x128xf32, #tpu.memory_space<hbm>>
      %dma_start3A_10 = tpu.memref_squeeze %dma_start3A_9 : memref<1x640x128xf32, #tpu.memory_space<hbm>> -> memref<640x128xf32, #tpu.memory_space<hbm>>
      %dma_start3A_11 = arith.constant 0 : i32
      %dma_start3A_12 = tpu.memref_slice %arg11[%mul3A_2, %dma_start3A_11] : memref<10240x128xf32, #tpu.memory_space<vmem_shared>> -> memref<640x128xf32, #tpu.memory_space<vmem_shared>>
      tpu.enqueue_dma source(%dma_start3A_12 : memref<640x128xf32, #tpu.memory_space<vmem_shared>>) target(%dma_start3A_10 : memref<640x128xf32, #tpu.memory_space<hbm>>) target_semaphore(%run_scoped3A : memref<!tpu.dma_semaphore, #tpu.memory_space<semaphore_mem>>)
      %dma_wait3A = arith.constant 0 : i32
      %dma_wait3A_13 = tpu.memref_slice %arg6[%arg0, %mul3A_2, %dma_wait3A] : memref<2x10240x128xf32, #tpu.memory_space<hbm>> -> memref<1x640x128xf32, #tpu.memory_space<hbm>>
      %dma_wait3A_14 = tpu.memref_squeeze %dma_wait3A_13 : memref<1x640x128xf32, #tpu.memory_space<hbm>> -> memref<640x128xf32, #tpu.memory_space<hbm>>
      %dma_wait3A_15 = arith.constant 0 : i32
      %dma_wait3A_16 = tpu.memref_slice %arg11[%mul3A_2, %dma_wait3A_15] : memref<10240x128xf32, #tpu.memory_space<vmem_shared>> -> memref<640x128xf32, #tpu.memory_space<vmem_shared>>
      tpu.wait_dma2 semaphore(%run_scoped3A : memref<!tpu.dma_semaphore, #tpu.memory_space<semaphore_mem>>) src(%dma_wait3A_16 : memref<640x128xf32, #tpu.memory_space<vmem_shared>>) dst(%dma_wait3A_14 : memref<640x128xf32, #tpu.memory_space<hbm>>)
      tpu.yield
    }) : () -> ()
    return
  }
}

#map = affine_map<(d0, d1) -> (0, 0)>
#map1 = affine_map<(d0, d1) -> (0, 0, 0)>
module attributes {stable_mosaic.version = 14 : i64} {
  func.func @body(%arg0: i32, %arg1: i32, %arg2: memref<10240x128xf32, #tpu.memory_space<hbm>>, %arg3: memref<32x80x128xi32, #tpu.memory_space<hbm>>, %arg4: memref<32x80x128xi32, #tpu.memory_space<hbm>>, %arg5: memref<10240x128xf32, #tpu.memory_space<hbm>>, %arg6: memref<2x10240x128xf32, #tpu.memory_space<hbm>>, %arg7: memref<40x128xi32, #tpu.memory_space<vmem>>, %arg8: memref<40x128xi32, #tpu.memory_space<vmem>>, %arg9: memref<128x128xf32, #tpu.memory_space<vmem>>, %arg10: memref<128x128xf32, #tpu.memory_space<vmem>>, %arg11: memref<10240x128xf32, #tpu.memory_space<vmem_shared>>, %arg12: memref<!tpu.dma_semaphore, #tpu.memory_space<semaphore_mem>>, %arg13: memref<!tpu.dma_semaphore, #tpu.memory_space<semaphore_mem>>) attributes {dimension_semantics = [#tpu.dimension_semantics<core_parallel>, #tpu.dimension_semantics<subcore_parallel>], iteration_bounds = array<i64: 2, 16>, scalar_prefetch = 0 : i64, scratch_operands = 7 : i64, tpu.core_type = #tpu.core_type<sc_vector_subcore>, window_params = [{transform_indices = #map}, {transform_indices = #map1}, {transform_indices = #map1}, {transform_indices = #map}, {transform_indices = #map1}]} {
    %mul3A = arith.constant 16 : i32
    %mul3A_0 = arith.muli %arg0, %mul3A : i32
    %add3A = arith.addi %mul3A_0, %arg1 : i32
    %mul3A_1 = arith.constant 640 : i32
    %mul3A_2 = arith.muli %arg1, %mul3A_1 : i32
    "tpu.region"() ({
      %run_scoped3A = tpu.sem_alloc : memref<!tpu.dma_semaphore, #tpu.memory_space<semaphore_mem>>
      %dma_start3A = arith.constant 0 : i32
      %dma_start3A_9 = tpu.memref_slice %arg11[%mul3A_2, %dma_start3A] : memref<10240x128xf32, #tpu.memory_space<vmem_shared>> -> memref<640x128xf32, #tpu.memory_space<vmem_shared>>
      %dma_start3A_10 = arith.constant 0 : i32
      %dma_start3A_11 = tpu.memref_slice %arg5[%mul3A_2, %dma_start3A_10] : memref<10240x128xf32, #tpu.memory_space<hbm>> -> memref<640x128xf32, #tpu.memory_space<hbm>>
      tpu.enqueue_dma source(%dma_start3A_11 : memref<640x128xf32, #tpu.memory_space<hbm>>) target(%dma_start3A_9 : memref<640x128xf32, #tpu.memory_space<vmem_shared>>) target_semaphore(%run_scoped3A : memref<!tpu.dma_semaphore, #tpu.memory_space<semaphore_mem>>)
      %dma_wait3A = arith.constant 0 : i32
      %dma_wait3A_12 = tpu.memref_slice %arg11[%mul3A_2, %dma_wait3A] : memref<10240x128xf32, #tpu.memory_space<vmem_shared>> -> memref<640x128xf32, #tpu.memory_space<vmem_shared>>
      %dma_wait3A_13 = arith.constant 0 : i32
      %dma_wait3A_14 = tpu.memref_slice %arg5[%mul3A_2, %dma_wait3A_13] : memref<10240x128xf32, #tpu.memory_space<hbm>> -> memref<640x128xf32, #tpu.memory_space<hbm>>
      tpu.wait_dma2 semaphore(%run_scoped3A : memref<!tpu.dma_semaphore, #tpu.memory_space<semaphore_mem>>) src(%dma_wait3A_14 : memref<640x128xf32, #tpu.memory_space<hbm>>) dst(%dma_wait3A_12 : memref<640x128xf32, #tpu.memory_space<vmem_shared>>)
      tpu.yield
    }) : () -> ()
    %barrier3A = arith.constant 0 : index
    tpu.barrier barrier_id(%barrier3A)
    %scan3A = arith.constant 0 : i32
    %scan3A_3 = arith.constant 0 : i32
    %scan3A_4 = arith.constant 2 : i32
    %scan3A_5 = arith.addi %scan3A_3, %scan3A_4 : i32
    %scan3A_6 = arith.constant 1 : i32
    scf.for %scan3A_9 = %scan3A_3 to %scan3A_5 step %scan3A_6  : i32 {
      %mul3A_10 = arith.constant 40 : i32
      %mul3A_11 = arith.muli %scan3A_9, %mul3A_10 : i32
      "tpu.region"() ({
        %run_scoped3A_45 = tpu.sem_alloc : memref<!tpu.dma_semaphore, #tpu.memory_space<semaphore_mem>>
        %dma_start3A_46 = arith.constant 0 : i32
        %dma_start3A_47 = tpu.memref_slice %arg3[%add3A, %mul3A_11, %dma_start3A_46] : memref<32x80x128xi32, #tpu.memory_space<hbm>> -> memref<1x40x128xi32, #tpu.memory_space<hbm>>
        %dma_start3A_48 = tpu.memref_squeeze %dma_start3A_47 : memref<1x40x128xi32, #tpu.memory_space<hbm>> -> memref<40x128xi32, #tpu.memory_space<hbm>>
        %dma_start3A_49 = arith.constant 0 : i32
        %dma_start3A_50 = tpu.memref_slice %arg3[%add3A, %mul3A_11, %dma_start3A_49] : memref<32x80x128xi32, #tpu.memory_space<hbm>> -> memref<1x40x128xi32, #tpu.memory_space<hbm>>
        %dma_start3A_51 = tpu.memref_squeeze %dma_start3A_50 : memref<1x40x128xi32, #tpu.memory_space<hbm>> -> memref<40x128xi32, #tpu.memory_space<hbm>>
        tpu.enqueue_dma source(%dma_start3A_51 : memref<40x128xi32, #tpu.memory_space<hbm>>) target(%arg7 : memref<40x128xi32, #tpu.memory_space<vmem>>) target_semaphore(%run_scoped3A_45 : memref<!tpu.dma_semaphore, #tpu.memory_space<semaphore_mem>>)
        %dma_wait3A_52 = arith.constant 0 : i32
        %dma_wait3A_53 = tpu.memref_slice %arg3[%add3A, %mul3A_11, %dma_wait3A_52] : memref<32x80x128xi32, #tpu.memory_space<hbm>> -> memref<1x40x128xi32, #tpu.memory_space<hbm>>
        %dma_wait3A_54 = tpu.memref_squeeze %dma_wait3A_53 : memref<1x40x128xi32, #tpu.memory_space<hbm>> -> memref<40x128xi32, #tpu.memory_space<hbm>>
        %dma_wait3A_55 = arith.constant 0 : i32
        %dma_wait3A_56 = tpu.memref_slice %arg3[%add3A, %mul3A_11, %dma_wait3A_55] : memref<32x80x128xi32, #tpu.memory_space<hbm>> -> memref<1x40x128xi32, #tpu.memory_space<hbm>>
        %dma_wait3A_57 = tpu.memref_squeeze %dma_wait3A_56 : memref<1x40x128xi32, #tpu.memory_space<hbm>> -> memref<40x128xi32, #tpu.memory_space<hbm>>
        tpu.wait_dma2 semaphore(%run_scoped3A_45 : memref<!tpu.dma_semaphore, #tpu.memory_space<semaphore_mem>>) src(%dma_wait3A_57 : memref<40x128xi32, #tpu.memory_space<hbm>>) dst(%arg7 : memref<40x128xi32, #tpu.memory_space<vmem>>)
        tpu.yield
      }) : () -> ()
      %mul3A_12 = arith.constant 40 : i32
      %mul3A_13 = arith.muli %scan3A_9, %mul3A_12 : i32
      "tpu.region"() ({
        %run_scoped3A_45 = tpu.sem_alloc : memref<!tpu.dma_semaphore, #tpu.memory_space<semaphore_mem>>
        %dma_start3A_46 = arith.constant 0 : i32
        %dma_start3A_47 = tpu.memref_slice %arg4[%add3A, %mul3A_13, %dma_start3A_46] : memref<32x80x128xi32, #tpu.memory_space<hbm>> -> memref<1x40x128xi32, #tpu.memory_space<hbm>>
        %dma_start3A_48 = tpu.memref_squeeze %dma_start3A_47 : memref<1x40x128xi32, #tpu.memory_space<hbm>> -> memref<40x128xi32, #tpu.memory_space<hbm>>
        %dma_start3A_49 = arith.constant 0 : i32
        %dma_start3A_50 = tpu.memref_slice %arg4[%add3A, %mul3A_13, %dma_start3A_49] : memref<32x80x128xi32, #tpu.memory_space<hbm>> -> memref<1x40x128xi32, #tpu.memory_space<hbm>>
        %dma_start3A_51 = tpu.memref_squeeze %dma_start3A_50 : memref<1x40x128xi32, #tpu.memory_space<hbm>> -> memref<40x128xi32, #tpu.memory_space<hbm>>
        tpu.enqueue_dma source(%dma_start3A_51 : memref<40x128xi32, #tpu.memory_space<hbm>>) target(%arg8 : memref<40x128xi32, #tpu.memory_space<vmem>>) target_semaphore(%run_scoped3A_45 : memref<!tpu.dma_semaphore, #tpu.memory_space<semaphore_mem>>)
        %dma_wait3A_52 = arith.constant 0 : i32
        %dma_wait3A_53 = tpu.memref_slice %arg4[%add3A, %mul3A_13, %dma_wait3A_52] : memref<32x80x128xi32, #tpu.memory_space<hbm>> -> memref<1x40x128xi32, #tpu.memory_space<hbm>>
        %dma_wait3A_54 = tpu.memref_squeeze %dma_wait3A_53 : memref<1x40x128xi32, #tpu.memory_space<hbm>> -> memref<40x128xi32, #tpu.memory_space<hbm>>
        %dma_wait3A_55 = arith.constant 0 : i32
        %dma_wait3A_56 = tpu.memref_slice %arg4[%add3A, %mul3A_13, %dma_wait3A_55] : memref<32x80x128xi32, #tpu.memory_space<hbm>> -> memref<1x40x128xi32, #tpu.memory_space<hbm>>
        %dma_wait3A_57 = tpu.memref_squeeze %dma_wait3A_56 : memref<1x40x128xi32, #tpu.memory_space<hbm>> -> memref<40x128xi32, #tpu.memory_space<hbm>>
        tpu.wait_dma2 semaphore(%run_scoped3A_45 : memref<!tpu.dma_semaphore, #tpu.memory_space<semaphore_mem>>) src(%dma_wait3A_57 : memref<40x128xi32, #tpu.memory_space<hbm>>) dst(%arg8 : memref<40x128xi32, #tpu.memory_space<vmem>>)
        tpu.yield
      }) : () -> ()
      %dma_start3A = arith.constant 0 : i32
      %dma_start3A_14 = arith.constant 0 : i32
      %dma_start3A_15 = tpu.memref_slice %arg7[%dma_start3A, %dma_start3A_14] : memref<40x128xi32, #tpu.memory_space<vmem>> -> memref<1x128xi32, #tpu.memory_space<vmem>>
      %dma_start3A_16 = tpu.memref_squeeze %dma_start3A_15 : memref<1x128xi32, #tpu.memory_space<vmem>> -> memref<128xi32, #tpu.memory_space<vmem>>
      %dma_start3A_17 = arith.constant 0 : i32
      %dma_start3A_18 = arith.constant 0 : i32
      %dma_start3A_19 = tpu.memref_slice %arg2[%dma_start3A_17, %dma_start3A_18] : memref<10240x128xf32, #tpu.memory_space<hbm>> -> memref<10240x128xf32, #tpu.memory_space<hbm>>
      tpu.enqueue_indirect_dma source(%dma_start3A_19 : memref<10240x128xf32, #tpu.memory_space<hbm>>) target(%arg9 : memref<128x128xf32, #tpu.memory_space<vmem>>) offsets(%dma_start3A_16 : memref<128xi32, #tpu.memory_space<vmem>>) semaphore(%arg12 : memref<!tpu.dma_semaphore, #tpu.memory_space<semaphore_mem>>)
      %dma_start3A_20 = arith.constant 1 : i32
      %dma_start3A_21 = arith.constant 0 : i32
      %dma_start3A_22 = tpu.memref_slice %arg7[%dma_start3A_20, %dma_start3A_21] : memref<40x128xi32, #tpu.memory_space<vmem>> -> memref<1x128xi32, #tpu.memory_space<vmem>>
      %dma_start3A_23 = tpu.memref_squeeze %dma_start3A_22 : memref<1x128xi32, #tpu.memory_space<vmem>> -> memref<128xi32, #tpu.memory_space<vmem>>
      %dma_start3A_24 = arith.constant 0 : i32
      %dma_start3A_25 = arith.constant 0 : i32
      %dma_start3A_26 = tpu.memref_slice %arg2[%dma_start3A_24, %dma_start3A_25] : memref<10240x128xf32, #tpu.memory_space<hbm>> -> memref<10240x128xf32, #tpu.memory_space<hbm>>
      tpu.enqueue_indirect_dma source(%dma_start3A_26 : memref<10240x128xf32, #tpu.memory_space<hbm>>) target(%arg10 : memref<128x128xf32, #tpu.memory_space<vmem>>) offsets(%dma_start3A_23 : memref<128xi32, #tpu.memory_space<vmem>>) semaphore(%arg13 : memref<!tpu.dma_semaphore, #tpu.memory_space<semaphore_mem>>)
      %scan3A_27 = arith.constant 0 : i32
      %scan3A_28 = arith.constant 0 : i32
      %scan3A_29 = arith.constant 19 : i32
      %scan3A_30 = arith.addi %scan3A_28, %scan3A_29 : i32
      %scan3A_31 = arith.constant 1 : i32
      scf.for %scan3A_45 = %scan3A_28 to %scan3A_30 step %scan3A_31  : i32 {
        %mul3A_46 = arith.constant 2 : i32
        %mul3A_47 = arith.muli %mul3A_46, %scan3A_45 : i32
        %dma_wait3A_48 = arith.constant 0 : i32
        %dma_wait3A_49 = arith.constant 0 : i32
        %dma_wait3A_50 = tpu.memref_slice %arg2[%dma_wait3A_48, %dma_wait3A_49] : memref<10240x128xf32, #tpu.memory_space<hbm>> -> memref<128x128xf32, #tpu.memory_space<hbm>>
        %dma_wait3A_51 = arith.constant 0 : i32
        %dma_wait3A_52 = arith.constant 0 : i32
        %dma_wait3A_53 = tpu.memref_slice %arg2[%dma_wait3A_51, %dma_wait3A_52] : memref<10240x128xf32, #tpu.memory_space<hbm>> -> memref<128x128xf32, #tpu.memory_space<hbm>>
        tpu.wait_dma2 semaphore(%arg12 : memref<!tpu.dma_semaphore, #tpu.memory_space<semaphore_mem>>) src(%dma_wait3A_53 : memref<128x128xf32, #tpu.memory_space<hbm>>) dst(%arg9 : memref<128x128xf32, #tpu.memory_space<vmem>>)
        "tpu.region"() ({
          %run_scoped3A_78 = tpu.sem_alloc : memref<!tpu.dma_semaphore, #tpu.memory_space<semaphore_mem>>
          %dma_start3A_79 = arith.constant 0 : i32
          %dma_start3A_80 = tpu.memref_slice %arg8[%mul3A_47, %dma_start3A_79] : memref<40x128xi32, #tpu.memory_space<vmem>> -> memref<1x128xi32, #tpu.memory_space<vmem>>
          %dma_start3A_81 = tpu.memref_squeeze %dma_start3A_80 : memref<1x128xi32, #tpu.memory_space<vmem>> -> memref<128xi32, #tpu.memory_space<vmem>>
          %dma_start3A_82 = arith.constant 0 : i32
          %dma_start3A_83 = arith.constant 0 : i32
          %dma_start3A_84 = tpu.memref_slice %arg11[%dma_start3A_82, %dma_start3A_83] : memref<10240x128xf32, #tpu.memory_space<vmem_shared>> -> memref<10240x128xf32, #tpu.memory_space<vmem_shared>>
          tpu.enqueue_indirect_dma source(%arg9 : memref<128x128xf32, #tpu.memory_space<vmem>>) target(%dma_start3A_84 : memref<10240x128xf32, #tpu.memory_space<vmem_shared>>) offsets(%dma_start3A_81 : memref<128xi32, #tpu.memory_space<vmem>>) semaphore(%run_scoped3A_78 : memref<!tpu.dma_semaphore, #tpu.memory_space<semaphore_mem>>) {add = true}
          %dma_wait3A_85 = arith.constant 0 : i32
          %dma_wait3A_86 = tpu.memref_slice %arg8[%mul3A_47, %dma_wait3A_85] : memref<40x128xi32, #tpu.memory_space<vmem>> -> memref<1x128xi32, #tpu.memory_space<vmem>>
          %dma_wait3A_87 = tpu.memref_squeeze %dma_wait3A_86 : memref<1x128xi32, #tpu.memory_space<vmem>> -> memref<128xi32, #tpu.memory_space<vmem>>
          %dma_wait3A_88 = arith.constant 0 : i32
          %dma_wait3A_89 = arith.constant 0 : i32
          %dma_wait3A_90 = tpu.memref_slice %arg11[%dma_wait3A_88, %dma_wait3A_89] : memref<10240x128xf32, #tpu.memory_space<vmem_shared>> -> memref<10240x128xf32, #tpu.memory_space<vmem_shared>>
          tpu.wait_indirect_dma semaphore(%run_scoped3A_78 : memref<!tpu.dma_semaphore, #tpu.memory_space<semaphore_mem>>) src(%arg9 : memref<128x128xf32, #tpu.memory_space<vmem>>) dst(%dma_wait3A_90 : memref<10240x128xf32, #tpu.memory_space<vmem_shared>>)
          tpu.yield
        }) : () -> ()
        %add3A_54 = arith.constant 2 : i32
        %add3A_55 = arith.addi %mul3A_47, %add3A_54 : i32
        %dma_start3A_56 = arith.constant 0 : i32
        %dma_start3A_57 = tpu.memref_slice %arg7[%add3A_55, %dma_start3A_56] : memref<40x128xi32, #tpu.memory_space<vmem>> -> memref<1x128xi32, #tpu.memory_space<vmem>>
        %dma_start3A_58 = tpu.memref_squeeze %dma_start3A_57 : memref<1x128xi32, #tpu.memory_space<vmem>> -> memref<128xi32, #tpu.memory_space<vmem>>
        %dma_start3A_59 = arith.constant 0 : i32
        %dma_start3A_60 = arith.constant 0 : i32
        %dma_start3A_61 = tpu.memref_slice %arg2[%dma_start3A_59, %dma_start3A_60] : memref<10240x128xf32, #tpu.memory_space<hbm>> -> memref<10240x128xf32, #tpu.memory_space<hbm>>
        tpu.enqueue_indirect_dma source(%dma_start3A_61 : memref<10240x128xf32, #tpu.memory_space<hbm>>) target(%arg9 : memref<128x128xf32, #tpu.memory_space<vmem>>) offsets(%dma_start3A_58 : memref<128xi32, #tpu.memory_space<vmem>>) semaphore(%arg12 : memref<!tpu.dma_semaphore, #tpu.memory_space<semaphore_mem>>)
        %dma_wait3A_62 = arith.constant 0 : i32
        %dma_wait3A_63 = arith.constant 0 : i32
        %dma_wait3A_64 = tpu.memref_slice %arg2[%dma_wait3A_62, %dma_wait3A_63] : memref<10240x128xf32, #tpu.memory_space<hbm>> -> memref<128x128xf32, #tpu.memory_space<hbm>>
        %dma_wait3A_65 = arith.constant 0 : i32
        %dma_wait3A_66 = arith.constant 0 : i32
        %dma_wait3A_67 = tpu.memref_slice %arg2[%dma_wait3A_65, %dma_wait3A_66] : memref<10240x128xf32, #tpu.memory_space<hbm>> -> memref<128x128xf32, #tpu.memory_space<hbm>>
        tpu.wait_dma2 semaphore(%arg13 : memref<!tpu.dma_semaphore, #tpu.memory_space<semaphore_mem>>) src(%dma_wait3A_67 : memref<128x128xf32, #tpu.memory_space<hbm>>) dst(%arg10 : memref<128x128xf32, #tpu.memory_space<vmem>>)
        %add3A_68 = arith.constant 1 : i32
        %add3A_69 = arith.addi %mul3A_47, %add3A_68 : i32
        "tpu.region"() ({
          %run_scoped3A_78 = tpu.sem_alloc : memref<!tpu.dma_semaphore, #tpu.memory_space<semaphore_mem>>
          %dma_start3A_79 = arith.constant 0 : i32
          %dma_start3A_80 = tpu.memref_slice %arg8[%add3A_69, %dma_start3A_79] : memref<40x128xi32, #tpu.memory_space<vmem>> -> memref<1x128xi32, #tpu.memory_space<vmem>>
          %dma_start3A_81 = tpu.memref_squeeze %dma_start3A_80 : memref<1x128xi32, #tpu.memory_space<vmem>> -> memref<128xi32, #tpu.memory_space<vmem>>
          %dma_start3A_82 = arith.constant 0 : i32
          %dma_start3A_83 = arith.constant 0 : i32
          %dma_start3A_84 = tpu.memref_slice %arg11[%dma_start3A_82, %dma_start3A_83] : memref<10240x128xf32, #tpu.memory_space<vmem_shared>> -> memref<10240x128xf32, #tpu.memory_space<vmem_shared>>
          tpu.enqueue_indirect_dma source(%arg10 : memref<128x128xf32, #tpu.memory_space<vmem>>) target(%dma_start3A_84 : memref<10240x128xf32, #tpu.memory_space<vmem_shared>>) offsets(%dma_start3A_81 : memref<128xi32, #tpu.memory_space<vmem>>) semaphore(%run_scoped3A_78 : memref<!tpu.dma_semaphore, #tpu.memory_space<semaphore_mem>>) {add = true}
          %dma_wait3A_85 = arith.constant 0 : i32
          %dma_wait3A_86 = tpu.memref_slice %arg8[%add3A_69, %dma_wait3A_85] : memref<40x128xi32, #tpu.memory_space<vmem>> -> memref<1x128xi32, #tpu.memory_space<vmem>>
          %dma_wait3A_87 = tpu.memref_squeeze %dma_wait3A_86 : memref<1x128xi32, #tpu.memory_space<vmem>> -> memref<128xi32, #tpu.memory_space<vmem>>
          %dma_wait3A_88 = arith.constant 0 : i32
          %dma_wait3A_89 = arith.constant 0 : i32
          %dma_wait3A_90 = tpu.memref_slice %arg11[%dma_wait3A_88, %dma_wait3A_89] : memref<10240x128xf32, #tpu.memory_space<vmem_shared>> -> memref<10240x128xf32, #tpu.memory_space<vmem_shared>>
          tpu.wait_indirect_dma semaphore(%run_scoped3A_78 : memref<!tpu.dma_semaphore, #tpu.memory_space<semaphore_mem>>) src(%arg10 : memref<128x128xf32, #tpu.memory_space<vmem>>) dst(%dma_wait3A_90 : memref<10240x128xf32, #tpu.memory_space<vmem_shared>>)
          tpu.yield
        }) : () -> ()
        %add3A_70 = arith.constant 3 : i32
        %add3A_71 = arith.addi %mul3A_47, %add3A_70 : i32
        %dma_start3A_72 = arith.constant 0 : i32
        %dma_start3A_73 = tpu.memref_slice %arg7[%add3A_71, %dma_start3A_72] : memref<40x128xi32, #tpu.memory_space<vmem>> -> memref<1x128xi32, #tpu.memory_space<vmem>>
        %dma_start3A_74 = tpu.memref_squeeze %dma_start3A_73 : memref<1x128xi32, #tpu.memory_space<vmem>> -> memref<128xi32, #tpu.memory_space<vmem>>
        %dma_start3A_75 = arith.constant 0 : i32
        %dma_start3A_76 = arith.constant 0 : i32
        %dma_start3A_77 = tpu.memref_slice %arg2[%dma_start3A_75, %dma_start3A_76] : memref<10240x128xf32, #tpu.memory_space<hbm>> -> memref<10240x128xf32, #tpu.memory_space<hbm>>
        tpu.enqueue_indirect_dma source(%dma_start3A_77 : memref<10240x128xf32, #tpu.memory_space<hbm>>) target(%arg10 : memref<128x128xf32, #tpu.memory_space<vmem>>) offsets(%dma_start3A_74 : memref<128xi32, #tpu.memory_space<vmem>>) semaphore(%arg13 : memref<!tpu.dma_semaphore, #tpu.memory_space<semaphore_mem>>)
      }
      %scan3A_32 = arith.constant 19 : i32
      %dma_wait3A = arith.constant 0 : i32
      %dma_wait3A_33 = arith.constant 0 : i32
      %dma_wait3A_34 = tpu.memref_slice %arg2[%dma_wait3A, %dma_wait3A_33] : memref<10240x128xf32, #tpu.memory_space<hbm>> -> memref<128x128xf32, #tpu.memory_space<hbm>>
      %dma_wait3A_35 = arith.constant 0 : i32
      %dma_wait3A_36 = arith.constant 0 : i32
      %dma_wait3A_37 = tpu.memref_slice %arg2[%dma_wait3A_35, %dma_wait3A_36] : memref<10240x128xf32, #tpu.memory_space<hbm>> -> memref<128x128xf32, #tpu.memory_space<hbm>>
      tpu.wait_dma2 semaphore(%arg12 : memref<!tpu.dma_semaphore, #tpu.memory_space<semaphore_mem>>) src(%dma_wait3A_37 : memref<128x128xf32, #tpu.memory_space<hbm>>) dst(%arg9 : memref<128x128xf32, #tpu.memory_space<vmem>>)
      %run_scoped3A = arith.constant 38 : i32
      "tpu.region"() ({
        %run_scoped3A_45 = tpu.sem_alloc : memref<!tpu.dma_semaphore, #tpu.memory_space<semaphore_mem>>
        %dma_start3A_46 = arith.constant 0 : i32
        %dma_start3A_47 = tpu.memref_slice %arg8[%run_scoped3A, %dma_start3A_46] : memref<40x128xi32, #tpu.memory_space<vmem>> -> memref<1x128xi32, #tpu.memory_space<vmem>>
        %dma_start3A_48 = tpu.memref_squeeze %dma_start3A_47 : memref<1x128xi32, #tpu.memory_space<vmem>> -> memref<128xi32, #tpu.memory_space<vmem>>
        %dma_start3A_49 = arith.constant 0 : i32
        %dma_start3A_50 = arith.constant 0 : i32
        %dma_start3A_51 = tpu.memref_slice %arg11[%dma_start3A_49, %dma_start3A_50] : memref<10240x128xf32, #tpu.memory_space<vmem_shared>> -> memref<10240x128xf32, #tpu.memory_space<vmem_shared>>
        tpu.enqueue_indirect_dma source(%arg9 : memref<128x128xf32, #tpu.memory_space<vmem>>) target(%dma_start3A_51 : memref<10240x128xf32, #tpu.memory_space<vmem_shared>>) offsets(%dma_start3A_48 : memref<128xi32, #tpu.memory_space<vmem>>) semaphore(%run_scoped3A_45 : memref<!tpu.dma_semaphore, #tpu.memory_space<semaphore_mem>>) {add = true}
        %dma_wait3A_52 = arith.constant 0 : i32
        %dma_wait3A_53 = tpu.memref_slice %arg8[%run_scoped3A, %dma_wait3A_52] : memref<40x128xi32, #tpu.memory_space<vmem>> -> memref<1x128xi32, #tpu.memory_space<vmem>>
        %dma_wait3A_54 = tpu.memref_squeeze %dma_wait3A_53 : memref<1x128xi32, #tpu.memory_space<vmem>> -> memref<128xi32, #tpu.memory_space<vmem>>
        %dma_wait3A_55 = arith.constant 0 : i32
        %dma_wait3A_56 = arith.constant 0 : i32
        %dma_wait3A_57 = tpu.memref_slice %arg11[%dma_wait3A_55, %dma_wait3A_56] : memref<10240x128xf32, #tpu.memory_space<vmem_shared>> -> memref<10240x128xf32, #tpu.memory_space<vmem_shared>>
        tpu.wait_indirect_dma semaphore(%run_scoped3A_45 : memref<!tpu.dma_semaphore, #tpu.memory_space<semaphore_mem>>) src(%arg9 : memref<128x128xf32, #tpu.memory_space<vmem>>) dst(%dma_wait3A_57 : memref<10240x128xf32, #tpu.memory_space<vmem_shared>>)
        tpu.yield
      }) : () -> ()
      %dma_wait3A_38 = arith.constant 0 : i32
      %dma_wait3A_39 = arith.constant 0 : i32
      %dma_wait3A_40 = tpu.memref_slice %arg2[%dma_wait3A_38, %dma_wait3A_39] : memref<10240x128xf32, #tpu.memory_space<hbm>> -> memref<128x128xf32, #tpu.memory_space<hbm>>
      %dma_wait3A_41 = arith.constant 0 : i32
      %dma_wait3A_42 = arith.constant 0 : i32
      %dma_wait3A_43 = tpu.memref_slice %arg2[%dma_wait3A_41, %dma_wait3A_42] : memref<10240x128xf32, #tpu.memory_space<hbm>> -> memref<128x128xf32, #tpu.memory_space<hbm>>
      tpu.wait_dma2 semaphore(%arg13 : memref<!tpu.dma_semaphore, #tpu.memory_space<semaphore_mem>>) src(%dma_wait3A_43 : memref<128x128xf32, #tpu.memory_space<hbm>>) dst(%arg10 : memref<128x128xf32, #tpu.memory_space<vmem>>)
      %run_scoped3A_44 = arith.constant 39 : i32
      "tpu.region"() ({
        %run_scoped3A_45 = tpu.sem_alloc : memref<!tpu.dma_semaphore, #tpu.memory_space<semaphore_mem>>
        %dma_start3A_46 = arith.constant 0 : i32
        %dma_start3A_47 = tpu.memref_slice %arg8[%run_scoped3A_44, %dma_start3A_46] : memref<40x128xi32, #tpu.memory_space<vmem>> -> memref<1x128xi32, #tpu.memory_space<vmem>>
        %dma_start3A_48 = tpu.memref_squeeze %dma_start3A_47 : memref<1x128xi32, #tpu.memory_space<vmem>> -> memref<128xi32, #tpu.memory_space<vmem>>
        %dma_start3A_49 = arith.constant 0 : i32
        %dma_start3A_50 = arith.constant 0 : i32
        %dma_start3A_51 = tpu.memref_slice %arg11[%dma_start3A_49, %dma_start3A_50] : memref<10240x128xf32, #tpu.memory_space<vmem_shared>> -> memref<10240x128xf32, #tpu.memory_space<vmem_shared>>
        tpu.enqueue_indirect_dma source(%arg10 : memref<128x128xf32, #tpu.memory_space<vmem>>) target(%dma_start3A_51 : memref<10240x128xf32, #tpu.memory_space<vmem_shared>>) offsets(%dma_start3A_48 : memref<128xi32, #tpu.memory_space<vmem>>) semaphore(%run_scoped3A_45 : memref<!tpu.dma_semaphore, #tpu.memory_space<semaphore_mem>>) {add = true}
        %dma_wait3A_52 = arith.constant 0 : i32
        %dma_wait3A_53 = tpu.memref_slice %arg8[%run_scoped3A_44, %dma_wait3A_52] : memref<40x128xi32, #tpu.memory_space<vmem>> -> memref<1x128xi32, #tpu.memory_space<vmem>>
        %dma_wait3A_54 = tpu.memref_squeeze %dma_wait3A_53 : memref<1x128xi32, #tpu.memory_space<vmem>> -> memref<128xi32, #tpu.memory_space<vmem>>
        %dma_wait3A_55 = arith.constant 0 : i32
        %dma_wait3A_56 = arith.constant 0 : i32
        %dma_wait3A_57 = tpu.memref_slice %arg11[%dma_wait3A_55, %dma_wait3A_56] : memref<10240x128xf32, #tpu.memory_space<vmem_shared>> -> memref<10240x128xf32, #tpu.memory_space<vmem_shared>>
        tpu.wait_indirect_dma semaphore(%run_scoped3A_45 : memref<!tpu.dma_semaphore, #tpu.memory_space<semaphore_mem>>) src(%arg10 : memref<128x128xf32, #tpu.memory_space<vmem>>) dst(%dma_wait3A_57 : memref<10240x128xf32, #tpu.memory_space<vmem_shared>>)
        tpu.yield
      }) : () -> ()
    }
    %scan3A_7 = arith.constant 2 : i32
    %barrier3A_8 = arith.constant 0 : index
    tpu.barrier barrier_id(%barrier3A_8)
    "tpu.region"() ({
      %run_scoped3A = tpu.sem_alloc : memref<!tpu.dma_semaphore, #tpu.memory_space<semaphore_mem>>
      %dma_start3A = arith.constant 0 : i32
      %dma_start3A_9 = tpu.memref_slice %arg6[%arg0, %mul3A_2, %dma_start3A] : memref<2x10240x128xf32, #tpu.memory_space<hbm>> -> memref<1x640x128xf32, #tpu.memory_space<hbm>>
      %dma_start3A_10 = tpu.memref_squeeze %dma_start3A_9 : memref<1x640x128xf32, #tpu.memory_space<hbm>> -> memref<640x128xf32, #tpu.memory_space<hbm>>
      %dma_start3A_11 = arith.constant 0 : i32
      %dma_start3A_12 = tpu.memref_slice %arg11[%mul3A_2, %dma_start3A_11] : memref<10240x128xf32, #tpu.memory_space<vmem_shared>> -> memref<640x128xf32, #tpu.memory_space<vmem_shared>>
      tpu.enqueue_dma source(%dma_start3A_12 : memref<640x128xf32, #tpu.memory_space<vmem_shared>>) target(%dma_start3A_10 : memref<640x128xf32, #tpu.memory_space<hbm>>) target_semaphore(%run_scoped3A : memref<!tpu.dma_semaphore, #tpu.memory_space<semaphore_mem>>)
      %dma_wait3A = arith.constant 0 : i32
      %dma_wait3A_13 = tpu.memref_slice %arg6[%arg0, %mul3A_2, %dma_wait3A] : memref<2x10240x128xf32, #tpu.memory_space<hbm>> -> memref<1x640x128xf32, #tpu.memory_space<hbm>>
      %dma_wait3A_14 = tpu.memref_squeeze %dma_wait3A_13 : memref<1x640x128xf32, #tpu.memory_space<hbm>> -> memref<640x128xf32, #tpu.memory_space<hbm>>
      %dma_wait3A_15 = arith.constant 0 : i32
      %dma_wait3A_16 = tpu.memref_slice %arg11[%mul3A_2, %dma_wait3A_15] : memref<10240x128xf32, #tpu.memory_space<vmem_shared>> -> memref<640x128xf32, #tpu.memory_space<vmem_shared>>
      tpu.wait_dma2 semaphore(%run_scoped3A : memref<!tpu.dma_semaphore, #tpu.memory_space<semaphore_mem>>) src(%dma_wait3A_16 : memref<640x128xf32, #tpu.memory_space<vmem_shared>>) dst(%dma_wait3A_14 : memref<640x128xf32, #tpu.memory_space<hbm>>)
      tpu.yield
    }) : () -> ()
    return
  }
}

module attributes {stable_mosaic.version = 14 : i64} {
  func.func @_tc0_body(%arg0: i32, %arg1: memref<1024x128xf32, #tpu.memory_space<vmem>>, %arg2: memref<128x128xf32, #tpu.memory_space<vmem>>, %arg3: memref<128x128xf32, #tpu.memory_space<vmem>>, %arg4: memref<1x128xf32, #tpu.memory_space<vmem>>, %arg5: memref<1024x128xf32, #tpu.memory_space<vmem>>, %arg6: memref<1024x128xf32, #tpu.memory_space<vmem>>) attributes {dimension_semantics = [#tpu.dimension_semantics<arbitrary>], iteration_bounds = array<i64: 10>, scalar_prefetch = 0 : i64, scratch_operands = 0 : i64, tpu.core_type = #tpu.core_type<tc>, window_params = [{transform_indices = @transform_0, window_bounds = array<i64: 1024, 128>}, {pipeline_mode = #tpu.pipeline_mode<synchronous>, transform_indices = @transform_1, window_bounds = array<i64: 128, 128>}, {pipeline_mode = #tpu.pipeline_mode<synchronous>, transform_indices = @transform_2, window_bounds = array<i64: 128, 128>}, {pipeline_mode = #tpu.pipeline_mode<synchronous>, transform_indices = @transform_3, window_bounds = array<i64: 1, 128>}, {transform_indices = @transform_4, window_bounds = array<i64: 1024, 128>}, {transform_indices = @transform_5, window_bounds = array<i64: 1024, 128>}]} {
    %get3A = arith.constant 0 : index
    %get3A_0 = arith.constant 0 : index
    %get3A_1 = vector.load %arg1[%get3A, %get3A_0] : memref<1024x128xf32, #tpu.memory_space<vmem>>, vector<1024x128xf32>
    %get3A_2 = arith.constant 0 : index
    %get3A_3 = arith.constant 0 : index
    %get3A_4 = vector.load %arg2[%get3A_2, %get3A_3] : memref<128x128xf32, #tpu.memory_space<vmem>>, vector<128x128xf32>
    %dot_general3A = arith.constant dense<0.000000e+00> : vector<1024x128xf32>
    %dot_general3A_5 = tpu.matmul %get3A_1, %get3A_4, %dot_general3A {dimension_numbers = #tpu.dot_dimension_numbers<[1], [0], [0], [1], [0, 0, 1, 1], [], []>, transpose_lhs_hint = false} : vector<1024x128xf32>, vector<128x128xf32>, vector<1024x128xf32> -> vector<1024x128xf32>
    %swap3A = arith.constant 0 : index
    %swap3A_6 = arith.constant 0 : index
    %swap3A_7 = vector.load %arg5[%swap3A, %swap3A_6] : memref<1024x128xf32, #tpu.memory_space<vmem>>, vector<1024x128xf32>
    tpu.vector_store %arg5[%swap3A, %swap3A_6], %dot_general3A_5 {strides = array<i32>} : memref<1024x128xf32, #tpu.memory_space<vmem>>, vector<1024x128xf32>,
    %get3A_8 = arith.constant 0 : index
    %get3A_9 = arith.constant 0 : index
    %get3A_10 = vector.load %arg3[%get3A_8, %get3A_9] : memref<128x128xf32, #tpu.memory_space<vmem>>, vector<128x128xf32>
    %dot_general3A_11 = arith.constant dense<0.000000e+00> : vector<1024x128xf32>
    %dot_general3A_12 = tpu.matmul %get3A_1, %get3A_10, %dot_general3A_11 {dimension_numbers = #tpu.dot_dimension_numbers<[1], [0], [0], [1], [0, 0, 1, 1], [], []>, transpose_lhs_hint = false} : vector<1024x128xf32>, vector<128x128xf32>, vector<1024x128xf32> -> vector<1024x128xf32>
    %get3A_13 = arith.constant 0 : index
    %get3A_14 = arith.constant 0 : index
    %get3A_15 = vector.load %arg4[%get3A_13, %get3A_14] : memref<1x128xf32, #tpu.memory_space<vmem>>, vector<1x128xf32>
    %add3A = vector.broadcast %get3A_15 : vector<1x128xf32> to vector<1024x128xf32>
    %add3A_16 = arith.addf %dot_general3A_12, %add3A : vector<1024x128xf32>
    %swap3A_17 = arith.constant 0 : index
    %swap3A_18 = arith.constant 0 : index
    %swap3A_19 = vector.load %arg6[%swap3A_17, %swap3A_18] : memref<1024x128xf32, #tpu.memory_space<vmem>>, vector<1024x128xf32>
    tpu.vector_store %arg6[%swap3A_17, %swap3A_18], %add3A_16 {strides = array<i32>} : memref<1024x128xf32, #tpu.memory_space<vmem>>, vector<1024x128xf32>,
    return
  }
  func.func @transform_0(%arg0: i32) -> (i32, i32) {
    %c0_i32 = arith.constant 0 : i32
    %c0_i32_0 = arith.constant 0 : i32
    return %arg0, %c0_i32 : i32, i32
  }
  func.func @transform_1(%arg0: i32) -> (i32, i32) {
    %c0_i32 = arith.constant 0 : i32
    %c0_i32_0 = arith.constant 0 : i32
    %c0_i32_1 = arith.constant 0 : i32
    return %c0_i32, %c0_i32_0 : i32, i32
  }
  func.func @transform_2(%arg0: i32) -> (i32, i32) {
    %c0_i32 = arith.constant 0 : i32
    %c0_i32_0 = arith.constant 0 : i32
    %c0_i32_1 = arith.constant 0 : i32
    return %c0_i32, %c0_i32_0 : i32, i32
  }
  func.func @transform_3(%arg0: i32) -> (i32, i32) {
    %c0_i32 = arith.constant 0 : i32
    %c0_i32_0 = arith.constant 0 : i32
    %c0_i32_1 = arith.constant 0 : i32
    return %c0_i32, %c0_i32_0 : i32, i32
  }
  func.func @transform_4(%arg0: i32) -> (i32, i32) {
    %c0_i32 = arith.constant 0 : i32
    %c0_i32_0 = arith.constant 0 : i32
    return %arg0, %c0_i32 : i32, i32
  }
  func.func @transform_5(%arg0: i32) -> (i32, i32) {
    %c0_i32 = arith.constant 0 : i32
    %c0_i32_0 = arith.constant 0 : i32
    return %arg0, %c0_i32 : i32, i32
  }
}

module attributes {stable_mosaic.version = 14 : i64} {
  func.func @_tc_fin_body(%arg0: i32, %arg1: memref<1024x64xf32, #tpu.memory_space<vmem>>, %arg2: memref<2x1024x128xf32, #tpu.memory_space<vmem>>, %arg3: memref<2x1024x128xf32, #tpu.memory_space<vmem>>, %arg4: memref<1024x64xf32, #tpu.memory_space<vmem>>) attributes {dimension_semantics = [#tpu.dimension_semantics<arbitrary>], iteration_bounds = array<i64: 10>, scalar_prefetch = 0 : i64, scratch_operands = 0 : i64, tpu.core_type = #tpu.core_type<tc>, window_params = [{transform_indices = @transform_0, window_bounds = array<i64: 1024, 64>}, {transform_indices = @transform_1, window_bounds = array<i64: 2, 1024, 128>}, {transform_indices = @transform_2, window_bounds = array<i64: 2, 1024, 128>}, {transform_indices = @transform_3, window_bounds = array<i64: 1024, 64>}]} {
    %get3A = arith.constant 0 : index
    %get3A_0 = arith.constant 0 : index
    %get3A_1 = arith.constant 0 : index
    %get3A_2 = vector.load %arg3[%get3A, %get3A_0, %get3A_1] : memref<2x1024x128xf32, #tpu.memory_space<vmem>>, vector<1x1024x1xf32>
    %get3A_3 = vector.shape_cast %get3A_2 : vector<1x1024x1xf32> to vector<1024x1xf32>
    %get3A_4 = arith.constant 1 : index
    %get3A_5 = arith.constant 0 : index
    %get3A_6 = arith.constant 0 : index
    %get3A_7 = vector.load %arg3[%get3A_4, %get3A_5, %get3A_6] : memref<2x1024x128xf32, #tpu.memory_space<vmem>>, vector<1x1024x1xf32>
    %get3A_8 = vector.shape_cast %get3A_7 : vector<1x1024x1xf32> to vector<1024x1xf32>
    %add3A = arith.addf %get3A_3, %get3A_8 : vector<1024x1xf32>
    %max3A = arith.constant 1.000000e+00 : f32
    %max3A_9 = vector.broadcast %max3A : f32 to vector<1024x1xf32>
    %max3A_10 = arith.maximumf %add3A, %max3A_9 : vector<1024x1xf32>
    %div3A = arith.constant 1.000000e+00 : f32
    %div3A_11 = vector.broadcast %div3A : f32 to vector<1024x1xf32>
    %div3A_12 = arith.divf %div3A_11, %max3A_10 : vector<1024x1xf32>
    %get3A_13 = arith.constant 0 : index
    %get3A_14 = arith.constant 0 : index
    %get3A_15 = vector.load %arg1[%get3A_13, %get3A_14] : memref<1024x64xf32, #tpu.memory_space<vmem>>, vector<1024x64xf32>
    %get3A_16 = arith.constant 0 : index
    %get3A_17 = arith.constant 0 : index
    %get3A_18 = arith.constant 0 : index
    %get3A_19 = vector.load %arg2[%get3A_16, %get3A_17, %get3A_18] : memref<2x1024x128xf32, #tpu.memory_space<vmem>>, vector<1x1024x64xf32>
    %get3A_20 = vector.shape_cast %get3A_19 : vector<1x1024x64xf32> to vector<1024x64xf32>
    %get3A_21 = arith.constant 1 : index
    %get3A_22 = arith.constant 0 : index
    %get3A_23 = arith.constant 0 : index
    %get3A_24 = vector.load %arg2[%get3A_21, %get3A_22, %get3A_23] : memref<2x1024x128xf32, #tpu.memory_space<vmem>>, vector<1x1024x64xf32>
    %get3A_25 = vector.shape_cast %get3A_24 : vector<1x1024x64xf32> to vector<1024x64xf32>
    %add3A_26 = arith.addf %get3A_20, %get3A_25 : vector<1024x64xf32>
    %mul3A = vector.broadcast %div3A_12 : vector<1024x1xf32> to vector<1024x64xf32>
    %mul3A_27 = arith.mulf %add3A_26, %mul3A : vector<1024x64xf32>
    %add3A_28 = arith.addf %get3A_15, %mul3A_27 : vector<1024x64xf32>
    %swap3A = arith.constant 0 : index
    %swap3A_29 = arith.constant 0 : index
    %swap3A_30 = vector.load %arg4[%swap3A, %swap3A_29] : memref<1024x64xf32, #tpu.memory_space<vmem>>, vector<1024x64xf32>
    tpu.vector_store %arg4[%swap3A, %swap3A_29], %add3A_28 {strides = array<i32>} : memref<1024x64xf32, #tpu.memory_space<vmem>>, vector<1024x64xf32>,
    return
  }
  func.func @transform_0(%arg0: i32) -> (i32, i32) {
    %c0_i32 = arith.constant 0 : i32
    %c0_i32_0 = arith.constant 0 : i32
    return %arg0, %c0_i32 : i32, i32
  }
  func.func @transform_1(%arg0: i32) -> (i32, i32, i32) {
    %c0_i32 = arith.constant 0 : i32
    %c0_i32_0 = arith.constant 0 : i32
    %c0_i32_1 = arith.constant 0 : i32
    return %c0_i32, %arg0, %c0_i32_0 : i32, i32, i32
  }
  func.func @transform_2(%arg0: i32) -> (i32, i32, i32) {
    %c0_i32 = arith.constant 0 : i32
    %c0_i32_0 = arith.constant 0 : i32
    %c0_i32_1 = arith.constant 0 : i32
    return %c0_i32, %arg0, %c0_i32_0 : i32, i32, i32
  }
  func.func @transform_3(%arg0: i32) -> (i32, i32) {
    %c0_i32 = arith.constant 0 : i32
    %c0_i32_0 = arith.constant 0 : i32
    return %arg0, %c0_i32 : i32, i32
  }
}

module attributes {stable_mosaic.version = 14 : i64} {
  func.func @tc_mid_body(%arg0: i32, %arg1: memref<1024x128xf32, #tpu.memory_space<vmem>>, %arg2: memref<2x1024x128xf32, #tpu.memory_space<vmem>>, %arg3: memref<2x1024x128xf32, #tpu.memory_space<vmem>>, %arg4: memref<128x128xf32, #tpu.memory_space<vmem>>, %arg5: memref<128x64xf32, #tpu.memory_space<vmem>>, %arg6: memref<1x64xf32, #tpu.memory_space<vmem>>, %arg7: memref<1024x128xf32, #tpu.memory_space<vmem>>, %arg8: memref<1024x64xf32, #tpu.memory_space<vmem>>) attributes {dimension_semantics = [#tpu.dimension_semantics<arbitrary>], iteration_bounds = array<i64: 10>, scalar_prefetch = 0 : i64, scratch_operands = 0 : i64, tpu.core_type = #tpu.core_type<tc>, window_params = [{transform_indices = @transform_0, window_bounds = array<i64: 1024, 128>}, {transform_indices = @transform_1, window_bounds = array<i64: 2, 1024, 128>}, {transform_indices = @transform_2, window_bounds = array<i64: 2, 1024, 128>}, {pipeline_mode = #tpu.pipeline_mode<synchronous>, transform_indices = @transform_3, window_bounds = array<i64: 128, 128>}, {pipeline_mode = #tpu.pipeline_mode<synchronous>, transform_indices = @transform_4, window_bounds = array<i64: 128, 64>}, {pipeline_mode = #tpu.pipeline_mode<synchronous>, transform_indices = @transform_5, window_bounds = array<i64: 1, 64>}, {transform_indices = @transform_6, window_bounds = array<i64: 1024, 128>}, {transform_indices = @transform_7, window_bounds = array<i64: 1024, 64>}]} {
    %get3A = arith.constant 0 : index
    %get3A_0 = arith.constant 0 : index
    %get3A_1 = arith.constant 0 : index
    %get3A_2 = vector.load %arg3[%get3A, %get3A_0, %get3A_1] : memref<2x1024x128xf32, #tpu.memory_space<vmem>>, vector<1x1024x1xf32>
    %get3A_3 = vector.shape_cast %get3A_2 : vector<1x1024x1xf32> to vector<1024x1xf32>
    %get3A_4 = arith.constant 1 : index
    %get3A_5 = arith.constant 0 : index
    %get3A_6 = arith.constant 0 : index
    %get3A_7 = vector.load %arg3[%get3A_4, %get3A_5, %get3A_6] : memref<2x1024x128xf32, #tpu.memory_space<vmem>>, vector<1x1024x1xf32>
    %get3A_8 = vector.shape_cast %get3A_7 : vector<1x1024x1xf32> to vector<1024x1xf32>
    %add3A = arith.addf %get3A_3, %get3A_8 : vector<1024x1xf32>
    %max3A = arith.constant 1.000000e+00 : f32
    %max3A_9 = vector.broadcast %max3A : f32 to vector<1024x1xf32>
    %max3A_10 = arith.maximumf %add3A, %max3A_9 : vector<1024x1xf32>
    %div3A = arith.constant 1.000000e+00 : f32
    %div3A_11 = vector.broadcast %div3A : f32 to vector<1024x1xf32>
    %div3A_12 = arith.divf %div3A_11, %max3A_10 : vector<1024x1xf32>
    %get3A_13 = arith.constant 0 : index
    %get3A_14 = arith.constant 0 : index
    %get3A_15 = vector.load %arg1[%get3A_13, %get3A_14] : memref<1024x128xf32, #tpu.memory_space<vmem>>, vector<1024x128xf32>
    %get3A_16 = arith.constant 0 : index
    %get3A_17 = arith.constant 0 : index
    %get3A_18 = arith.constant 0 : index
    %get3A_19 = vector.load %arg2[%get3A_16, %get3A_17, %get3A_18] : memref<2x1024x128xf32, #tpu.memory_space<vmem>>, vector<1x1024x128xf32>
    %get3A_20 = vector.shape_cast %get3A_19 : vector<1x1024x128xf32> to vector<1024x128xf32>
    %get3A_21 = arith.constant 1 : index
    %get3A_22 = arith.constant 0 : index
    %get3A_23 = arith.constant 0 : index
    %get3A_24 = vector.load %arg2[%get3A_21, %get3A_22, %get3A_23] : memref<2x1024x128xf32, #tpu.memory_space<vmem>>, vector<1x1024x128xf32>
    %get3A_25 = vector.shape_cast %get3A_24 : vector<1x1024x128xf32> to vector<1024x128xf32>
    %add3A_26 = arith.addf %get3A_20, %get3A_25 : vector<1024x128xf32>
    %mul3A = vector.broadcast %div3A_12 : vector<1024x1xf32> to vector<1024x128xf32>
    %mul3A_27 = arith.mulf %add3A_26, %mul3A : vector<1024x128xf32>
    %add3A_28 = arith.addf %get3A_15, %mul3A_27 : vector<1024x128xf32>
    %max3A_29 = arith.constant 0.000000e+00 : f32
    %max3A_30 = vector.broadcast %max3A_29 : f32 to vector<1024x128xf32>
    %max3A_31 = arith.maximumf %add3A_28, %max3A_30 : vector<1024x128xf32>
    %get3A_32 = arith.constant 0 : index
    %get3A_33 = arith.constant 0 : index
    %get3A_34 = vector.load %arg4[%get3A_32, %get3A_33] : memref<128x128xf32, #tpu.memory_space<vmem>>, vector<128x128xf32>
    %dot_general3A = arith.constant dense<0.000000e+00> : vector<1024x128xf32>
    %dot_general3A_35 = tpu.matmul %max3A_31, %get3A_34, %dot_general3A {dimension_numbers = #tpu.dot_dimension_numbers<[1], [0], [0], [1], [0, 0, 1, 1], [], []>, transpose_lhs_hint = false} : vector<1024x128xf32>, vector<128x128xf32>, vector<1024x128xf32> -> vector<1024x128xf32>
    %swap3A = arith.constant 0 : index
    %swap3A_36 = arith.constant 0 : index
    %swap3A_37 = vector.load %arg7[%swap3A, %swap3A_36] : memref<1024x128xf32, #tpu.memory_space<vmem>>, vector<1024x128xf32>
    tpu.vector_store %arg7[%swap3A, %swap3A_36], %dot_general3A_35 {strides = array<i32>} : memref<1024x128xf32, #tpu.memory_space<vmem>>, vector<1024x128xf32>,
    %get3A_38 = arith.constant 0 : index
    %get3A_39 = arith.constant 0 : index
    %get3A_40 = vector.load %arg5[%get3A_38, %get3A_39] : memref<128x64xf32, #tpu.memory_space<vmem>>, vector<128x64xf32>
    %dot_general3A_41 = arith.constant dense<0.000000e+00> : vector<1024x64xf32>
    %dot_general3A_42 = tpu.matmul %max3A_31, %get3A_40, %dot_general3A_41 {dimension_numbers = #tpu.dot_dimension_numbers<[1], [0], [0], [1], [0, 0, 1, 1], [], []>, transpose_lhs_hint = false} : vector<1024x128xf32>, vector<128x64xf32>, vector<1024x64xf32> -> vector<1024x64xf32>
    %get3A_43 = arith.constant 0 : index
    %get3A_44 = arith.constant 0 : index
    %get3A_45 = vector.load %arg6[%get3A_43, %get3A_44] : memref<1x64xf32, #tpu.memory_space<vmem>>, vector<1x64xf32>
    %add3A_46 = vector.broadcast %get3A_45 : vector<1x64xf32> to vector<1024x64xf32>
    %add3A_47 = arith.addf %dot_general3A_42, %add3A_46 : vector<1024x64xf32>
    %swap3A_48 = arith.constant 0 : index
    %swap3A_49 = arith.constant 0 : index
    %swap3A_50 = vector.load %arg8[%swap3A_48, %swap3A_49] : memref<1024x64xf32, #tpu.memory_space<vmem>>, vector<1024x64xf32>
    tpu.vector_store %arg8[%swap3A_48, %swap3A_49], %add3A_47 {strides = array<i32>} : memref<1024x64xf32, #tpu.memory_space<vmem>>, vector<1024x64xf32>,
    return
  }
  func.func @transform_0(%arg0: i32) -> (i32, i32) {
    %c0_i32 = arith.constant 0 : i32
    %c0_i32_0 = arith.constant 0 : i32
    return %arg0, %c0_i32 : i32, i32
  }
  func.func @transform_1(%arg0: i32) -> (i32, i32, i32) {
    %c0_i32 = arith.constant 0 : i32
    %c0_i32_0 = arith.constant 0 : i32
    %c0_i32_1 = arith.constant 0 : i32
    return %c0_i32, %arg0, %c0_i32_0 : i32, i32, i32
  }
  func.func @transform_2(%arg0: i32) -> (i32, i32, i32) {
    %c0_i32 = arith.constant 0 : i32
    %c0_i32_0 = arith.constant 0 : i32
    %c0_i32_1 = arith.constant 0 : i32
    return %c0_i32, %arg0, %c0_i32_0 : i32, i32, i32
  }
  func.func @transform_3(%arg0: i32) -> (i32, i32) {
    %c0_i32 = arith.constant 0 : i32
    %c0_i32_0 = arith.constant 0 : i32
    %c0_i32_1 = arith.constant 0 : i32
    return %c0_i32, %c0_i32_0 : i32, i32
  }
  func.func @transform_4(%arg0: i32) -> (i32, i32) {
    %c0_i32 = arith.constant 0 : i32
    %c0_i32_0 = arith.constant 0 : i32
    %c0_i32_1 = arith.constant 0 : i32
    return %c0_i32, %c0_i32_0 : i32, i32
  }
  func.func @transform_5(%arg0: i32) -> (i32, i32) {
    %c0_i32 = arith.constant 0 : i32
    %c0_i32_0 = arith.constant 0 : i32
    %c0_i32_1 = arith.constant 0 : i32
    return %c0_i32, %c0_i32_0 : i32, i32
  }
  func.func @transform_6(%arg0: i32) -> (i32, i32) {
    %c0_i32 = arith.constant 0 : i32
    %c0_i32_0 = arith.constant 0 : i32
    return %arg0, %c0_i32 : i32, i32
  }
  func.func @transform_7(%arg0: i32) -> (i32, i32) {
    %c0_i32 = arith.constant 0 : i32
    %c0_i32_0 = arith.constant 0 : i32
    return %arg0, %c0_i32 : i32, i32
  }
}

module attributes {stable_mosaic.version = 14 : i64} {
  func.func @tc_mid_body(%arg0: i32, %arg1: memref<1024x128xf32, #tpu.memory_space<vmem>>, %arg2: memref<2x1024x128xf32, #tpu.memory_space<vmem>>, %arg3: memref<2x1024x128xf32, #tpu.memory_space<vmem>>, %arg4: memref<128x128xf32, #tpu.memory_space<vmem>>, %arg5: memref<128x128xf32, #tpu.memory_space<vmem>>, %arg6: memref<1x128xf32, #tpu.memory_space<vmem>>, %arg7: memref<1024x128xf32, #tpu.memory_space<vmem>>, %arg8: memref<1024x128xf32, #tpu.memory_space<vmem>>) attributes {dimension_semantics = [#tpu.dimension_semantics<arbitrary>], iteration_bounds = array<i64: 10>, scalar_prefetch = 0 : i64, scratch_operands = 0 : i64, tpu.core_type = #tpu.core_type<tc>, window_params = [{transform_indices = @transform_0, window_bounds = array<i64: 1024, 128>}, {transform_indices = @transform_1, window_bounds = array<i64: 2, 1024, 128>}, {transform_indices = @transform_2, window_bounds = array<i64: 2, 1024, 128>}, {pipeline_mode = #tpu.pipeline_mode<synchronous>, transform_indices = @transform_3, window_bounds = array<i64: 128, 128>}, {pipeline_mode = #tpu.pipeline_mode<synchronous>, transform_indices = @transform_4, window_bounds = array<i64: 128, 128>}, {pipeline_mode = #tpu.pipeline_mode<synchronous>, transform_indices = @transform_5, window_bounds = array<i64: 1, 128>}, {transform_indices = @transform_6, window_bounds = array<i64: 1024, 128>}, {transform_indices = @transform_7, window_bounds = array<i64: 1024, 128>}]} {
    %get3A = arith.constant 0 : index
    %get3A_0 = arith.constant 0 : index
    %get3A_1 = arith.constant 0 : index
    %get3A_2 = vector.load %arg3[%get3A, %get3A_0, %get3A_1] : memref<2x1024x128xf32, #tpu.memory_space<vmem>>, vector<1x1024x1xf32>
    %get3A_3 = vector.shape_cast %get3A_2 : vector<1x1024x1xf32> to vector<1024x1xf32>
    %get3A_4 = arith.constant 1 : index
    %get3A_5 = arith.constant 0 : index
    %get3A_6 = arith.constant 0 : index
    %get3A_7 = vector.load %arg3[%get3A_4, %get3A_5, %get3A_6] : memref<2x1024x128xf32, #tpu.memory_space<vmem>>, vector<1x1024x1xf32>
    %get3A_8 = vector.shape_cast %get3A_7 : vector<1x1024x1xf32> to vector<1024x1xf32>
    %add3A = arith.addf %get3A_3, %get3A_8 : vector<1024x1xf32>
    %max3A = arith.constant 1.000000e+00 : f32
    %max3A_9 = vector.broadcast %max3A : f32 to vector<1024x1xf32>
    %max3A_10 = arith.maximumf %add3A, %max3A_9 : vector<1024x1xf32>
    %div3A = arith.constant 1.000000e+00 : f32
    %div3A_11 = vector.broadcast %div3A : f32 to vector<1024x1xf32>
    %div3A_12 = arith.divf %div3A_11, %max3A_10 : vector<1024x1xf32>
    %get3A_13 = arith.constant 0 : index
    %get3A_14 = arith.constant 0 : index
    %get3A_15 = vector.load %arg1[%get3A_13, %get3A_14] : memref<1024x128xf32, #tpu.memory_space<vmem>>, vector<1024x128xf32>
    %get3A_16 = arith.constant 0 : index
    %get3A_17 = arith.constant 0 : index
    %get3A_18 = arith.constant 0 : index
    %get3A_19 = vector.load %arg2[%get3A_16, %get3A_17, %get3A_18] : memref<2x1024x128xf32, #tpu.memory_space<vmem>>, vector<1x1024x128xf32>
    %get3A_20 = vector.shape_cast %get3A_19 : vector<1x1024x128xf32> to vector<1024x128xf32>
    %get3A_21 = arith.constant 1 : index
    %get3A_22 = arith.constant 0 : index
    %get3A_23 = arith.constant 0 : index
    %get3A_24 = vector.load %arg2[%get3A_21, %get3A_22, %get3A_23] : memref<2x1024x128xf32, #tpu.memory_space<vmem>>, vector<1x1024x128xf32>
    %get3A_25 = vector.shape_cast %get3A_24 : vector<1x1024x128xf32> to vector<1024x128xf32>
    %add3A_26 = arith.addf %get3A_20, %get3A_25 : vector<1024x128xf32>
    %mul3A = vector.broadcast %div3A_12 : vector<1024x1xf32> to vector<1024x128xf32>
    %mul3A_27 = arith.mulf %add3A_26, %mul3A : vector<1024x128xf32>
    %add3A_28 = arith.addf %get3A_15, %mul3A_27 : vector<1024x128xf32>
    %max3A_29 = arith.constant 0.000000e+00 : f32
    %max3A_30 = vector.broadcast %max3A_29 : f32 to vector<1024x128xf32>
    %max3A_31 = arith.maximumf %add3A_28, %max3A_30 : vector<1024x128xf32>
    %get3A_32 = arith.constant 0 : index
    %get3A_33 = arith.constant 0 : index
    %get3A_34 = vector.load %arg4[%get3A_32, %get3A_33] : memref<128x128xf32, #tpu.memory_space<vmem>>, vector<128x128xf32>
    %dot_general3A = arith.constant dense<0.000000e+00> : vector<1024x128xf32>
    %dot_general3A_35 = tpu.matmul %max3A_31, %get3A_34, %dot_general3A {dimension_numbers = #tpu.dot_dimension_numbers<[1], [0], [0], [1], [0, 0, 1, 1], [], []>, transpose_lhs_hint = false} : vector<1024x128xf32>, vector<128x128xf32>, vector<1024x128xf32> -> vector<1024x128xf32>
    %swap3A = arith.constant 0 : index
    %swap3A_36 = arith.constant 0 : index
    %swap3A_37 = vector.load %arg7[%swap3A, %swap3A_36] : memref<1024x128xf32, #tpu.memory_space<vmem>>, vector<1024x128xf32>
    tpu.vector_store %arg7[%swap3A, %swap3A_36], %dot_general3A_35 {strides = array<i32>} : memref<1024x128xf32, #tpu.memory_space<vmem>>, vector<1024x128xf32>,
    %get3A_38 = arith.constant 0 : index
    %get3A_39 = arith.constant 0 : index
    %get3A_40 = vector.load %arg5[%get3A_38, %get3A_39] : memref<128x128xf32, #tpu.memory_space<vmem>>, vector<128x128xf32>
    %dot_general3A_41 = arith.constant dense<0.000000e+00> : vector<1024x128xf32>
    %dot_general3A_42 = tpu.matmul %max3A_31, %get3A_40, %dot_general3A_41 {dimension_numbers = #tpu.dot_dimension_numbers<[1], [0], [0], [1], [0, 0, 1, 1], [], []>, transpose_lhs_hint = false} : vector<1024x128xf32>, vector<128x128xf32>, vector<1024x128xf32> -> vector<1024x128xf32>
    %get3A_43 = arith.constant 0 : index
    %get3A_44 = arith.constant 0 : index
    %get3A_45 = vector.load %arg6[%get3A_43, %get3A_44] : memref<1x128xf32, #tpu.memory_space<vmem>>, vector<1x128xf32>
    %add3A_46 = vector.broadcast %get3A_45 : vector<1x128xf32> to vector<1024x128xf32>
    %add3A_47 = arith.addf %dot_general3A_42, %add3A_46 : vector<1024x128xf32>
    %swap3A_48 = arith.constant 0 : index
    %swap3A_49 = arith.constant 0 : index
    %swap3A_50 = vector.load %arg8[%swap3A_48, %swap3A_49] : memref<1024x128xf32, #tpu.memory_space<vmem>>, vector<1024x128xf32>
    tpu.vector_store %arg8[%swap3A_48, %swap3A_49], %add3A_47 {strides = array<i32>} : memref<1024x128xf32, #tpu.memory_space<vmem>>, vector<1024x128xf32>,
    return
  }
  func.func @transform_0(%arg0: i32) -> (i32, i32) {
    %c0_i32 = arith.constant 0 : i32
    %c0_i32_0 = arith.constant 0 : i32
    return %arg0, %c0_i32 : i32, i32
  }
  func.func @transform_1(%arg0: i32) -> (i32, i32, i32) {
    %c0_i32 = arith.constant 0 : i32
    %c0_i32_0 = arith.constant 0 : i32
    %c0_i32_1 = arith.constant 0 : i32
    return %c0_i32, %arg0, %c0_i32_0 : i32, i32, i32
  }
  func.func @transform_2(%arg0: i32) -> (i32, i32, i32) {
    %c0_i32 = arith.constant 0 : i32
    %c0_i32_0 = arith.constant 0 : i32
    %c0_i32_1 = arith.constant 0 : i32
    return %c0_i32, %arg0, %c0_i32_0 : i32, i32, i32
  }
  func.func @transform_3(%arg0: i32) -> (i32, i32) {
    %c0_i32 = arith.constant 0 : i32
    %c0_i32_0 = arith.constant 0 : i32
    %c0_i32_1 = arith.constant 0 : i32
    return %c0_i32, %c0_i32_0 : i32, i32
  }
  func.func @transform_4(%arg0: i32) -> (i32, i32) {
    %c0_i32 = arith.constant 0 : i32
    %c0_i32_0 = arith.constant 0 : i32
    %c0_i32_1 = arith.constant 0 : i32
    return %c0_i32, %c0_i32_0 : i32, i32
  }
  func.func @transform_5(%arg0: i32) -> (i32, i32) {
    %c0_i32 = arith.constant 0 : i32
    %c0_i32_0 = arith.constant 0 : i32
    %c0_i32_1 = arith.constant 0 : i32
    return %c0_i32, %c0_i32_0 : i32, i32
  }
  func.func @transform_6(%arg0: i32) -> (i32, i32) {
    %c0_i32 = arith.constant 0 : i32
    %c0_i32_0 = arith.constant 0 : i32
    return %arg0, %c0_i32 : i32, i32
  }
  func.func @transform_7(%arg0: i32) -> (i32, i32) {
    %c0_i32 = arith.constant 0 : i32
    %c0_i32_0 = arith.constant 0 : i32
    return %arg0, %c0_i32 : i32, i32
  }
}

</mosaic_0001>

<sc_bundles>
// kernel: kernel.10.cloned.1.call-start
scs
__scs_entry_jumppad:
0x0: {  	(pc) =	sbr.rel $0x88, $3  }
0x1: {  	(tag) =	ssettag $0x0;
	lr =	simm.s32 $0x1  }
0x2: {  	[smem:$0x3F96] =	sst lr;
	_ =	strace $0xD0000000  }
0x3: {  	_ = 	snop  }
0x4: {  	_ = 	snop  }
0x5: {  	_ = 	snop  }
0x6: {  	_ = 	snop  }
0x7: {  	_ = 	snop  }
__scs_overlays_trampoline_lowered:
0x8: {  	[smem:$0x3FA5] =	sst s0  }
0x9: {  	[smem:$0x3FA6] =	sst s1  }
0xa: {  	[smem:$0x3FA7] =	sst s2  }
0xb: {  	[smem:$0x3FA8] =	sst s3  }
0xc: {  	[smem:$0x3FA9] =	sst s4  }
0xd: {  	[smem:$0x3FAA] =	sst s5  }
0xe: {  	[smem:$0x3FAB] =	sst s6  }
0xf: {  	[smem:$0x3FAC] =	sst s7  }
0x10: {  	[smem:$0x3FAD] =	sst s8  }
0x11: {  	[smem:$0x3FAE] =	sst s9;
	s0 =	simm.s32 @!p0 $0x0  }
0x12: {  	s1 =	sld [smem:$0x3F94];
	s0 =	simm.s32 @p0 $0x1  }
0x13: {  	[smem:$0x3FAF] =	sst s0;
	s0 =	simm.s32 @!p1 $0x0  }
0x14: {  	s2 =	sld [smem:$0x3F93];
	s0 =	simm.s32 @p1 $0x1  }
0x15: {  	[smem:$0x3FB0] =	sst s0;
	s0 =	simm.s32 @!p2 $0x0  }
0x16: {  	s3 =	sld [smem:$0x3FDB];
	s0 =	simm.s32 @p2 $0x1  }
0x17: {  	s4 =	simm.s32 $0x1BF5;
	[smem:$0x3FB2] =	sst s0  }
0x18: {  	s0 =	sld [smem:$0x3F95];
	_ =	swait.ge [sflag:s4], $0x0  }
0x19: {  	s7 =	sld [smem:$0x3F96]  }
0x1a: {  	s8 =	sadd.s32 $0xFFFFE003, lr  }
0x1b: {  	s9 =	sadd.s32 $0xFFFFFEF7, lr;
	s5 =	simm.s32 $0xFFFFFFFF;
	p2 =	slt.u32 s8, $0xFFFFF086  }
0x1c: {  	p1 =	slt.u32 s9, $0xF7A;
	s5 =	simm.s32 @!p2 $0x0  }
0x1d: {  	s5 =	simm.s32 @p1 $0x1;
	p0 =	seq.s32 s7, s2  }
0x1e: {  	s7 =	smul.u32 @!p0 $0xF7A, s2;
	p2 =	seq.s32 @!p0 s5, $0x0  }
0x1f: {  	s9 =	smul.u32 $0xF7A, s1;
	s8 =	simm.s32 @!p0 $0x1BF5;
	p2 =	por !p2, p0  }
0x20: {  	[sflag:s8] =	ssyncset.s32 @!p0 $0xFFFFF086;
	s6 =	sadd.s32 @!p0 s3, s7;
	s7 =	simm.s32 @!p0 $0x108  }
0x21: {  	s3 =	sadd.s32 s3, s9;
	s6 =	sadd.s32 @!p0 $0x88, s6;
	s7 =	simm.s32 @p2 $0x1082  }
0x22: {  	[simem:s7], [sflag:s8] =	dma.local @!p0 [hbm:s6], $0xF7A  }
0x23: {  	s9 =	sor.u32 $0xD0000000, s2;
	s6 =	simm.s32 $0x108;
	_ =	swait.ge @!p0 [sflag:s8], $0x0  }
0x24: {  	s3 =	sadd.s32 $0x88, s3;
	s6 =	simm.s32 @!p1 $0x1082;
	[sflag:s4] =	ssyncset.s32 $0xFFFFF086  }
0x25: {  	[simem:s6], [sflag:s4] =	dma.local [hbm:s3], $0xF7A  }
0x26: {  	[smem:$0x3F96] =	sst s1;
	(tag) =	ssettag s2;
	_ =	strace s9  }
0x27: {  	s1 =	sld [smem:$0x3FA6]  }
0x28: {  	s2 =	sld [smem:$0x3FA7]  }
0x29: {  	s4 =	sld [smem:$0x3FA9]  }
0x2a: {  	p0 =	seq.s32 s5, $0x0;
	s5 =	sld [smem:$0x3FAA]  }
0x2b: {  	s6 =	sld [smem:$0x3FAB]  }
0x2c: {  	s7 =	sld [smem:$0x3FAC]  }
0x2d: {  	s3 =	simm.s32 $0x108;
	s8 =	sld [smem:$0x3FAD]  }
0x2e: {  	s3 =	simm.s32 @!p0 $0x1082;
	s9 =	sld [smem:$0x3FAE]  }
0x2f: {  	lr =	sadd.s32 s0, s3;
	s0 =	sld [smem:$0x3FA5]  }
0x30: {  	s3 =	sld [smem:$0x3FA8]  }
0x31: {  	[smem:$0x3FB1] =	sst s10  }
0x32: {  	s10 =	sld [smem:$0x3FAF];
	_ =	sdelay $0x3  }
0x33: {  	p0 =	seq.s32 s10, $0x1;
	s10 =	sld [smem:$0x3FB1];
	_ =	sdelay $0x3  }
0x34: {  	[smem:$0x3FB1] =	sst s10  }
0x35: {  	s10 =	sld [smem:$0x3FB0];
	_ =	sdelay $0x3  }
0x36: {  	p1 =	seq.s32 s10, $0x1;
	s10 =	sld [smem:$0x3FB1];
	_ =	sdelay $0x3  }
0x37: {  	[smem:$0x3FB1] =	sst s10  }
0x38: {  	s10 =	sld [smem:$0x3FB2]  }
0x39: {  	_ = 	snop;
	(pc) =	sbr.ind lr, $3  }
0x3a: {  	_ = 	snop  }
0x3b: {  	_ = 	snop  }
0x3c: {  	p2 =	seq.s32 s10, $0x1;
	s10 =	sld [smem:$0x3FB1]  }
0x3d: {  	_ =	shalt  }
0x3e: {  	_ =	shalt  }
0x3f: {  	_ =	shalt  }
0x40: {  	_ =	shalt  }
0x41: {  	_ =	shalt  }
0x42: {  	_ =	shalt  }
0x43: {  	_ =	shalt  }
0x44: {  	_ =	shalt  }
0x45: {  	_ =	shalt  }
0x46: {  	_ =	shalt  }
0x47: {  	_ =	shalt  }
0x48: {  	_ =	shalt  }
0x49: {  	_ =	shalt  }
0x4a: {  	_ =	shalt  }
0x4b: {  	_ =	shalt  }
0x4c: {  	_ =	shalt  }
0x4d: {  	_ =	shalt  }
0x4e: {  	_ =	shalt  }
0x4f: {  	_ =	shalt  }
0x50: {  	_ =	shalt  }
0x51: {  	_ =	shalt  }
0x52: {  	_ =	shalt  }
0x53: {  	_ =	shalt  }
0x54: {  	_ =	shalt  }
0x55: {  	_ =	shalt  }
0x56: {  	_ =	shalt  }
0x57: {  	_ =	shalt  }
0x58: {  	_ =	shalt  }
0x59: {  	_ =	shalt  }
0x5a: {  	_ =	shalt  }
0x5b: {  	_ =	shalt  }
0x5c: {  	_ =	shalt  }
0x5d: {  	_ =	shalt  }
0x5e: {  	_ =	shalt  }
0x5f: {  	_ =	shalt  }
0x60: {  	_ =	shalt  }
0x61: {  	_ =	shalt  }
0x62: {  	_ =	shalt  }
0x63: {  	_ =	shalt  }
0x64: {  	_ =	shalt  }
0x65: {  	_ =	shalt  }
0x66: {  	_ =	shalt  }
0x67: {  	_ =	shalt  }
0x68: {  	_ =	shalt  }
0x69: {  	_ =	shalt  }
0x6a: {  	_ =	shalt  }
0x6b: {  	_ =	shalt  }
0x6c: {  	_ =	shalt  }
0x6d: {  	_ =	shalt  }
0x6e: {  	_ =	shalt  }
0x6f: {  	_ =	shalt  }
0x70: {  	_ =	shalt  }
0x71: {  	_ =	shalt  }
0x72: {  	_ =	shalt  }
0x73: {  	_ =	shalt  }
0x74: {  	_ =	shalt  }
0x75: {  	_ =	shalt  }
0x76: {  	_ =	shalt  }
0x77: {  	_ =	shalt  }
0x78: {  	_ =	shalt  }
0x79: {  	_ =	shalt  }
0x7a: {  	_ =	shalt  }
0x7b: {  	_ =	shalt  }
0x7c: {  	_ =	shalt  }
0x7d: {  	_ =	shalt  }
0x7e: {  	_ =	shalt  }
0x7f: {  	_ =	shalt  }
0x80: {  	_ =	shalt  }
0x81: {  	_ =	shalt  }
0x82: {  	_ =	shalt  }
0x83: {  	_ =	shalt  }
0x84: {  	_ =	shalt  }
0x85: {  	_ =	shalt  }
0x86: {  	_ =	shalt  }
0x87: {  	_ =	shalt  }
.Lfunc_end0:
.L_simem_size_0:
called_computation_lowered:
.L_overlay_start_0:
0x88: {  	s2 =	sld [smem:$0x3FD9]  }
0x89: {  	s3 =	sld [smem:$0x3FFE];
	_ =	sdelay $0x1  }
0x8a: {  	s1 =	srdreg.scid  }
0x8b: {  	s0 =	sand.u32 $0x1, s1  }
0x8c: {  	s17 =	sshll.u32 s0, $0xA;
	s2 =	sadd.s32 s3, s2  }
0x8d: {  	s2 =	sadd.s32 s2, s17  }
0x8e: {  	[smem:$0x3FBD] =	sst s2  }
0x8f: {  	_ = 	snop  }
0x90: {  	(tm) =	ssettm $0x1  }
0x91: {  	s18 =	sld [smem:$0x3FFB];
	_ =	sdelay $0x3  }
0x92: {  	_ =	strace s18  }
0x93: {  	s2 =	sld [smem:$0x3FFC];
	_ =	sdelay $0x3  }
0x94: {  	_ =	strace s2  }
0x95: {  	s2 =	sld [smem:$0x3FFD];
	_ =	sdelay $0x3  }
0x96: {  	_ =	strace s2  }
0x97: {  	_ =	strace $0x8FFFFFFF  }
0x98: {  	s19 =	sld [smem:$0x3FDB];
	_ =	sdelay $0x1  }
0x99: {  	s20 =	simm.s32 $_scs_section_size  }
0x9a: {  	s4 =	simm.s32 $_size__tile_overlayer_lowered;
	s5 =	simm.s32 $_tile_overlayer_lowered  }
0x9b: {  	s6 =	simm.s32 $0x1BFF;
	s21 =	sshll.u32 s5, $0x1;
	s3 =	sadd.s32 s20, s19  }
0x9c: {  	s22 =	simm.s32 $0x0;
	s4 =	sshll.u32 s4, $0x1;
	s5 =	sadd.s32 s21, s3  }
0x9d: {  	[timem:s22], [sflag:s6] =	dma.local [hbm:s5], s4  }
0x9e: {  	_ =	swait.ge [sflag:s6], s4  }
0x9f: {  	s4 =	ssub.s32 $0x0, s4;
	[sflag:s6] =	ssyncset.done $0x0  }
0xa0: {  	[sflag:s6] =	ssyncadd.s32 s4;
	_ =	sdelay $0x1  }
0xa1: {  	s23 =	simm.s32 $0x1B8B  }
0xa2: {  	_ =	swait.ge [sflag:s23], $0x1  }
0xa3: {  	[sflag:s23] =	ssyncset.done $0x0  }
0xa4: {  	[sflag:s23] =	ssyncadd.s32 $0xFFFFFFFF  }
0xa5: {  	s4 =	sld [smem:$0x0]  }
0xa6: {  	s5 =	sand.u32 $0xFFFFFFFE, s1  }
0xa7: {  	p0 =	sne.s32 s1, s5  }
0xa8: {  	s5 =	sshll.u32 @p0 s5, $0xE  }
0xa9: {  	s5 =	sadd.s32 @p0 $0x11B8D, s5;
	s6 =	sshll.u32 @p0 s4, $0x11  }
0xaa: {  	s5 =	sor.u32 @p0 s6, s5  }
0xab: {  	[sflag:s5] =	ssyncadd.remote.s32 @p0 $0x1;
	_ =	sdelay $0x1  }
0xac: {  	s5 =	simm.s32 @p0 $0x1B8D  }
0xad: {  	_ =	swait.eq @p0 [sflag:s5], $0x1  }
0xae: {  	[sflag:s5] =	ssyncadd.s32 @p0 $0xFFFFFFFF  }
0xaf: {  	s6 =	sshll.u32 @!p0 s1, $0xE  }
0xb0: {  	s6 =	sor.u32 @!p0 $0x4000, s6;
	s5 =	simm.s32 @!p0 $0x1B8D  }
0xb1: {  	s4 =	sshll.u32 @!p0 s4, $0x11;
	s6 =	sadd.s32 @!p0 $0x11B8D, s6;
	_ =	swait.eq @!p0 [sflag:s5], $0x1  }
0xb2: {  	s4 =	sor.u32 @!p0 s4, s6;
	[sflag:s5] =	ssyncadd.s32 @!p0 $0xFFFFFFFF  }
0xb3: {  	s25 =	simm.s32 $0x1B8E;
	s24 =	sld [smem:$0x3FFE];
	[sflag:s4] =	ssyncadd.remote.s32 @!p0 $0x1  }
0xb4: {  	s26 =	simm.s32 $execute0_lowered;
	[smem:$0x3FD2] =	sst s25  }
0xb5: {  	s5 =	sshll.u32 s26, $0x1;
	_ =	strace $0x80000049;
	[dreg:$0x1] =	wrdreg $0xFFFFFFFF  }
0xb6: {  	s28 =	simm.s32 $_size_execute0_lowered;
	s3 =	sadd.s32 s3, s5;
	[dreg:$0x0] =	wrdreg $0x0  }
0xb7: {  	s5 =	sshll.u32 s28, $0x1;
	[dreg:$0x2] =	wrdreg s3  }
0xb8: {  	[dreg:$0x3] =	wrdreg s5  }
0xb9: {  	[dreg:$0x4] =	wrdreg $0xC0  }
0xba: {  	_ =	task [dreg:s22], $0x5FFFF  }
0xbb: {  	[dreg:$0x1] =	wrdreg $0xFFFFFFFF  }
0xbc: {  	[dreg:$0x0] =	wrdreg $0x60  }
0xbd: {  	[dreg:$0x2] =	wrdreg s24  }
0xbe: {  	[dreg:$0x3] =	wrdreg $0x48000  }
0xbf: {  	[dreg:$0x4] =	wrdreg $0x9  }
0xc0: {  	_ =	task.clear_ibuf [dreg:s22], $0x5FFFF;
	_ =	strace $0x90000049  }
0xc1: {  	s29 =	simm.s32 $0x9;
	_ =	strace $0x8000004B  }
0xc2: {  	_ =	swait.ge [sflag:s29], $0x1  }
0xc3: {  	[sflag:s29] =	ssyncadd.s32 $0xFFFFFFFF  }
0xc4: {  	_ =	strace $0x9000004B  }
0xc5: {  	_ =	sfence  }
0xc6: {  	s30 =	sld [smem:$0x0];
	_ =	sdelay $0x2  }
0xc7: {  	s31 =	sshll.u32 s1, $0xD;
	s1 =	sshrl.u32 s1, $0x2  }
0xc8: {  	s4 =	sand.u32 $0x4000, s31;
	s1 =	sadd.s32 s1, s30  }
0xc9: {  	s0 =	sor.u32 s4, s0;
	s1 =	sshll.u32 s1, $0x11  }
0xca: {  	s0 =	sor.u32 s1, s0  }
0xcb: {  	s0 =	sadd.s32 $0x8F2B, s0  }
0xcc: {  	[sflag:s0] =	ssyncadd.remote.s32 $0x1  }
0xcd: {  	_ =	sfence.sel $0xFFFF  }
0xce: {  	[dreg:$0x0] =	wrdreg $0xFFFFFFFF;
	(pc) =	sbr.abs _section_cstart, $3  }
0xcf: {  	[dreg:$0x1] =	wrdreg $0xFFFFFFFF  }
0xd0: {  	_ =	task.clear_ibuf [dreg:s22], $0x2FFFF;
	_ =	strace $0x9FFFFFFF  }
0xd1: {  	(tm) =	ssettm $0x7FFFFFFF  }
tec
execute0_lowered:
.L_overlay_start_1:
0x0: {  	(tag) =	ssettag $0x1  }
0x1: {  	s0 =	srdreg.scid;
	s1 =	rddreg [dreg:$0x0]  }
0x2: {  	s23 =	stileid.u32;
	s2 =	rddreg [dreg:$0x1]  }
0x3: {  	s3 =	simm.s32 $0x0;
	s12 =	simm.s32 $0x800;
	s13 =	simm.s32 $0x80  }
0x4: {  	s14 =	simm.s32 $0x100;
	s15 =	simm.s32 $0x180;
	s16 =	simm.s32 $0x200  }
0x5: {  	s17 =	simm.s32 $0x280;
	s18 =	simm.s32 $0x300;
	s19 =	simm.s32 $0x380  }
0x6: {  	s20 =	simm.s32 $0x400;
	s21 =	simm.s32 $0x480;
	s6 =	smul.u32 $0x2800, s23  }
0x7: {  	s22 =	simm.s32 $0x500;
	s28 =	simm.s32 $0x780;
	s24 =	smul.u32 $0x14000, s23  }
0x8: {  	s29 =	simm.s32 $0x0;
	s5 =	sand.u32 $0x1, s0;
	s26 =	smul.u32 $0x50000, s23  }
0x9: {  	[smem:$0x7FF] =	sst s3;
	s31 =	sshll.u32 s23, $0x6;
	s4 =	smul.u32 $0x28000, s5  }
0xa: {  	s23 =	simm.s32 $0x580;
	s7 =	smul.u32 $0x140000, s5;
	s5 =	ssub.s32 $0x2, s5  }
0xb: {  	_ =	strace $0x8000004A;
	s25 =	sshrl.u32 s24, $0x3;
	s30 =	sshrl.u32 s5, $0x1  }
0xc: {  	s4 =	sadd.s32 s6, s4;
	s8 =	sadd.s32 s25, s1;
	s6 =	sadd.s32 s24, s7  }
0xd: {  	s7 =	sshrl.u32 s26, $0x2;
	s10 =	ssub.s32 s5, s30;
	s24 =	simm.s32 $0x600  }
0xe: {  	s25 =	simm.s32 $0x680;
	s26 =	simm.s32 $0x700;
	s4 =	sshrl.u32 s4, $0x3  }
0xf: {  	s6 =	sshrl.u32 s6, $0x3;
	s11 =	sadd.s32 s7, s2;
	s5 =	sadd.s32 $0x34A00, s8  }
0x10: {  	s8 =	smax.u32 s10, $0x1;
	s9 =	sadd.s32 s4, s1;
	s4 =	sadd.s32 $0xACA00, s1  }
0x11: {  	s1 =	sadd.s32 s6, s1;
	s6 =	sor.u32 $0x1C01, s31;
	s10 =	sshrl.u32 s11, $0x3  }
0x12: {  	s11 =	simm.s32 $0x1;
	s7 =	sadd.s32 $0xAD200, s1;
	s9 =	sadd.s32 $0x2A00, s9  }
.LBB2_1:
0x13: {  	[spmem:s10], [sflag:s6] =	dma.local [hbm:s5], $0x2800  }
0x14: {  	_ =	swait.ge [sflag:s11], $0x2800  }
0x15: {  	[sflag:s11] =	ssyncset.done $0x0  }
0x16: {  	[sflag:s11] =	ssyncadd.s32 $0xFFFFD800  }
0x17: {  	[tilespmem:s12], [sflag:$0x1] =	stream.linear.gather [hbm4b:s4+s3], $0x4000, $0x38;
	[tilespmem:$0x18800] =	vst v63  }
0x18: {  	_ =	swait.ge [sflag:s11], $0x4000  }
0x19: {  	[sflag:s11] =	ssyncset.done $0x0  }
0x1a: {  	[sflag:s11] =	ssyncadd.s32 $0xFFFFC000  }
0x1b: {  	s1 =	sadd.s32 $0x0, s9;
	[bflag:$0x0] =	sbarrier.arrive $0xFFFF  }
0x1c: {  	[tilespmem:s3], [sflag:$0x1] =	stream.linear.gather [hbm4b:s1+s3], $0x800, $0x38;
	[tilespmem:$0x18800] =	vst v63  }
0x1d: {  	_ =	swait.ge [sflag:s11], $0x800  }
0x1e: {  	[sflag:s11] =	ssyncset.done $0x0  }
0x1f: {  	[sflag:s11] =	ssyncadd.s32 $0xFFFFF800  }
0x20: {  	[spmem:s2] =	stream.indirect.scatter.add.f32 [tilespmem:s12], [sflag:$0x1], $0x80, s3, s13, $0xb8;
	[tilespmem:$0x18800] =	vst v63  }
0x21: {  	_ =	swait.ge [sflag:s11], $0x4000  }
0x22: {  	[sflag:s11] =	ssyncset.done $0x0  }
0x23: {  	[sflag:s11] =	ssyncadd.s32 $0xFFFFC000  }
0x24: {  	[spmem:s2] =	stream.indirect.scatter.add.f32 [tilespmem:s12], [sflag:$0x1], $0x80, s13, s13, $0xb8;
	[tilespmem:$0x18800] =	vst v63  }
0x25: {  	_ =	swait.ge [sflag:s11], $0x4000  }
0x26: {  	[sflag:s11] =	ssyncset.done $0x0  }
0x27: {  	[sflag:s11] =	ssyncadd.s32 $0xFFFFC000  }
0x28: {  	[spmem:s2] =	stream.indirect.scatter.add.f32 [tilespmem:s12], [sflag:$0x1], $0x80, s14, s13, $0xb8;
	[tilespmem:$0x18800] =	vst v63  }
0x29: {  	_ =	swait.ge [sflag:s11], $0x4000  }
0x2a: {  	[sflag:s11] =	ssyncset.done $0x0  }
0x2b: {  	[sflag:s11] =	ssyncadd.s32 $0xFFFFC000  }
0x2c: {  	[spmem:s2] =	stream.indirect.scatter.add.f32 [tilespmem:s12], [sflag:$0x1], $0x80, s15, s13, $0xb8;
	[tilespmem:$0x18800] =	vst v63  }
0x2d: {  	_ =	swait.ge [sflag:s11], $0x4000  }
0x2e: {  	[sflag:s11] =	ssyncset.done $0x0  }
0x2f: {  	[sflag:s11] =	ssyncadd.s32 $0xFFFFC000  }
0x30: {  	[spmem:s2] =	stream.indirect.scatter.add.f32 [tilespmem:s12], [sflag:$0x1], $0x80, s16, s13, $0xb8;
	[tilespmem:$0x18800] =	vst v63  }
0x31: {  	_ =	swait.ge [sflag:s11], $0x4000  }
0x32: {  	[sflag:s11] =	ssyncset.done $0x0  }
0x33: {  	[sflag:s11] =	ssyncadd.s32 $0xFFFFC000  }
0x34: {  	[spmem:s2] =	stream.indirect.scatter.add.f32 [tilespmem:s12], [sflag:$0x1], $0x80, s17, s13, $0xb8;
	[tilespmem:$0x18800] =	vst v63  }
0x35: {  	_ =	swait.ge [sflag:s11], $0x4000  }
0x36: {  	[sflag:s11] =	ssyncset.done $0x0  }
0x37: {  	[sflag:s11] =	ssyncadd.s32 $0xFFFFC000  }
0x38: {  	[spmem:s2] =	stream.indirect.scatter.add.f32 [tilespmem:s12], [sflag:$0x1], $0x80, s18, s13, $0xb8;
	[tilespmem:$0x18800] =	vst v63  }
0x39: {  	_ =	swait.ge [sflag:s11], $0x4000  }
0x3a: {  	[sflag:s11] =	ssyncset.done $0x0  }
0x3b: {  	[sflag:s11] =	ssyncadd.s32 $0xFFFFC000  }
0x3c: {  	[spmem:s2] =	stream.indirect.scatter.add.f32 [tilespmem:s12], [sflag:$0x1], $0x80, s19, s13, $0xb8;
	[tilespmem:$0x18800] =	vst v63  }
0x3d: {  	_ =	swait.ge [sflag:s11], $0x4000  }
0x3e: {  	[sflag:s11] =	ssyncset.done $0x0  }
0x3f: {  	[sflag:s11] =	ssyncadd.s32 $0xFFFFC000  }
0x40: {  	[spmem:s2] =	stream.indirect.scatter.add.f32 [tilespmem:s12], [sflag:$0x1], $0x80, s20, s13, $0xb8;
	[tilespmem:$0x18800] =	vst v63  }
0x41: {  	_ =	swait.ge [sflag:s11], $0x4000  }
0x42: {  	[sflag:s11] =	ssyncset.done $0x0  }
0x43: {  	[sflag:s11] =	ssyncadd.s32 $0xFFFFC000  }
0x44: {  	[spmem:s2] =	stream.indirect.scatter.add.f32 [tilespmem:s12], [sflag:$0x1], $0x80, s21, s13, $0xb8;
	[tilespmem:$0x18800] =	vst v63  }
0x45: {  	_ =	swait.ge [sflag:s11], $0x4000  }
0x46: {  	[sflag:s11] =	ssyncset.done $0x0  }
0x47: {  	[sflag:s11] =	ssyncadd.s32 $0xFFFFC000  }
0x48: {  	[spmem:s2] =	stream.indirect.scatter.add.f32 [tilespmem:s12], [sflag:$0x1], $0x80, s22, s13, $0xb8;
	[tilespmem:$0x18800] =	vst v63  }
0x49: {  	_ =	swait.ge [sflag:s11], $0x4000  }
0x4a: {  	[sflag:s11] =	ssyncset.done $0x0  }
0x4b: {  	[sflag:s11] =	ssyncadd.s32 $0xFFFFC000  }
0x4c: {  	[spmem:s2] =	stream.indirect.scatter.add.f32 [tilespmem:s12], [sflag:$0x1], $0x80, s23, s13, $0xb8;
	[tilespmem:$0x18800] =	vst v63  }
0x4d: {  	_ =	swait.ge [sflag:s11], $0x4000  }
0x4e: {  	[sflag:s11] =	ssyncset.done $0x0  }
0x4f: {  	[sflag:s11] =	ssyncadd.s32 $0xFFFFC000  }
0x50: {  	[spmem:s2] =	stream.indirect.scatter.add.f32 [tilespmem:s12], [sflag:$0x1], $0x80, s24, s13, $0xb8;
	[tilespmem:$0x18800] =	vst v63  }
0x51: {  	_ =	swait.ge [sflag:s11], $0x4000  }
0x52: {  	[sflag:s11] =	ssyncset.done $0x0  }
0x53: {  	[sflag:s11] =	ssyncadd.s32 $0xFFFFC000  }
0x54: {  	[spmem:s2] =	stream.indirect.scatter.add.f32 [tilespmem:s12], [sflag:$0x1], $0x80, s25, s13, $0xb8;
	[tilespmem:$0x18800] =	vst v63  }
0x55: {  	_ =	swait.ge [sflag:s11], $0x4000  }
0x56: {  	[sflag:s11] =	ssyncset.done $0x0  }
0x57: {  	[sflag:s11] =	ssyncadd.s32 $0xFFFFC000  }
0x58: {  	[spmem:s2] =	stream.indirect.scatter.add.f32 [tilespmem:s12], [sflag:$0x1], $0x80, s26, s13, $0xb8;
	[tilespmem:$0x18800] =	vst v63  }
0x59: {  	_ =	swait.ge [sflag:s11], $0x4000  }
0x5a: {  	[sflag:s11] =	ssyncset.done $0x0  }
0x5b: {  	[sflag:s11] =	ssyncadd.s32 $0xFFFFC000  }
0x5c: {  	[spmem:s2] =	stream.indirect.scatter.add.f32 [tilespmem:s12], [sflag:$0x1], $0x80, s28, s13, $0xb8;
	[tilespmem:$0x18800] =	vst v63  }
0x5d: {  	_ =	swait.ge [sflag:s11], $0x4000  }
0x5e: {  	s30 =	simm.s32 $0x100;
	s31 =	simm.s32 $0x200;
	[sflag:s11] =	ssyncset.done $0x0  }
.LBB2_2:
0x5f: {  	s0 =	sadd.s32 s30, s9  }
0x60: {  	[sflag:s11] =	ssyncadd.s32 $0xFFFFC000;
	s30 =	smov.u32 s31;
	s1 =	sadd.s32 $0x100, s31  }
0x61: {  	[tilespmem:s3], [sflag:$0x1] =	stream.linear.gather [hbm4b:s0+s3], $0x800, $0x38;
	[tilespmem:$0x18800] =	vst v63  }
0x62: {  	p0 =	sne.s32 s31, $0x400;
	_ =	swait.ge [sflag:s11], $0x800  }
0x63: {  	[sflag:s11] =	ssyncset.done $0x0  }
0x64: {  	[sflag:s11] =	ssyncadd.s32 $0xFFFFF800  }
0x65: {  	[spmem:s2] =	stream.indirect.scatter.add.f32 [tilespmem:s12], [sflag:$0x1], $0x80, s3, s13, $0xb8;
	[tilespmem:$0x18800] =	vst v63  }
0x66: {  	_ =	swait.ge [sflag:s11], $0x4000  }
0x67: {  	[sflag:s11] =	ssyncset.done $0x0  }
0x68: {  	[sflag:s11] =	ssyncadd.s32 $0xFFFFC000  }
0x69: {  	[spmem:s2] =	stream.indirect.scatter.add.f32 [tilespmem:s12], [sflag:$0x1], $0x80, s13, s13, $0xb8;
	[tilespmem:$0x18800] =	vst v63  }
0x6a: {  	_ =	swait.ge [sflag:s11], $0x4000  }
0x6b: {  	[sflag:s11] =	ssyncset.done $0x0  }
0x6c: {  	[sflag:s11] =	ssyncadd.s32 $0xFFFFC000  }
0x6d: {  	[spmem:s2] =	stream.indirect.scatter.add.f32 [tilespmem:s12], [sflag:$0x1], $0x80, s14, s13, $0xb8;
	[tilespmem:$0x18800] =	vst v63  }
0x6e: {  	_ =	swait.ge [sflag:s11], $0x4000  }
0x6f: {  	[sflag:s11] =	ssyncset.done $0x0  }
0x70: {  	[sflag:s11] =	ssyncadd.s32 $0xFFFFC000  }
0x71: {  	[spmem:s2] =	stream.indirect.scatter.add.f32 [tilespmem:s12], [sflag:$0x1], $0x80, s15, s13, $0xb8;
	[tilespmem:$0x18800] =	vst v63  }
0x72: {  	_ =	swait.ge [sflag:s11], $0x4000  }
0x73: {  	[sflag:s11] =	ssyncset.done $0x0  }
0x74: {  	[sflag:s11] =	ssyncadd.s32 $0xFFFFC000  }
0x75: {  	[spmem:s2] =	stream.indirect.scatter.add.f32 [tilespmem:s12], [sflag:$0x1], $0x80, s16, s13, $0xb8;
	[tilespmem:$0x18800] =	vst v63  }
0x76: {  	_ =	swait.ge [sflag:s11], $0x4000  }
0x77: {  	[sflag:s11] =	ssyncset.done $0x0  }
0x78: {  	[sflag:s11] =	ssyncadd.s32 $0xFFFFC000  }
0x79: {  	[spmem:s2] =	stream.indirect.scatter.add.f32 [tilespmem:s12], [sflag:$0x1], $0x80, s17, s13, $0xb8;
	[tilespmem:$0x18800] =	vst v63  }
0x7a: {  	_ =	swait.ge [sflag:s11], $0x4000  }
0x7b: {  	[sflag:s11] =	ssyncset.done $0x0  }
0x7c: {  	[sflag:s11] =	ssyncadd.s32 $0xFFFFC000  }
0x7d: {  	[spmem:s2] =	stream.indirect.scatter.add.f32 [tilespmem:s12], [sflag:$0x1], $0x80, s18, s13, $0xb8;
	[tilespmem:$0x18800] =	vst v63  }
0x7e: {  	_ =	swait.ge [sflag:s11], $0x4000  }
0x7f: {  	[sflag:s11] =	ssyncset.done $0x0  }
0x80: {  	[sflag:s11] =	ssyncadd.s32 $0xFFFFC000  }
0x81: {  	[spmem:s2] =	stream.indirect.scatter.add.f32 [tilespmem:s12], [sflag:$0x1], $0x80, s19, s13, $0xb8;
	[tilespmem:$0x18800] =	vst v63  }
0x82: {  	_ =	swait.ge [sflag:s11], $0x4000  }
0x83: {  	[sflag:s11] =	ssyncset.done $0x0  }
0x84: {  	[sflag:s11] =	ssyncadd.s32 $0xFFFFC000  }
0x85: {  	[spmem:s2] =	stream.indirect.scatter.add.f32 [tilespmem:s12], [sflag:$0x1], $0x80, s20, s13, $0xb8;
	[tilespmem:$0x18800] =	vst v63  }
0x86: {  	_ =	swait.ge [sflag:s11], $0x4000  }
0x87: {  	[sflag:s11] =	ssyncset.done $0x0  }
0x88: {  	[sflag:s11] =	ssyncadd.s32 $0xFFFFC000  }
0x89: {  	[spmem:s2] =	stream.indirect.scatter.add.f32 [tilespmem:s12], [sflag:$0x1], $0x80, s21, s13, $0xb8;
	[tilespmem:$0x18800] =	vst v63  }
0x8a: {  	_ =	swait.ge [sflag:s11], $0x4000  }
0x8b: {  	[sflag:s11] =	ssyncset.done $0x0  }
0x8c: {  	[sflag:s11] =	ssyncadd.s32 $0xFFFFC000  }
0x8d: {  	[spmem:s2] =	stream.indirect.scatter.add.f32 [tilespmem:s12], [sflag:$0x1], $0x80, s22, s13, $0xb8;
	[tilespmem:$0x18800] =	vst v63  }
0x8e: {  	_ =	swait.ge [sflag:s11], $0x4000  }
0x8f: {  	[sflag:s11] =	ssyncset.done $0x0  }
0x90: {  	[sflag:s11] =	ssyncadd.s32 $0xFFFFC000  }
0x91: {  	[spmem:s2] =	stream.indirect.scatter.add.f32 [tilespmem:s12], [sflag:$0x1], $0x80, s23, s13, $0xb8;
	[tilespmem:$0x18800] =	vst v63  }
0x92: {  	_ =	swait.ge [sflag:s11], $0x4000  }
0x93: {  	[sflag:s11] =	ssyncset.done $0x0  }
0x94: {  	[sflag:s11] =	ssyncadd.s32 $0xFFFFC000  }
0x95: {  	[spmem:s2] =	stream.indirect.scatter.add.f32 [tilespmem:s12], [sflag:$0x1], $0x80, s24, s13, $0xb8;
	[tilespmem:$0x18800] =	vst v63  }
0x96: {  	_ =	swait.ge [sflag:s11], $0x4000  }
0x97: {  	[sflag:s11] =	ssyncset.done $0x0  }
0x98: {  	[sflag:s11] =	ssyncadd.s32 $0xFFFFC000  }
0x99: {  	[spmem:s2] =	stream.indirect.scatter.add.f32 [tilespmem:s12], [sflag:$0x1], $0x80, s25, s13, $0xb8;
	[tilespmem:$0x18800] =	vst v63  }
0x9a: {  	_ =	swait.ge [sflag:s11], $0x4000  }
0x9b: {  	[sflag:s11] =	ssyncset.done $0x0  }
0x9c: {  	[sflag:s11] =	ssyncadd.s32 $0xFFFFC000  }
0x9d: {  	[spmem:s2] =	stream.indirect.scatter.add.f32 [tilespmem:s12], [sflag:$0x1], $0x80, s26, s13, $0xb8;
	[tilespmem:$0x18800] =	vst v63  }
0x9e: {  	_ =	swait.ge [sflag:s11], $0x4000  }
.Ltmp0:
0x9f: {  	[sflag:s11] =	ssyncset.done $0x0;
	(pc) =	sbr.rel @p0 .LBB2_2-.Ltmp0, $4  }
0xa0: {  	[sflag:s11] =	ssyncadd.s32 $0xFFFFC000  }
0xa1: {  	[spmem:s2] =	stream.indirect.scatter.add.f32 [tilespmem:s12], [sflag:$0x1], $0x80, s28, s13, $0xb8;
	[tilespmem:$0x18800] =	vst v63  }
0xa2: {  	_ =	swait.ge [sflag:s11], $0x4000  }
0xa3: {  	s31 =	smov.u32 s1;
	[sflag:s11] =	ssyncset.done $0x0  }
0xa4: {  	s0 =	sadd.s32 s30, s9;
	[sflag:s11] =	ssyncadd.s32 $0xFFFFC000  }
0xa5: {  	[tilespmem:s3], [sflag:$0x1] =	stream.linear.gather [hbm4b:s0+s3], $0x800, $0x38;
	[tilespmem:$0x18800] =	vst v63  }
0xa6: {  	_ =	swait.ge [sflag:s11], $0x800  }
0xa7: {  	[sflag:s11] =	ssyncset.done $0x0  }
0xa8: {  	[sflag:s11] =	ssyncadd.s32 $0xFFFFF800  }
0xa9: {  	[spmem:s2] =	stream.indirect.scatter.add.f32 [tilespmem:s12], [sflag:$0x1], $0x80, s3, s13, $0xb8;
	[tilespmem:$0x18800] =	vst v63  }
0xaa: {  	_ =	swait.ge [sflag:s11], $0x4000  }
0xab: {  	[sflag:s11] =	ssyncset.done $0x0  }
0xac: {  	[sflag:s11] =	ssyncadd.s32 $0xFFFFC000  }
0xad: {  	[spmem:s2] =	stream.indirect.scatter.add.f32 [tilespmem:s12], [sflag:$0x1], $0x80, s13, s13, $0xb8;
	[tilespmem:$0x18800] =	vst v63  }
0xae: {  	_ =	swait.ge [sflag:s11], $0x4000  }
0xaf: {  	[sflag:s11] =	ssyncset.done $0x0  }
0xb0: {  	[sflag:s11] =	ssyncadd.s32 $0xFFFFC000  }
0xb1: {  	[spmem:s2] =	stream.indirect.scatter.add.f32 [tilespmem:s12], [sflag:$0x1], $0x80, s14, s13, $0xb8;
	[tilespmem:$0x18800] =	vst v63  }
0xb2: {  	_ =	swait.ge [sflag:s11], $0x4000  }
0xb3: {  	[sflag:s11] =	ssyncset.done $0x0  }
0xb4: {  	[sflag:s11] =	ssyncadd.s32 $0xFFFFC000  }
0xb5: {  	[spmem:s2] =	stream.indirect.scatter.add.f32 [tilespmem:s12], [sflag:$0x1], $0x80, s15, s13, $0xb8;
	[tilespmem:$0x18800] =	vst v63  }
0xb6: {  	_ =	swait.ge [sflag:s11], $0x4000  }
0xb7: {  	[sflag:s11] =	ssyncset.done $0x0  }
0xb8: {  	[sflag:s11] =	ssyncadd.s32 $0xFFFFC000  }
0xb9: {  	[spmem:s2] =	stream.indirect.scatter.add.f32 [tilespmem:s12], [sflag:$0x1], $0x80, s16, s13, $0xb8;
	[tilespmem:$0x18800] =	vst v63  }
0xba: {  	_ =	swait.ge [sflag:s11], $0x4000  }
0xbb: {  	[sflag:s11] =	ssyncset.done $0x0  }
0xbc: {  	[sflag:s11] =	ssyncadd.s32 $0xFFFFC000  }
0xbd: {  	[spmem:s2] =	stream.indirect.scatter.add.f32 [tilespmem:s12], [sflag:$0x1], $0x80, s17, s13, $0xb8;
	[tilespmem:$0x18800] =	vst v63  }
0xbe: {  	_ =	swait.ge [sflag:s11], $0x4000  }
0xbf: {  	[sflag:s11] =	ssyncset.done $0x0  }
0xc0: {  	[sflag:s11] =	ssyncadd.s32 $0xFFFFC000  }
0xc1: {  	[spmem:s2] =	stream.indirect.scatter.add.f32 [tilespmem:s12], [sflag:$0x1], $0x80, s18, s13, $0xb8;
	[tilespmem:$0x18800] =	vst v63  }
0xc2: {  	_ =	swait.ge [sflag:s11], $0x4000  }
0xc3: {  	[sflag:s11] =	ssyncset.done $0x0  }
0xc4: {  	[sflag:s11] =	ssyncadd.s32 $0xFFFFC000  }
0xc5: {  	[spmem:s2] =	stream.indirect.scatter.add.f32 [tilespmem:s12], [sflag:$0x1], $0x80, s19, s13, $0xb8;
	[tilespmem:$0x18800] =	vst v63  }
0xc6: {  	_ =	swait.ge [sflag:s11], $0x4000  }
0xc7: {  	[sflag:s11] =	ssyncset.done $0x0  }
0xc8: {  	[sflag:s11] =	ssyncadd.s32 $0xFFFFC000  }
0xc9: {  	[spmem:s2] =	stream.indirect.scatter.add.f32 [tilespmem:s12], [sflag:$0x1], $0x80, s20, s13, $0xb8;
	[tilespmem:$0x18800] =	vst v63  }
0xca: {  	_ =	swait.ge [sflag:s11], $0x4000  }
0xcb: {  	[sflag:s11] =	ssyncset.done $0x0  }
0xcc: {  	[sflag:s11] =	ssyncadd.s32 $0xFFFFC000  }
0xcd: {  	[spmem:s2] =	stream.indirect.scatter.add.f32 [tilespmem:s12], [sflag:$0x1], $0x80, s21, s13, $0xb8;
	[tilespmem:$0x18800] =	vst v63  }
0xce: {  	_ =	swait.ge [sflag:s11], $0x4000  }
0xcf: {  	[sflag:s11] =	ssyncset.done $0x0  }
0xd0: {  	[sflag:s11] =	ssyncadd.s32 $0xFFFFC000  }
0xd1: {  	[spmem:s2] =	stream.indirect.scatter.add.f32 [tilespmem:s12], [sflag:$0x1], $0x80, s22, s13, $0xb8;
	[tilespmem:$0x18800] =	vst v63  }
0xd2: {  	_ =	swait.ge [sflag:s11], $0x4000  }
0xd3: {  	[sflag:s11] =	ssyncset.done $0x0  }
0xd4: {  	[sflag:s11] =	ssyncadd.s32 $0xFFFFC000  }
0xd5: {  	[spmem:s2] =	stream.indirect.scatter.add.f32 [tilespmem:s12], [sflag:$0x1], $0x80, s23, s13, $0xb8;
	[tilespmem:$0x18800] =	vst v63  }
0xd6: {  	_ =	swait.ge [sflag:s11], $0x4000  }
0xd7: {  	[sflag:s11] =	ssyncset.done $0x0  }
0xd8: {  	[sflag:s11] =	ssyncadd.s32 $0xFFFFC000  }
0xd9: {  	[spmem:s2] =	stream.indirect.scatter.add.f32 [tilespmem:s12], [sflag:$0x1], $0x80, s24, s13, $0xb8;
	[tilespmem:$0x18800] =	vst v63  }
0xda: {  	_ =	swait.ge [sflag:s11], $0x4000  }
0xdb: {  	[sflag:s11] =	ssyncset.done $0x0  }
0xdc: {  	[sflag:s11] =	ssyncadd.s32 $0xFFFFC000  }
0xdd: {  	[spmem:s2] =	stream.indirect.scatter.add.f32 [tilespmem:s12], [sflag:$0x1], $0x80, s25, s13, $0xb8;
	[tilespmem:$0x18800] =	vst v63  }
0xde: {  	_ =	swait.ge [sflag:s11], $0x4000  }
0xdf: {  	[sflag:s11] =	ssyncset.done $0x0  }
0xe0: {  	[sflag:s11] =	ssyncadd.s32 $0xFFFFC000  }
0xe1: {  	[spmem:s2] =	stream.indirect.scatter.add.f32 [tilespmem:s12], [sflag:$0x1], $0x80, s26, s13, $0xb8;
	[tilespmem:$0x18800] =	vst v63  }
0xe2: {  	_ =	swait.ge [sflag:s11], $0x4000  }
0xe3: {  	[sflag:s11] =	ssyncset.done $0x0  }
0xe4: {  	[sflag:s11] =	ssyncadd.s32 $0xFFFFC000  }
0xe5: {  	[spmem:s2] =	stream.indirect.scatter.add.f32 [tilespmem:s12], [sflag:$0x1], $0x80, s28, s13, $0xb8;
	[tilespmem:$0x18800] =	vst v63  }
0xe6: {  	_ =	swait.ge [sflag:s11], $0x4000  }
0xe7: {  	s29 =	sadd.s32 $0x1, s29;
	[sflag:s11] =	ssyncset.done $0x0  }
0xe8: {  	p0 =	sne.s32 s29, s8;
	[sflag:s11] =	ssyncadd.s32 $0xFFFFC000  }
.Ltmp1:
0xe9: {  	[bflag:$0x0] =	sbarrier.arrive $0xFFFF;
	(pc) =	sbr.rel @p0 .LBB2_1-.Ltmp1, $4  }
0xea: {  	[hbm:s7], [sflag:s6] =	dma.local [spmem:s10], $0x2800  }
0xeb: {  	_ =	swait.ge [sflag:s11], $0x2800  }
0xec: {  	[sflag:s11] =	ssyncset.done $0x0  }
0xed: {  	[sflag:s11] =	ssyncadd.s32 $0xFFFFD800  }
0xee: {  	_ =	sfence.sel $0x180000  }
0xef: {  	[bflag:$0x0] =	sbarrier.arrive $0xFFFF  }
0xf0: {  	_ =	strace $0x9000004A  }
0xf1: {  	s0 =	stileid.u32;
	[bflag:$0x2] =	sbarrier.arrive $0xFFFF  }
0xf2: {  	p0 =	sne.s32 s0, $0x0;
	s0 =	rddreg [dreg:$0x2]  }
0xf3: {  	s0 =	sadd.s32 @!p0 $0x100000, s0  }
0xf4: {  	[sflag:s0] =	ssyncadd.tile.s32 @!p0 $0x1;
	_ =	shalt  }
.Lfunc_end2:
_tile_overlayer_lowered:
.L_overlay_start_2:
0xf5: {  	(tag) =	ssettag $0x2  }
0xf6: {  	s0 =	rddreg [dreg:$0x0];
	s2 =	stileid.u32  }
0xf7: {  	s1 =	rddreg [dreg:$0x1];
	p0 =	sne.s32 s2, $0x0  }
0xf8: {  	s3 =	rddreg [dreg:$0x2];
	[bflag:$0x3] =	sbarrier.arrive $0xFFFF;
	s2 =	simm.s32 @!p0 $0x1C01  }
0xf9: {  	[timem:s3], [sflag:s2] =	dma.local @!p0 [hbm:s0], s1  }
0xfa: {  	s0 =	simm.s32 @!p0 $0x1  }
0xfb: {  	_ =	swait.ge @!p0 [sflag:s0], s1  }
0xfc: {  	s1 =	ssub.s32 @!p0 $0x0, s1;
	[sflag:s0] =	ssyncset.done @!p0 $0x0  }
0xfd: {  	[sflag:s0] =	ssyncadd.s32 @!p0 s1  }
0xfe: {  	[bflag:$0x3] =	sbarrier.arrive $0xFFFF  }
0xff: {  	_ =	shalt  }

// kernel: kernel.13.cloned.1.call-start
scs
__scs_entry_jumppad:
0x0: {  	(pc) =	sbr.rel $0x88, $3  }
0x1: {  	(tag) =	ssettag $0x0;
	lr =	simm.s32 $0x1  }
0x2: {  	[smem:$0x3F96] =	sst lr;
	_ =	strace $0xD0000000  }
0x3: {  	_ = 	snop  }
0x4: {  	_ = 	snop  }
0x5: {  	_ = 	snop  }
0x6: {  	_ = 	snop  }
0x7: {  	_ = 	snop  }
__scs_overlays_trampoline_lowered:
0x8: {  	[smem:$0x3FA5] =	sst s0  }
0x9: {  	[smem:$0x3FA6] =	sst s1  }
0xa: {  	[smem:$0x3FA7] =	sst s2  }
0xb: {  	[smem:$0x3FA8] =	sst s3  }
0xc: {  	[smem:$0x3FA9] =	sst s4  }
0xd: {  	[smem:$0x3FAA] =	sst s5  }
0xe: {  	[smem:$0x3FAB] =	sst s6  }
0xf: {  	[smem:$0x3FAC] =	sst s7  }
0x10: {  	[smem:$0x3FAD] =	sst s8  }
0x11: {  	[smem:$0x3FAE] =	sst s9;
	s0 =	simm.s32 @!p0 $0x0  }
0x12: {  	s1 =	sld [smem:$0x3F94];
	s0 =	simm.s32 @p0 $0x1  }
0x13: {  	[smem:$0x3FAF] =	sst s0;
	s0 =	simm.s32 @!p1 $0x0  }
0x14: {  	s2 =	sld [smem:$0x3F93];
	s0 =	simm.s32 @p1 $0x1  }
0x15: {  	[smem:$0x3FB0] =	sst s0;
	s0 =	simm.s32 @!p2 $0x0  }
0x16: {  	s3 =	sld [smem:$0x3FDB];
	s0 =	simm.s32 @p2 $0x1  }
0x17: {  	s4 =	simm.s32 $0x1BF5;
	[smem:$0x3FB2] =	sst s0  }
0x18: {  	s0 =	sld [smem:$0x3F95];
	_ =	swait.ge [sflag:s4], $0x0  }
0x19: {  	s7 =	sld [smem:$0x3F96]  }
0x1a: {  	s8 =	sadd.s32 $0xFFFFE003, lr  }
0x1b: {  	s9 =	sadd.s32 $0xFFFFFEF7, lr;
	s5 =	simm.s32 $0xFFFFFFFF;
	p2 =	slt.u32 s8, $0xFFFFF086  }
0x1c: {  	p1 =	slt.u32 s9, $0xF7A;
	s5 =	simm.s32 @!p2 $0x0  }
0x1d: {  	s5 =	simm.s32 @p1 $0x1;
	p0 =	seq.s32 s7, s2  }
0x1e: {  	s7 =	smul.u32 @!p0 $0xF7A, s2;
	p2 =	seq.s32 @!p0 s5, $0x0  }
0x1f: {  	s9 =	smul.u32 $0xF7A, s1;
	s8 =	simm.s32 @!p0 $0x1BF5;
	p2 =	por !p2, p0  }
0x20: {  	[sflag:s8] =	ssyncset.s32 @!p0 $0xFFFFF086;
	s6 =	sadd.s32 @!p0 s3, s7;
	s7 =	simm.s32 @!p0 $0x108  }
0x21: {  	s3 =	sadd.s32 s3, s9;
	s6 =	sadd.s32 @!p0 $0x88, s6;
	s7 =	simm.s32 @p2 $0x1082  }
0x22: {  	[simem:s7], [sflag:s8] =	dma.local @!p0 [hbm:s6], $0xF7A  }
0x23: {  	s9 =	sor.u32 $0xD0000000, s2;
	s6 =	simm.s32 $0x108;
	_ =	swait.ge @!p0 [sflag:s8], $0x0  }
0x24: {  	s3 =	sadd.s32 $0x88, s3;
	s6 =	simm.s32 @!p1 $0x1082;
	[sflag:s4] =	ssyncset.s32 $0xFFFFF086  }
0x25: {  	[simem:s6], [sflag:s4] =	dma.local [hbm:s3], $0xF7A  }
0x26: {  	[smem:$0x3F96] =	sst s1;
	(tag) =	ssettag s2;
	_ =	strace s9  }
0x27: {  	s1 =	sld [smem:$0x3FA6]  }
0x28: {  	s2 =	sld [smem:$0x3FA7]  }
0x29: {  	s4 =	sld [smem:$0x3FA9]  }
0x2a: {  	p0 =	seq.s32 s5, $0x0;
	s5 =	sld [smem:$0x3FAA]  }
0x2b: {  	s6 =	sld [smem:$0x3FAB]  }
0x2c: {  	s7 =	sld [smem:$0x3FAC]  }
0x2d: {  	s3 =	simm.s32 $0x108;
	s8 =	sld [smem:$0x3FAD]  }
0x2e: {  	s3 =	simm.s32 @!p0 $0x1082;
	s9 =	sld [smem:$0x3FAE]  }
0x2f: {  	lr =	sadd.s32 s0, s3;
	s0 =	sld [smem:$0x3FA5]  }
0x30: {  	s3 =	sld [smem:$0x3FA8]  }
0x31: {  	[smem:$0x3FB1] =	sst s10  }
0x32: {  	s10 =	sld [smem:$0x3FAF];
	_ =	sdelay $0x3  }
0x33: {  	p0 =	seq.s32 s10, $0x1;
	s10 =	sld [smem:$0x3FB1];
	_ =	sdelay $0x3  }
0x34: {  	[smem:$0x3FB1] =	sst s10  }
0x35: {  	s10 =	sld [smem:$0x3FB0];
	_ =	sdelay $0x3  }
0x36: {  	p1 =	seq.s32 s10, $0x1;
	s10 =	sld [smem:$0x3FB1];
	_ =	sdelay $0x3  }
0x37: {  	[smem:$0x3FB1] =	sst s10  }
0x38: {  	s10 =	sld [smem:$0x3FB2]  }
0x39: {  	_ = 	snop;
	(pc) =	sbr.ind lr, $3  }
0x3a: {  	_ = 	snop  }
0x3b: {  	_ = 	snop  }
0x3c: {  	p2 =	seq.s32 s10, $0x1;
	s10 =	sld [smem:$0x3FB1]  }
0x3d: {  	_ =	shalt  }
0x3e: {  	_ =	shalt  }
0x3f: {  	_ =	shalt  }
0x40: {  	_ =	shalt  }
0x41: {  	_ =	shalt  }
0x42: {  	_ =	shalt  }
0x43: {  	_ =	shalt  }
0x44: {  	_ =	shalt  }
0x45: {  	_ =	shalt  }
0x46: {  	_ =	shalt  }
0x47: {  	_ =	shalt  }
0x48: {  	_ =	shalt  }
0x49: {  	_ =	shalt  }
0x4a: {  	_ =	shalt  }
0x4b: {  	_ =	shalt  }
0x4c: {  	_ =	shalt  }
0x4d: {  	_ =	shalt  }
0x4e: {  	_ =	shalt  }
0x4f: {  	_ =	shalt  }
0x50: {  	_ =	shalt  }
0x51: {  	_ =	shalt  }
0x52: {  	_ =	shalt  }
0x53: {  	_ =	shalt  }
0x54: {  	_ =	shalt  }
0x55: {  	_ =	shalt  }
0x56: {  	_ =	shalt  }
0x57: {  	_ =	shalt  }
0x58: {  	_ =	shalt  }
0x59: {  	_ =	shalt  }
0x5a: {  	_ =	shalt  }
0x5b: {  	_ =	shalt  }
0x5c: {  	_ =	shalt  }
0x5d: {  	_ =	shalt  }
0x5e: {  	_ =	shalt  }
0x5f: {  	_ =	shalt  }
0x60: {  	_ =	shalt  }
0x61: {  	_ =	shalt  }
0x62: {  	_ =	shalt  }
0x63: {  	_ =	shalt  }
0x64: {  	_ =	shalt  }
0x65: {  	_ =	shalt  }
0x66: {  	_ =	shalt  }
0x67: {  	_ =	shalt  }
0x68: {  	_ =	shalt  }
0x69: {  	_ =	shalt  }
0x6a: {  	_ =	shalt  }
0x6b: {  	_ =	shalt  }
0x6c: {  	_ =	shalt  }
0x6d: {  	_ =	shalt  }
0x6e: {  	_ =	shalt  }
0x6f: {  	_ =	shalt  }
0x70: {  	_ =	shalt  }
0x71: {  	_ =	shalt  }
0x72: {  	_ =	shalt  }
0x73: {  	_ =	shalt  }
0x74: {  	_ =	shalt  }
0x75: {  	_ =	shalt  }
0x76: {  	_ =	shalt  }
0x77: {  	_ =	shalt  }
0x78: {  	_ =	shalt  }
0x79: {  	_ =	shalt  }
0x7a: {  	_ =	shalt  }
0x7b: {  	_ =	shalt  }
0x7c: {  	_ =	shalt  }
0x7d: {  	_ =	shalt  }
0x7e: {  	_ =	shalt  }
0x7f: {  	_ =	shalt  }
0x80: {  	_ =	shalt  }
0x81: {  	_ =	shalt  }
0x82: {  	_ =	shalt  }
0x83: {  	_ =	shalt  }
0x84: {  	_ =	shalt  }
0x85: {  	_ =	shalt  }
0x86: {  	_ =	shalt  }
0x87: {  	_ =	shalt  }
.Lfunc_end0:
.L_simem_size_0:
called_computation.1_lowered:
.L_overlay_start_0:
0x88: {  	s2 =	sld [smem:$0x3FD9]  }
0x89: {  	s3 =	sld [smem:$0x3FFE];
	_ =	sdelay $0x1  }
0x8a: {  	s1 =	srdreg.scid  }
0x8b: {  	s0 =	sand.u32 $0x1, s1  }
0x8c: {  	s17 =	sshll.u32 s0, $0xA;
	s2 =	sadd.s32 s3, s2  }
0x8d: {  	s2 =	sadd.s32 s2, s17  }
0x8e: {  	[smem:$0x3FBD] =	sst s2  }
0x8f: {  	_ = 	snop  }
0x90: {  	s2 =	sld [smem:$0x3FD0];
	(tm) =	ssettm $0x1  }
0x91: {  	s18 =	sld [smem:$0x3FFB];
	_ =	sdelay $0x3  }
0x92: {  	_ =	strace s18  }
0x93: {  	s3 =	sld [smem:$0x3FFC];
	_ =	sdelay $0x3  }
0x94: {  	_ =	strace s3  }
0x95: {  	s3 =	sld [smem:$0x3FFD];
	_ =	sdelay $0x3  }
0x96: {  	_ =	strace s3  }
0x97: {  	_ =	strace $0x8FFFFFFF  }
0x98: {  	s19 =	sld [smem:$0x3FDB];
	_ =	sdelay $0x1  }
0x99: {  	s4 =	simm.s32 $_scs_section_size  }
0x9a: {  	s5 =	simm.s32 $_size__tile_overlayer_lowered;
	s6 =	simm.s32 $_tile_overlayer_lowered  }
0x9b: {  	s22 =	simm.s32 $0x1BFF;
	s21 =	sshll.u32 s6, $0x1;
	s3 =	sadd.s32 s4, s19  }
0x9c: {  	s7 =	simm.s32 $0x0;
	s20 =	sshll.u32 s5, $0x1;
	s5 =	sadd.s32 s21, s3  }
0x9d: {  	[timem:s7], [sflag:s22] =	dma.local [hbm:s5], s20  }
0x9e: {  	_ =	swait.ge [sflag:s22], s20  }
0x9f: {  	s4 =	ssub.s32 $0x0, s20;
	[sflag:s22] =	ssyncset.done $0x0  }
0xa0: {  	[sflag:s22] =	ssyncadd.s32 s4;
	_ =	sdelay $0x1  }
0xa1: {  	s23 =	simm.s32 $0x1B8B  }
0xa2: {  	_ =	swait.ge [sflag:s23], $0x1  }
0xa3: {  	[sflag:s23] =	ssyncset.done $0x0  }
0xa4: {  	s25 =	simm.s32 $0x1B8E;
	s24 =	sld [smem:$0x3FFE];
	[sflag:s23] =	ssyncadd.s32 $0xFFFFFFFF  }
0xa5: {  	s26 =	simm.s32 $execute0_lowered;
	[smem:$0x3FD2] =	sst s25  }
0xa6: {  	s5 =	sshll.u32 s26, $0x1;
	_ =	strace $0x80000046;
	[dreg:$0x1] =	wrdreg $0xFFFFFFFF  }
0xa7: {  	s28 =	simm.s32 $_size_execute0_lowered;
	s3 =	sadd.s32 s3, s5;
	[dreg:$0x0] =	wrdreg $0x0  }
0xa8: {  	s5 =	sshll.u32 s28, $0x1;
	[dreg:$0x2] =	wrdreg s3  }
0xa9: {  	[dreg:$0x3] =	wrdreg s5  }
0xaa: {  	[dreg:$0x4] =	wrdreg $0xC0  }
0xab: {  	_ =	task [dreg:s7], $0x5FFFF  }
0xac: {  	[dreg:$0x1] =	wrdreg $0xFFFFFFFF  }
0xad: {  	[dreg:$0x0] =	wrdreg $0x60  }
0xae: {  	[dreg:$0x2] =	wrdreg s24  }
0xaf: {  	[dreg:$0x3] =	wrdreg s2  }
0xb0: {  	[dreg:$0x4] =	wrdreg $0xA8000  }
0xb1: {  	[dreg:$0x5] =	wrdreg $0xA  }
0xb2: {  	_ =	task.clear_ibuf [dreg:s7], $0x6FFFF;
	_ =	strace $0x90000046  }
0xb3: {  	s29 =	simm.s32 $0xA;
	_ =	strace $0x80000048  }
0xb4: {  	_ =	swait.ge [sflag:s29], $0x1  }
0xb5: {  	[sflag:s29] =	ssyncadd.s32 $0xFFFFFFFF  }
0xb6: {  	_ =	strace $0x90000048  }
0xb7: {  	_ =	sfence  }
0xb8: {  	s30 =	sld [smem:$0x0];
	_ =	sdelay $0x2  }
0xb9: {  	s31 =	sshll.u32 s1, $0xD;
	s1 =	sshrl.u32 s1, $0x2  }
0xba: {  	s3 =	sand.u32 $0x4000, s31;
	s1 =	sadd.s32 s1, s30  }
0xbb: {  	s0 =	sor.u32 s3, s0;
	s1 =	sshll.u32 s1, $0x11  }
0xbc: {  	s0 =	sor.u32 s1, s0  }
0xbd: {  	s0 =	sadd.s32 $0x8F2B, s0  }
0xbe: {  	[sflag:s0] =	ssyncadd.remote.s32 $0x1  }
0xbf: {  	_ =	sfence.sel $0xFFFF  }
0xc0: {  	[dreg:$0x0] =	wrdreg $0xFFFFFFFF;
	(pc) =	sbr.abs _section_cstart, $3  }
0xc1: {  	[dreg:$0x1] =	wrdreg $0xFFFFFFFF  }
0xc2: {  	_ =	task.clear_ibuf [dreg:s7], $0x2FFFF;
	_ =	strace $0x9FFFFFFF  }
0xc3: {  	(tm) =	ssettm $0x7FFFFFFF  }
tec
execute0_lowered:
.L_overlay_start_1:
0x0: {  	(tag) =	ssettag $0x1  }
0x1: {  	s5 =	rddreg [dreg:$0x0]  }
0x2: {  	s11 =	rddreg [dreg:$0x1]  }
0x3: {  	s2 =	rddreg [dreg:$0x2]  }
0x4: {  	s0 =	rddreg [dreg:$0x3];
	s1 =	stileid.u32  }
0x5: {  	s4 =	srdreg.scid;
	s3 =	simm.s32 $0x0;
	s16 =	simm.s32 $0x80  }
0x6: {  	s17 =	simm.s32 $0x2800;
	s18 =	simm.s32 $0x6800;
	s19 =	simm.s32 $0x1  }
0x7: {  	s20 =	simm.s32 $0x2;
	s21 =	simm.s32 $0x2700;
	s22 =	simm.s32 $0x2780  }
0x8: {  	s23 =	simm.s32 $0x0;
	s6 =	smul.u32 $0x14000, s1;
	s7 =	sand.u32 $0x1, s4  }
0x9: {  	[smem:$0x7FF] =	sst s3;
	s4 =	sadd.s32 $0xCA00, s5;
	s10 =	smul.u32 $0x50000, s1  }
0xa: {  	s12 =	sadd.s32 $0x2A00, s5;
	s30 =	sshll.u32 s1, $0x6;
	s8 =	smul.u32 $0x140000, s7  }
0xb: {  	_ =	strace $0x80000047;
	s24 =	sshll.u32 s7, $0x4;
	s25 =	ssub.s32 $0x2, s7  }
0xc: {  	s9 =	sshrl.u32 s6, $0x3;
	s26 =	sor.u32 s1, s24;
	s7 =	sshrl.u32 s25, $0x1  }
0xd: {  	s28 =	sshrl.u32 s10, $0x2;
	s9 =	sadd.s32 s9, s5;
	s6 =	sadd.s32 s6, s8  }
0xe: {  	s29 =	smul.u32 $0x2800, s26;
	s14 =	ssub.s32 s25, s7;
	s15 =	sadd.s32 s28, s2  }
0xf: {  	s6 =	sshrl.u32 s6, $0x3;
	s8 =	smax.u32 s14, $0x1;
	s14 =	simm.s32 $0x3  }
0x10: {  	s13 =	sadd.s32 s6, s5;
	s5 =	sadd.s32 $0x34A00, s9;
	s10 =	sshrl.u32 s29, $0x3  }
0x11: {  	s6 =	sor.u32 $0x1C03, s30;
	s7 =	sadd.s32 $0x5CA00, s13;
	s31 =	sadd.s32 $0x280, s10  }
0x12: {  	s9 =	sadd.s32 s11, s10;
	s10 =	sadd.s32 s12, s10;
	s13 =	sshrl.u32 s15, $0x3  }
0x13: {  	s15 =	simm.s32 $0x1400;
	s11 =	sadd.s32 s11, s31;
	s12 =	sadd.s32 s12, s31  }
.LBB2_1:
0x14: {  	[spmem:s13], [sflag:s6] =	dma.local [hbm:s5], $0x2800  }
0x15: {  	_ =	swait.ge [sflag:s14], $0x2800  }
0x16: {  	[sflag:s14] =	ssyncset.done $0x0  }
0x17: {  	[sflag:s14] =	ssyncadd.s32 $0xFFFFD800  }
0x18: {  	[bflag:$0x0] =	sbarrier.arrive $0xFFFF  }
0x19: {  	[tilespmem:s3], [sflag:$0x3] =	stream.linear.gather [hbm4b:s9+s3], $0x1400, $0x38;
	[tilespmem:$0x1E800] =	vst v63  }
0x1a: {  	_ =	swait.ge [sflag:s14], $0x1400  }
0x1b: {  	[sflag:s14] =	ssyncset.done $0x0  }
0x1c: {  	[sflag:s14] =	ssyncadd.s32 $0xFFFFEC00  }
0x1d: {  	[tilespmem:s15], [sflag:$0x3] =	stream.linear.gather [hbm4b:s10+s3], $0x1400, $0x38;
	[tilespmem:$0x1E800] =	vst v63  }
0x1e: {  	_ =	swait.ge [sflag:s14], $0x1400  }
0x1f: {  	[sflag:s14] =	ssyncset.done $0x0  }
0x20: {  	[sflag:s14] =	ssyncadd.s32 $0xFFFFEC00  }
0x21: {  	[tilespmem:s17], [sflag:$0x1] =	stream.indirect.gather [hbm4b:s4+s16], $0x80, s3, s16, $0xb8;
	[tilespmem:$0x1E800] =	vst v63  }
0x22: {  	_ = 	snop  }
0x23: {  	[tilespmem:s18], [sflag:$0x2] =	stream.indirect.gather [hbm4b:s4+s16], $0x80, s16, s16, $0xb8;
	[tilespmem:$0x1E800] =	vst v63  }
0x24: {  	_ =	swait.ge [sflag:s19], $0x4000  }
0x25: {  	[sflag:s19] =	ssyncset.done $0x0  }
0x26: {  	s24 =	simm.s32 $0x1400;
	[sflag:s19] =	ssyncadd.s32 $0xFFFFC000  }
0x27: {  	[spmem:s2] =	stream.indirect.scatter.add.f32 [tilespmem:s17], [sflag:$0x3], $0x80, s24, s16, $0xb8;
	[tilespmem:$0x1E800] =	vst v63  }
0x28: {  	_ =	swait.ge [sflag:s14], $0x4000  }
0x29: {  	[sflag:s14] =	ssyncset.done $0x0  }
0x2a: {  	s30 =	simm.s32 $0x100;
	[sflag:s14] =	ssyncadd.s32 $0xFFFFC000  }
0x2b: {  	[tilespmem:s17], [sflag:$0x1] =	stream.indirect.gather [hbm4b:s4+s16], $0x80, s30, s16, $0xb8;
	[tilespmem:$0x1E800] =	vst v63  }
0x2c: {  	_ =	swait.ge [sflag:s20], $0x4000  }
0x2d: {  	[sflag:s20] =	ssyncset.done $0x0  }
0x2e: {  	s31 =	simm.s32 $0x1480;
	[sflag:s20] =	ssyncadd.s32 $0xFFFFC000  }
0x2f: {  	[spmem:s2] =	stream.indirect.scatter.add.f32 [tilespmem:s18], [sflag:$0x3], $0x80, s31, s16, $0xb8;
	[tilespmem:$0x1E800] =	vst v63  }
0x30: {  	_ =	swait.ge [sflag:s14], $0x4000  }
0x31: {  	[sflag:s14] =	ssyncset.done $0x0  }
0x32: {  	s25 =	simm.s32 $0x180;
	s24 =	simm.s32 $0x400;
	[sflag:s14] =	ssyncadd.s32 $0xFFFFC000  }
.LBB2_2:
0x33: {  	[tilespmem:s18], [sflag:$0x2] =	stream.indirect.gather [hbm4b:s4+s16], $0x80, s25, s16, $0xb8;
	[tilespmem:$0x1E800] =	vst v63  }
0x34: {  	s25 =	smov.u32 s24  }
0x35: {  	p0 =	sne.s32 s24, $0x4800;
	s24 =	sadd.s32 $0x400, s24;
	_ =	swait.ge [sflag:s19], $0x4000  }
0x36: {  	s25 =	sshra.s32 s25, $0x2;
	[sflag:s19] =	ssyncset.done $0x0  }
0x37: {  	s26 =	sadd.s32 $0x1400, s25;
	[sflag:s19] =	ssyncadd.s32 $0xFFFFC000  }
0x38: {  	[spmem:s2] =	stream.indirect.scatter.add.f32 [tilespmem:s17], [sflag:$0x3], $0x80, s26, s16, $0xb8;
	[tilespmem:$0x1E800] =	vst v63  }
0x39: {  	_ =	swait.ge [sflag:s14], $0x4000  }
0x3a: {  	[sflag:s14] =	ssyncset.done $0x0  }
0x3b: {  	s26 =	sadd.s32 $0x100, s25;
	[sflag:s14] =	ssyncadd.s32 $0xFFFFC000  }
0x3c: {  	[tilespmem:s17], [sflag:$0x1] =	stream.indirect.gather [hbm4b:s4+s16], $0x80, s26, s16, $0xb8;
	[tilespmem:$0x1E800] =	vst v63  }
0x3d: {  	_ =	swait.ge [sflag:s20], $0x4000  }
0x3e: {  	[sflag:s20] =	ssyncset.done $0x0  }
.Ltmp0:
0x3f: {  	s26 =	sadd.s32 $0x1480, s25;
	[sflag:s20] =	ssyncadd.s32 $0xFFFFC000;
	(pc) =	sbr.rel @p0 .LBB2_2-.Ltmp0, $4  }
0x40: {  	[spmem:s2] =	stream.indirect.scatter.add.f32 [tilespmem:s18], [sflag:$0x3], $0x80, s26, s16, $0xb8;
	[tilespmem:$0x1E800] =	vst v63  }
0x41: {  	_ =	swait.ge [sflag:s14], $0x4000  }
0x42: {  	[sflag:s14] =	ssyncset.done $0x0  }
0x43: {  	s25 =	sadd.s32 $0x180, s25;
	[sflag:s14] =	ssyncadd.s32 $0xFFFFC000  }
0x44: {  	[tilespmem:s18], [sflag:$0x2] =	stream.indirect.gather [hbm4b:s4+s16], $0x80, s25, s16, $0xb8;
	[tilespmem:$0x1E800] =	vst v63  }
0x45: {  	_ =	swait.ge [sflag:s19], $0x4000  }
0x46: {  	[sflag:s19] =	ssyncset.done $0x0  }
0x47: {  	[sflag:s19] =	ssyncadd.s32 $0xFFFFC000  }
0x48: {  	[spmem:s2] =	stream.indirect.scatter.add.f32 [tilespmem:s17], [sflag:$0x3], $0x80, s21, s16, $0xb8;
	[tilespmem:$0x1E800] =	vst v63  }
0x49: {  	_ =	swait.ge [sflag:s14], $0x4000  }
0x4a: {  	[sflag:s14] =	ssyncset.done $0x0  }
0x4b: {  	[sflag:s14] =	ssyncadd.s32 $0xFFFFC000  }
0x4c: {  	_ =	swait.ge [sflag:s20], $0x4000  }
0x4d: {  	[sflag:s20] =	ssyncset.done $0x0  }
0x4e: {  	[sflag:s20] =	ssyncadd.s32 $0xFFFFC000  }
0x4f: {  	[spmem:s2] =	stream.indirect.scatter.add.f32 [tilespmem:s18], [sflag:$0x3], $0x80, s22, s16, $0xb8;
	[tilespmem:$0x1E800] =	vst v63  }
0x50: {  	_ =	swait.ge [sflag:s14], $0x4000  }
0x51: {  	[sflag:s14] =	ssyncset.done $0x0  }
0x52: {  	s24 =	simm.s32 $0x0;
	[sflag:s14] =	ssyncadd.s32 $0xFFFFC000  }
0x53: {  	[tilespmem:s24], [sflag:$0x3] =	stream.linear.gather [hbm4b:s11+s24], $0x1400, $0x38;
	[tilespmem:$0x1E800] =	vst v63  }
0x54: {  	_ =	swait.ge [sflag:s14], $0x1400  }
0x55: {  	[sflag:s14] =	ssyncset.done $0x0  }
0x56: {  	[sflag:s14] =	ssyncadd.s32 $0xFFFFEC00  }
0x57: {  	[tilespmem:s15], [sflag:$0x3] =	stream.linear.gather [hbm4b:s12+s24], $0x1400, $0x38;
	[tilespmem:$0x1E800] =	vst v63  }
0x58: {  	_ =	swait.ge [sflag:s14], $0x1400  }
0x59: {  	[sflag:s14] =	ssyncset.done $0x0  }
0x5a: {  	[sflag:s14] =	ssyncadd.s32 $0xFFFFEC00  }
0x5b: {  	[tilespmem:s17], [sflag:$0x1] =	stream.indirect.gather [hbm4b:s4+s16], $0x80, s24, s16, $0xb8;
	[tilespmem:$0x1E800] =	vst v63  }
0x5c: {  	_ = 	snop  }
0x5d: {  	[tilespmem:s18], [sflag:$0x2] =	stream.indirect.gather [hbm4b:s4+s16], $0x80, s16, s16, $0xb8;
	[tilespmem:$0x1E800] =	vst v63  }
0x5e: {  	_ =	swait.ge [sflag:s19], $0x4000  }
0x5f: {  	[sflag:s19] =	ssyncset.done $0x0  }
0x60: {  	s29 =	simm.s32 $0x1400;
	[sflag:s19] =	ssyncadd.s32 $0xFFFFC000  }
0x61: {  	[spmem:s2] =	stream.indirect.scatter.add.f32 [tilespmem:s17], [sflag:$0x3], $0x80, s29, s16, $0xb8;
	[tilespmem:$0x1E800] =	vst v63  }
0x62: {  	_ =	swait.ge [sflag:s14], $0x4000  }
0x63: {  	[sflag:s14] =	ssyncset.done $0x0  }
0x64: {  	s30 =	simm.s32 $0x100;
	[sflag:s14] =	ssyncadd.s32 $0xFFFFC000  }
0x65: {  	[tilespmem:s17], [sflag:$0x1] =	stream.indirect.gather [hbm4b:s4+s16], $0x80, s30, s16, $0xb8;
	[tilespmem:$0x1E800] =	vst v63  }
0x66: {  	_ =	swait.ge [sflag:s20], $0x4000  }
0x67: {  	[sflag:s20] =	ssyncset.done $0x0  }
0x68: {  	s31 =	simm.s32 $0x1480;
	[sflag:s20] =	ssyncadd.s32 $0xFFFFC000  }
0x69: {  	[spmem:s2] =	stream.indirect.scatter.add.f32 [tilespmem:s18], [sflag:$0x3], $0x80, s31, s16, $0xb8;
	[tilespmem:$0x1E800] =	vst v63  }
0x6a: {  	_ =	swait.ge [sflag:s14], $0x4000  }
0x6b: {  	[sflag:s14] =	ssyncset.done $0x0  }
0x6c: {  	s25 =	simm.s32 $0x180;
	s24 =	simm.s32 $0x400;
	[sflag:s14] =	ssyncadd.s32 $0xFFFFC000  }
.LBB2_4:
0x6d: {  	[tilespmem:s18], [sflag:$0x2] =	stream.indirect.gather [hbm4b:s4+s16], $0x80, s25, s16, $0xb8;
	[tilespmem:$0x1E800] =	vst v63  }
0x6e: {  	s25 =	smov.u32 s24  }
0x6f: {  	p0 =	sne.s32 s24, $0x4800;
	s24 =	sadd.s32 $0x400, s24;
	_ =	swait.ge [sflag:s19], $0x4000  }
0x70: {  	s25 =	sshra.s32 s25, $0x2;
	[sflag:s19] =	ssyncset.done $0x0  }
0x71: {  	s26 =	sadd.s32 $0x1400, s25;
	[sflag:s19] =	ssyncadd.s32 $0xFFFFC000  }
0x72: {  	[spmem:s2] =	stream.indirect.scatter.add.f32 [tilespmem:s17], [sflag:$0x3], $0x80, s26, s16, $0xb8;
	[tilespmem:$0x1E800] =	vst v63  }
0x73: {  	_ =	swait.ge [sflag:s14], $0x4000  }
0x74: {  	[sflag:s14] =	ssyncset.done $0x0  }
0x75: {  	s26 =	sadd.s32 $0x100, s25;
	[sflag:s14] =	ssyncadd.s32 $0xFFFFC000  }
0x76: {  	[tilespmem:s17], [sflag:$0x1] =	stream.indirect.gather [hbm4b:s4+s16], $0x80, s26, s16, $0xb8;
	[tilespmem:$0x1E800] =	vst v63  }
0x77: {  	_ =	swait.ge [sflag:s20], $0x4000  }
0x78: {  	[sflag:s20] =	ssyncset.done $0x0  }
.Ltmp1:
0x79: {  	s26 =	sadd.s32 $0x1480, s25;
	[sflag:s20] =	ssyncadd.s32 $0xFFFFC000;
	(pc) =	sbr.rel @p0 .LBB2_4-.Ltmp1, $4  }
0x7a: {  	[spmem:s2] =	stream.indirect.scatter.add.f32 [tilespmem:s18], [sflag:$0x3], $0x80, s26, s16, $0xb8;
	[tilespmem:$0x1E800] =	vst v63  }
0x7b: {  	_ =	swait.ge [sflag:s14], $0x4000  }
0x7c: {  	[sflag:s14] =	ssyncset.done $0x0  }
0x7d: {  	s25 =	sadd.s32 $0x180, s25;
	[sflag:s14] =	ssyncadd.s32 $0xFFFFC000  }
0x7e: {  	[tilespmem:s18], [sflag:$0x2] =	stream.indirect.gather [hbm4b:s4+s16], $0x80, s25, s16, $0xb8;
	[tilespmem:$0x1E800] =	vst v63  }
0x7f: {  	_ =	swait.ge [sflag:s19], $0x4000  }
0x80: {  	[sflag:s19] =	ssyncset.done $0x0  }
0x81: {  	[sflag:s19] =	ssyncadd.s32 $0xFFFFC000  }
0x82: {  	[spmem:s2] =	stream.indirect.scatter.add.f32 [tilespmem:s17], [sflag:$0x3], $0x80, s21, s16, $0xb8;
	[tilespmem:$0x1E800] =	vst v63  }
0x83: {  	_ =	swait.ge [sflag:s14], $0x4000  }
0x84: {  	[sflag:s14] =	ssyncset.done $0x0  }
0x85: {  	[sflag:s14] =	ssyncadd.s32 $0xFFFFC000  }
0x86: {  	_ =	swait.ge [sflag:s20], $0x4000  }
0x87: {  	[sflag:s20] =	ssyncset.done $0x0  }
0x88: {  	[sflag:s20] =	ssyncadd.s32 $0xFFFFC000  }
0x89: {  	[spmem:s2] =	stream.indirect.scatter.add.f32 [tilespmem:s18], [sflag:$0x3], $0x80, s22, s16, $0xb8;
	[tilespmem:$0x1E800] =	vst v63  }
0x8a: {  	_ =	swait.ge [sflag:s14], $0x4000  }
0x8b: {  	s23 =	sadd.s32 $0x1, s23;
	[sflag:s14] =	ssyncset.done $0x0  }
0x8c: {  	p0 =	sne.s32 s23, s8;
	[sflag:s14] =	ssyncadd.s32 $0xFFFFC000  }
.Ltmp2:
0x8d: {  	[bflag:$0x0] =	sbarrier.arrive $0xFFFF;
	(pc) =	sbr.rel @p0 .LBB2_1-.Ltmp2, $4  }
0x8e: {  	[hbm:s7], [sflag:s6] =	dma.local [spmem:s13], $0x2800  }
0x8f: {  	_ =	swait.ge [sflag:s14], $0x2800  }
0x90: {  	[sflag:s14] =	ssyncset.done $0x0  }
0x91: {  	[sflag:s14] =	ssyncadd.s32 $0xFFFFD800  }
0x92: {  	_ =	sfence.sel $0x180000  }
0x93: {  	[bflag:$0x0] =	sbarrier.arrive $0xFFFF  }
0x94: {  	p0 =	sne.s32 s1, $0x0;
	_ =	strace $0x90000047  }
0x95: {  	s0 =	sadd.s32 @!p0 $0x100000, s0;
	[bflag:$0x2] =	sbarrier.arrive $0xFFFF  }
0x96: {  	[sflag:s0] =	ssyncadd.tile.s32 @!p0 $0x1;
	_ =	shalt  }
.Lfunc_end2:
_tile_overlayer_lowered:
.L_overlay_start_2:
0x97: {  	(tag) =	ssettag $0x2  }
0x98: {  	s0 =	rddreg [dreg:$0x0];
	s2 =	stileid.u32  }
0x99: {  	s1 =	rddreg [dreg:$0x1];
	p0 =	sne.s32 s2, $0x0  }
0x9a: {  	s3 =	rddreg [dreg:$0x2];
	[bflag:$0x3] =	sbarrier.arrive $0xFFFF;
	s2 =	simm.s32 @!p0 $0x1C03  }
0x9b: {  	[timem:s3], [sflag:s2] =	dma.local @!p0 [hbm:s0], s1  }
0x9c: {  	s0 =	simm.s32 @!p0 $0x3  }
0x9d: {  	_ =	swait.ge @!p0 [sflag:s0], s1  }
0x9e: {  	s1 =	ssub.s32 @!p0 $0x0, s1;
	[sflag:s0] =	ssyncset.done @!p0 $0x0  }
0x9f: {  	[sflag:s0] =	ssyncadd.s32 @!p0 s1  }
0xa0: {  	[bflag:$0x3] =	sbarrier.arrive $0xFFFF  }
0xa1: {  	_ =	shalt  }

// kernel: kernel.16.cloned.1.call-start
scs
__scs_entry_jumppad:
0x0: {  	(pc) =	sbr.rel $0x88, $3  }
0x1: {  	(tag) =	ssettag $0x0;
	lr =	simm.s32 $0x1  }
0x2: {  	[smem:$0x3F96] =	sst lr;
	_ =	strace $0xD0000000  }
0x3: {  	_ = 	snop  }
0x4: {  	_ = 	snop  }
0x5: {  	_ = 	snop  }
0x6: {  	_ = 	snop  }
0x7: {  	_ = 	snop  }
__scs_overlays_trampoline_lowered:
0x8: {  	[smem:$0x3FA5] =	sst s0  }
0x9: {  	[smem:$0x3FA6] =	sst s1  }
0xa: {  	[smem:$0x3FA7] =	sst s2  }
0xb: {  	[smem:$0x3FA8] =	sst s3  }
0xc: {  	[smem:$0x3FA9] =	sst s4  }
0xd: {  	[smem:$0x3FAA] =	sst s5  }
0xe: {  	[smem:$0x3FAB] =	sst s6  }
0xf: {  	[smem:$0x3FAC] =	sst s7  }
0x10: {  	[smem:$0x3FAD] =	sst s8  }
0x11: {  	[smem:$0x3FAE] =	sst s9;
	s0 =	simm.s32 @!p0 $0x0  }
0x12: {  	s1 =	sld [smem:$0x3F94];
	s0 =	simm.s32 @p0 $0x1  }
0x13: {  	[smem:$0x3FAF] =	sst s0;
	s0 =	simm.s32 @!p1 $0x0  }
0x14: {  	s2 =	sld [smem:$0x3F93];
	s0 =	simm.s32 @p1 $0x1  }
0x15: {  	[smem:$0x3FB0] =	sst s0;
	s0 =	simm.s32 @!p2 $0x0  }
0x16: {  	s3 =	sld [smem:$0x3FDB];
	s0 =	simm.s32 @p2 $0x1  }
0x17: {  	s4 =	simm.s32 $0x1BF5;
	[smem:$0x3FB2] =	sst s0  }
0x18: {  	s0 =	sld [smem:$0x3F95];
	_ =	swait.ge [sflag:s4], $0x0  }
0x19: {  	s7 =	sld [smem:$0x3F96]  }
0x1a: {  	s8 =	sadd.s32 $0xFFFFE003, lr  }
0x1b: {  	s9 =	sadd.s32 $0xFFFFFEF7, lr;
	s5 =	simm.s32 $0xFFFFFFFF;
	p2 =	slt.u32 s8, $0xFFFFF086  }
0x1c: {  	p1 =	slt.u32 s9, $0xF7A;
	s5 =	simm.s32 @!p2 $0x0  }
0x1d: {  	s5 =	simm.s32 @p1 $0x1;
	p0 =	seq.s32 s7, s2  }
0x1e: {  	s7 =	smul.u32 @!p0 $0xF7A, s2;
	p2 =	seq.s32 @!p0 s5, $0x0  }
0x1f: {  	s9 =	smul.u32 $0xF7A, s1;
	s8 =	simm.s32 @!p0 $0x1BF5;
	p2 =	por !p2, p0  }
0x20: {  	[sflag:s8] =	ssyncset.s32 @!p0 $0xFFFFF086;
	s6 =	sadd.s32 @!p0 s3, s7;
	s7 =	simm.s32 @!p0 $0x108  }
0x21: {  	s3 =	sadd.s32 s3, s9;
	s6 =	sadd.s32 @!p0 $0x88, s6;
	s7 =	simm.s32 @p2 $0x1082  }
0x22: {  	[simem:s7], [sflag:s8] =	dma.local @!p0 [hbm:s6], $0xF7A  }
0x23: {  	s9 =	sor.u32 $0xD0000000, s2;
	s6 =	simm.s32 $0x108;
	_ =	swait.ge @!p0 [sflag:s8], $0x0  }
0x24: {  	s3 =	sadd.s32 $0x88, s3;
	s6 =	simm.s32 @!p1 $0x1082;
	[sflag:s4] =	ssyncset.s32 $0xFFFFF086  }
0x25: {  	[simem:s6], [sflag:s4] =	dma.local [hbm:s3], $0xF7A  }
0x26: {  	[smem:$0x3F96] =	sst s1;
	(tag) =	ssettag s2;
	_ =	strace s9  }
0x27: {  	s1 =	sld [smem:$0x3FA6]  }
0x28: {  	s2 =	sld [smem:$0x3FA7]  }
0x29: {  	s4 =	sld [smem:$0x3FA9]  }
0x2a: {  	p0 =	seq.s32 s5, $0x0;
	s5 =	sld [smem:$0x3FAA]  }
0x2b: {  	s6 =	sld [smem:$0x3FAB]  }
0x2c: {  	s7 =	sld [smem:$0x3FAC]  }
0x2d: {  	s3 =	simm.s32 $0x108;
	s8 =	sld [smem:$0x3FAD]  }
0x2e: {  	s3 =	simm.s32 @!p0 $0x1082;
	s9 =	sld [smem:$0x3FAE]  }
0x2f: {  	lr =	sadd.s32 s0, s3;
	s0 =	sld [smem:$0x3FA5]  }
0x30: {  	s3 =	sld [smem:$0x3FA8]  }
0x31: {  	[smem:$0x3FB1] =	sst s10  }
0x32: {  	s10 =	sld [smem:$0x3FAF];
	_ =	sdelay $0x3  }
0x33: {  	p0 =	seq.s32 s10, $0x1;
	s10 =	sld [smem:$0x3FB1];
	_ =	sdelay $0x3  }
0x34: {  	[smem:$0x3FB1] =	sst s10  }
0x35: {  	s10 =	sld [smem:$0x3FB0];
	_ =	sdelay $0x3  }
0x36: {  	p1 =	seq.s32 s10, $0x1;
	s10 =	sld [smem:$0x3FB1];
	_ =	sdelay $0x3  }
0x37: {  	[smem:$0x3FB1] =	sst s10  }
0x38: {  	s10 =	sld [smem:$0x3FB2]  }
0x39: {  	_ = 	snop;
	(pc) =	sbr.ind lr, $3  }
0x3a: {  	_ = 	snop  }
0x3b: {  	_ = 	snop  }
0x3c: {  	p2 =	seq.s32 s10, $0x1;
	s10 =	sld [smem:$0x3FB1]  }
0x3d: {  	_ =	shalt  }
0x3e: {  	_ =	shalt  }
0x3f: {  	_ =	shalt  }
0x40: {  	_ =	shalt  }
0x41: {  	_ =	shalt  }
0x42: {  	_ =	shalt  }
0x43: {  	_ =	shalt  }
0x44: {  	_ =	shalt  }
0x45: {  	_ =	shalt  }
0x46: {  	_ =	shalt  }
0x47: {  	_ =	shalt  }
0x48: {  	_ =	shalt  }
0x49: {  	_ =	shalt  }
0x4a: {  	_ =	shalt  }
0x4b: {  	_ =	shalt  }
0x4c: {  	_ =	shalt  }
0x4d: {  	_ =	shalt  }
0x4e: {  	_ =	shalt  }
0x4f: {  	_ =	shalt  }
0x50: {  	_ =	shalt  }
0x51: {  	_ =	shalt  }
0x52: {  	_ =	shalt  }
0x53: {  	_ =	shalt  }
0x54: {  	_ =	shalt  }
0x55: {  	_ =	shalt  }
0x56: {  	_ =	shalt  }
0x57: {  	_ =	shalt  }
0x58: {  	_ =	shalt  }
0x59: {  	_ =	shalt  }
0x5a: {  	_ =	shalt  }
0x5b: {  	_ =	shalt  }
0x5c: {  	_ =	shalt  }
0x5d: {  	_ =	shalt  }
0x5e: {  	_ =	shalt  }
0x5f: {  	_ =	shalt  }
0x60: {  	_ =	shalt  }
0x61: {  	_ =	shalt  }
0x62: {  	_ =	shalt  }
0x63: {  	_ =	shalt  }
0x64: {  	_ =	shalt  }
0x65: {  	_ =	shalt  }
0x66: {  	_ =	shalt  }
0x67: {  	_ =	shalt  }
0x68: {  	_ =	shalt  }
0x69: {  	_ =	shalt  }
0x6a: {  	_ =	shalt  }
0x6b: {  	_ =	shalt  }
0x6c: {  	_ =	shalt  }
0x6d: {  	_ =	shalt  }
0x6e: {  	_ =	shalt  }
0x6f: {  	_ =	shalt  }
0x70: {  	_ =	shalt  }
0x71: {  	_ =	shalt  }
0x72: {  	_ =	shalt  }
0x73: {  	_ =	shalt  }
0x74: {  	_ =	shalt  }
0x75: {  	_ =	shalt  }
0x76: {  	_ =	shalt  }
0x77: {  	_ =	shalt  }
0x78: {  	_ =	shalt  }
0x79: {  	_ =	shalt  }
0x7a: {  	_ =	shalt  }
0x7b: {  	_ =	shalt  }
0x7c: {  	_ =	shalt  }
0x7d: {  	_ =	shalt  }
0x7e: {  	_ =	shalt  }
0x7f: {  	_ =	shalt  }
0x80: {  	_ =	shalt  }
0x81: {  	_ =	shalt  }
0x82: {  	_ =	shalt  }
0x83: {  	_ =	shalt  }
0x84: {  	_ =	shalt  }
0x85: {  	_ =	shalt  }
0x86: {  	_ =	shalt  }
0x87: {  	_ =	shalt  }
.Lfunc_end0:
.L_simem_size_0:
called_computation.2_lowered:
.L_overlay_start_0:
0x88: {  	s2 =	sld [smem:$0x3FD9]  }
0x89: {  	s3 =	sld [smem:$0x3FFE];
	_ =	sdelay $0x1  }
0x8a: {  	s1 =	srdreg.scid  }
0x8b: {  	s0 =	sand.u32 $0x1, s1  }
0x8c: {  	s17 =	sshll.u32 s0, $0xA;
	s2 =	sadd.s32 s3, s2  }
0x8d: {  	s2 =	sadd.s32 s2, s17  }
0x8e: {  	[smem:$0x3FBD] =	sst s2  }
0x8f: {  	_ = 	snop  }
0x90: {  	s2 =	sld [smem:$0x3FD0];
	(tm) =	ssettm $0x1  }
0x91: {  	s18 =	sld [smem:$0x3FFB];
	_ =	sdelay $0x3  }
0x92: {  	_ =	strace s18  }
0x93: {  	s3 =	sld [smem:$0x3FFC];
	_ =	sdelay $0x3  }
0x94: {  	_ =	strace s3  }
0x95: {  	s3 =	sld [smem:$0x3FFD];
	_ =	sdelay $0x3  }
0x96: {  	_ =	strace s3  }
0x97: {  	_ =	strace $0x8FFFFFFF  }
0x98: {  	s19 =	sld [smem:$0x3FDB];
	_ =	sdelay $0x1  }
0x99: {  	s4 =	simm.s32 $_scs_section_size  }
0x9a: {  	s5 =	simm.s32 $_size__tile_overlayer_lowered;
	s6 =	simm.s32 $_tile_overlayer_lowered  }
0x9b: {  	s22 =	simm.s32 $0x1BFF;
	s21 =	sshll.u32 s6, $0x1;
	s3 =	sadd.s32 s4, s19  }
0x9c: {  	s7 =	simm.s32 $0x0;
	s20 =	sshll.u32 s5, $0x1;
	s5 =	sadd.s32 s21, s3  }
0x9d: {  	[timem:s7], [sflag:s22] =	dma.local [hbm:s5], s20  }
0x9e: {  	_ =	swait.ge [sflag:s22], s20  }
0x9f: {  	s4 =	ssub.s32 $0x0, s20;
	[sflag:s22] =	ssyncset.done $0x0  }
0xa0: {  	[sflag:s22] =	ssyncadd.s32 s4;
	_ =	sdelay $0x1  }
0xa1: {  	s23 =	simm.s32 $0x1B8B  }
0xa2: {  	_ =	swait.ge [sflag:s23], $0x1  }
0xa3: {  	[sflag:s23] =	ssyncset.done $0x0  }
0xa4: {  	s25 =	simm.s32 $0x1B8E;
	s24 =	sld [smem:$0x3FFE];
	[sflag:s23] =	ssyncadd.s32 $0xFFFFFFFF  }
0xa5: {  	s26 =	simm.s32 $execute0_lowered;
	[smem:$0x3FD2] =	sst s25  }
0xa6: {  	s5 =	sshll.u32 s26, $0x1;
	_ =	strace $0x8000004C;
	[dreg:$0x1] =	wrdreg $0xFFFFFFFF  }
0xa7: {  	s28 =	simm.s32 $_size_execute0_lowered;
	s3 =	sadd.s32 s3, s5;
	[dreg:$0x0] =	wrdreg $0x0  }
0xa8: {  	s5 =	sshll.u32 s28, $0x1;
	[dreg:$0x2] =	wrdreg s3  }
0xa9: {  	[dreg:$0x3] =	wrdreg s5  }
0xaa: {  	[dreg:$0x4] =	wrdreg $0xC0  }
0xab: {  	_ =	task [dreg:s7], $0x5FFFF  }
0xac: {  	[dreg:$0x1] =	wrdreg $0xFFFFFFFF  }
0xad: {  	[dreg:$0x0] =	wrdreg $0x60  }
0xae: {  	[dreg:$0x2] =	wrdreg s24  }
0xaf: {  	[dreg:$0x3] =	wrdreg s2  }
0xb0: {  	[dreg:$0x4] =	wrdreg $0xA8000  }
0xb1: {  	[dreg:$0x5] =	wrdreg $0x9  }
0xb2: {  	_ =	task.clear_ibuf [dreg:s7], $0x6FFFF;
	_ =	strace $0x9000004C  }
0xb3: {  	s29 =	simm.s32 $0x9;
	_ =	strace $0x8000004E  }
0xb4: {  	_ =	swait.ge [sflag:s29], $0x1  }
0xb5: {  	[sflag:s29] =	ssyncadd.s32 $0xFFFFFFFF  }
0xb6: {  	_ =	strace $0x9000004E  }
0xb7: {  	_ =	sfence  }
0xb8: {  	s30 =	sld [smem:$0x0];
	_ =	sdelay $0x2  }
0xb9: {  	s31 =	sshll.u32 s1, $0xD;
	s1 =	sshrl.u32 s1, $0x2  }
0xba: {  	s3 =	sand.u32 $0x4000, s31;
	s1 =	sadd.s32 s1, s30  }
0xbb: {  	s0 =	sor.u32 s3, s0;
	s1 =	sshll.u32 s1, $0x11  }
0xbc: {  	s0 =	sor.u32 s1, s0  }
0xbd: {  	s0 =	sadd.s32 $0x8F2B, s0  }
0xbe: {  	[sflag:s0] =	ssyncadd.remote.s32 $0x1  }
0xbf: {  	_ =	sfence.sel $0xFFFF  }
0xc0: {  	[dreg:$0x0] =	wrdreg $0xFFFFFFFF;
	(pc) =	sbr.abs _section_cstart, $3  }
0xc1: {  	[dreg:$0x1] =	wrdreg $0xFFFFFFFF  }
0xc2: {  	_ =	task.clear_ibuf [dreg:s7], $0x2FFFF;
	_ =	strace $0x9FFFFFFF  }
0xc3: {  	(tm) =	ssettm $0x7FFFFFFF  }
tec
execute0_lowered:
.L_overlay_start_1:
0x0: {  	(tag) =	ssettag $0x1  }
0x1: {  	s5 =	rddreg [dreg:$0x0]  }
0x2: {  	s11 =	rddreg [dreg:$0x1]  }
0x3: {  	s2 =	rddreg [dreg:$0x2]  }
0x4: {  	s0 =	rddreg [dreg:$0x3];
	s1 =	stileid.u32  }
0x5: {  	s4 =	srdreg.scid;
	s3 =	simm.s32 $0x0;
	s16 =	simm.s32 $0x80  }
0x6: {  	s17 =	simm.s32 $0x2800;
	s18 =	simm.s32 $0x6800;
	s19 =	simm.s32 $0x1  }
0x7: {  	s20 =	simm.s32 $0x2;
	s21 =	simm.s32 $0x2700;
	s22 =	simm.s32 $0x2780  }
0x8: {  	s23 =	simm.s32 $0x0;
	s6 =	smul.u32 $0x14000, s1;
	s7 =	sand.u32 $0x1, s4  }
0x9: {  	[smem:$0x7FF] =	sst s3;
	s4 =	sadd.s32 $0xCA00, s5;
	s10 =	smul.u32 $0x50000, s1  }
0xa: {  	s12 =	sadd.s32 $0x2A00, s5;
	s30 =	sshll.u32 s1, $0x6;
	s8 =	smul.u32 $0x140000, s7  }
0xb: {  	_ =	strace $0x8000004D;
	s24 =	sshll.u32 s7, $0x4;
	s25 =	ssub.s32 $0x2, s7  }
0xc: {  	s9 =	sshrl.u32 s6, $0x3;
	s26 =	sor.u32 s1, s24;
	s7 =	sshrl.u32 s25, $0x1  }
0xd: {  	s28 =	sshrl.u32 s10, $0x2;
	s9 =	sadd.s32 s9, s5;
	s6 =	sadd.s32 s6, s8  }
0xe: {  	s29 =	smul.u32 $0x2800, s26;
	s14 =	ssub.s32 s25, s7;
	s15 =	sadd.s32 s28, s2  }
0xf: {  	s6 =	sshrl.u32 s6, $0x3;
	s8 =	smax.u32 s14, $0x1;
	s14 =	simm.s32 $0x3  }
0x10: {  	s13 =	sadd.s32 s6, s5;
	s5 =	sadd.s32 $0x34A00, s9;
	s10 =	sshrl.u32 s29, $0x3  }
0x11: {  	s6 =	sor.u32 $0x1C03, s30;
	s7 =	sadd.s32 $0x5CA00, s13;
	s31 =	sadd.s32 $0x280, s10  }
0x12: {  	s9 =	sadd.s32 s11, s10;
	s10 =	sadd.s32 s12, s10;
	s13 =	sshrl.u32 s15, $0x3  }
0x13: {  	s15 =	simm.s32 $0x1400;
	s11 =	sadd.s32 s11, s31;
	s12 =	sadd.s32 s12, s31  }
.LBB2_1:
0x14: {  	[spmem:s13], [sflag:s6] =	dma.local [hbm:s5], $0x2800  }
0x15: {  	_ =	swait.ge [sflag:s14], $0x2800  }
0x16: {  	[sflag:s14] =	ssyncset.done $0x0  }
0x17: {  	[sflag:s14] =	ssyncadd.s32 $0xFFFFD800  }
0x18: {  	[bflag:$0x0] =	sbarrier.arrive $0xFFFF  }
0x19: {  	[tilespmem:s3], [sflag:$0x3] =	stream.linear.gather [hbm4b:s9+s3], $0x1400, $0x38;
	[tilespmem:$0x1E800] =	vst v63  }
0x1a: {  	_ =	swait.ge [sflag:s14], $0x1400  }
0x1b: {  	[sflag:s14] =	ssyncset.done $0x0  }
0x1c: {  	[sflag:s14] =	ssyncadd.s32 $0xFFFFEC00  }
0x1d: {  	[tilespmem:s15], [sflag:$0x3] =	stream.linear.gather [hbm4b:s10+s3], $0x1400, $0x38;
	[tilespmem:$0x1E800] =	vst v63  }
0x1e: {  	_ =	swait.ge [sflag:s14], $0x1400  }
0x1f: {  	[sflag:s14] =	ssyncset.done $0x0  }
0x20: {  	[sflag:s14] =	ssyncadd.s32 $0xFFFFEC00  }
0x21: {  	[tilespmem:s17], [sflag:$0x1] =	stream.indirect.gather [hbm4b:s4+s16], $0x80, s3, s16, $0xb8;
	[tilespmem:$0x1E800] =	vst v63  }
0x22: {  	_ = 	snop  }
0x23: {  	[tilespmem:s18], [sflag:$0x2] =	stream.indirect.gather [hbm4b:s4+s16], $0x80, s16, s16, $0xb8;
	[tilespmem:$0x1E800] =	vst v63  }
0x24: {  	_ =	swait.ge [sflag:s19], $0x4000  }
0x25: {  	[sflag:s19] =	ssyncset.done $0x0  }
0x26: {  	s24 =	simm.s32 $0x1400;
	[sflag:s19] =	ssyncadd.s32 $0xFFFFC000  }
0x27: {  	[spmem:s2] =	stream.indirect.scatter.add.f32 [tilespmem:s17], [sflag:$0x3], $0x80, s24, s16, $0xb8;
	[tilespmem:$0x1E800] =	vst v63  }
0x28: {  	_ =	swait.ge [sflag:s14], $0x4000  }
0x29: {  	[sflag:s14] =	ssyncset.done $0x0  }
0x2a: {  	s30 =	simm.s32 $0x100;
	[sflag:s14] =	ssyncadd.s32 $0xFFFFC000  }
0x2b: {  	[tilespmem:s17], [sflag:$0x1] =	stream.indirect.gather [hbm4b:s4+s16], $0x80, s30, s16, $0xb8;
	[tilespmem:$0x1E800] =	vst v63  }
0x2c: {  	_ =	swait.ge [sflag:s20], $0x4000  }
0x2d: {  	[sflag:s20] =	ssyncset.done $0x0  }
0x2e: {  	s31 =	simm.s32 $0x1480;
	[sflag:s20] =	ssyncadd.s32 $0xFFFFC000  }
0x2f: {  	[spmem:s2] =	stream.indirect.scatter.add.f32 [tilespmem:s18], [sflag:$0x3], $0x80, s31, s16, $0xb8;
	[tilespmem:$0x1E800] =	vst v63  }
0x30: {  	_ =	swait.ge [sflag:s14], $0x4000  }
0x31: {  	[sflag:s14] =	ssyncset.done $0x0  }
0x32: {  	s25 =	simm.s32 $0x180;
	s24 =	simm.s32 $0x400;
	[sflag:s14] =	ssyncadd.s32 $0xFFFFC000  }
.LBB2_2:
0x33: {  	[tilespmem:s18], [sflag:$0x2] =	stream.indirect.gather [hbm4b:s4+s16], $0x80, s25, s16, $0xb8;
	[tilespmem:$0x1E800] =	vst v63  }
0x34: {  	s25 =	smov.u32 s24  }
0x35: {  	p0 =	sne.s32 s24, $0x4800;
	s24 =	sadd.s32 $0x400, s24;
	_ =	swait.ge [sflag:s19], $0x4000  }
0x36: {  	s25 =	sshra.s32 s25, $0x2;
	[sflag:s19] =	ssyncset.done $0x0  }
0x37: {  	s26 =	sadd.s32 $0x1400, s25;
	[sflag:s19] =	ssyncadd.s32 $0xFFFFC000  }
0x38: {  	[spmem:s2] =	stream.indirect.scatter.add.f32 [tilespmem:s17], [sflag:$0x3], $0x80, s26, s16, $0xb8;
	[tilespmem:$0x1E800] =	vst v63  }
0x39: {  	_ =	swait.ge [sflag:s14], $0x4000  }
0x3a: {  	[sflag:s14] =	ssyncset.done $0x0  }
0x3b: {  	s26 =	sadd.s32 $0x100, s25;
	[sflag:s14] =	ssyncadd.s32 $0xFFFFC000  }
0x3c: {  	[tilespmem:s17], [sflag:$0x1] =	stream.indirect.gather [hbm4b:s4+s16], $0x80, s26, s16, $0xb8;
	[tilespmem:$0x1E800] =	vst v63  }
0x3d: {  	_ =	swait.ge [sflag:s20], $0x4000  }
0x3e: {  	[sflag:s20] =	ssyncset.done $0x0  }
.Ltmp0:
0x3f: {  	s26 =	sadd.s32 $0x1480, s25;
	[sflag:s20] =	ssyncadd.s32 $0xFFFFC000;
	(pc) =	sbr.rel @p0 .LBB2_2-.Ltmp0, $4  }
0x40: {  	[spmem:s2] =	stream.indirect.scatter.add.f32 [tilespmem:s18], [sflag:$0x3], $0x80, s26, s16, $0xb8;
	[tilespmem:$0x1E800] =	vst v63  }
0x41: {  	_ =	swait.ge [sflag:s14], $0x4000  }
0x42: {  	[sflag:s14] =	ssyncset.done $0x0  }
0x43: {  	s25 =	sadd.s32 $0x180, s25;
	[sflag:s14] =	ssyncadd.s32 $0xFFFFC000  }
0x44: {  	[tilespmem:s18], [sflag:$0x2] =	stream.indirect.gather [hbm4b:s4+s16], $0x80, s25, s16, $0xb8;
	[tilespmem:$0x1E800] =	vst v63  }
0x45: {  	_ =	swait.ge [sflag:s19], $0x4000  }
0x46: {  	[sflag:s19] =	ssyncset.done $0x0  }
0x47: {  	[sflag:s19] =	ssyncadd.s32 $0xFFFFC000  }
0x48: {  	[spmem:s2] =	stream.indirect.scatter.add.f32 [tilespmem:s17], [sflag:$0x3], $0x80, s21, s16, $0xb8;
	[tilespmem:$0x1E800] =	vst v63  }
0x49: {  	_ =	swait.ge [sflag:s14], $0x4000  }
0x4a: {  	[sflag:s14] =	ssyncset.done $0x0  }
0x4b: {  	[sflag:s14] =	ssyncadd.s32 $0xFFFFC000  }
0x4c: {  	_ =	swait.ge [sflag:s20], $0x4000  }
0x4d: {  	[sflag:s20] =	ssyncset.done $0x0  }
0x4e: {  	[sflag:s20] =	ssyncadd.s32 $0xFFFFC000  }
0x4f: {  	[spmem:s2] =	stream.indirect.scatter.add.f32 [tilespmem:s18], [sflag:$0x3], $0x80, s22, s16, $0xb8;
	[tilespmem:$0x1E800] =	vst v63  }
0x50: {  	_ =	swait.ge [sflag:s14], $0x4000  }
0x51: {  	[sflag:s14] =	ssyncset.done $0x0  }
0x52: {  	s24 =	simm.s32 $0x0;
	[sflag:s14] =	ssyncadd.s32 $0xFFFFC000  }
0x53: {  	[tilespmem:s24], [sflag:$0x3] =	stream.linear.gather [hbm4b:s11+s24], $0x1400, $0x38;
	[tilespmem:$0x1E800] =	vst v63  }
0x54: {  	_ =	swait.ge [sflag:s14], $0x1400  }
0x55: {  	[sflag:s14] =	ssyncset.done $0x0  }
0x56: {  	[sflag:s14] =	ssyncadd.s32 $0xFFFFEC00  }
0x57: {  	[tilespmem:s15], [sflag:$0x3] =	stream.linear.gather [hbm4b:s12+s24], $0x1400, $0x38;
	[tilespmem:$0x1E800] =	vst v63  }
0x58: {  	_ =	swait.ge [sflag:s14], $0x1400  }
0x59: {  	[sflag:s14] =	ssyncset.done $0x0  }
0x5a: {  	[sflag:s14] =	ssyncadd.s32 $0xFFFFEC00  }
0x5b: {  	[tilespmem:s17], [sflag:$0x1] =	stream.indirect.gather [hbm4b:s4+s16], $0x80, s24, s16, $0xb8;
	[tilespmem:$0x1E800] =	vst v63  }
0x5c: {  	_ = 	snop  }
0x5d: {  	[tilespmem:s18], [sflag:$0x2] =	stream.indirect.gather [hbm4b:s4+s16], $0x80, s16, s16, $0xb8;
	[tilespmem:$0x1E800] =	vst v63  }
0x5e: {  	_ =	swait.ge [sflag:s19], $0x4000  }
0x5f: {  	[sflag:s19] =	ssyncset.done $0x0  }
0x60: {  	s29 =	simm.s32 $0x1400;
	[sflag:s19] =	ssyncadd.s32 $0xFFFFC000  }
0x61: {  	[spmem:s2] =	stream.indirect.scatter.add.f32 [tilespmem:s17], [sflag:$0x3], $0x80, s29, s16, $0xb8;
	[tilespmem:$0x1E800] =	vst v63  }
0x62: {  	_ =	swait.ge [sflag:s14], $0x4000  }
0x63: {  	[sflag:s14] =	ssyncset.done $0x0  }
0x64: {  	s30 =	simm.s32 $0x100;
	[sflag:s14] =	ssyncadd.s32 $0xFFFFC000  }
0x65: {  	[tilespmem:s17], [sflag:$0x1] =	stream.indirect.gather [hbm4b:s4+s16], $0x80, s30, s16, $0xb8;
	[tilespmem:$0x1E800] =	vst v63  }
0x66: {  	_ =	swait.ge [sflag:s20], $0x4000  }
0x67: {  	[sflag:s20] =	ssyncset.done $0x0  }
0x68: {  	s31 =	simm.s32 $0x1480;
	[sflag:s20] =	ssyncadd.s32 $0xFFFFC000  }
0x69: {  	[spmem:s2] =	stream.indirect.scatter.add.f32 [tilespmem:s18], [sflag:$0x3], $0x80, s31, s16, $0xb8;
	[tilespmem:$0x1E800] =	vst v63  }
0x6a: {  	_ =	swait.ge [sflag:s14], $0x4000  }
0x6b: {  	[sflag:s14] =	ssyncset.done $0x0  }
0x6c: {  	s25 =	simm.s32 $0x180;
	s24 =	simm.s32 $0x400;
	[sflag:s14] =	ssyncadd.s32 $0xFFFFC000  }
.LBB2_4:
0x6d: {  	[tilespmem:s18], [sflag:$0x2] =	stream.indirect.gather [hbm4b:s4+s16], $0x80, s25, s16, $0xb8;
	[tilespmem:$0x1E800] =	vst v63  }
0x6e: {  	s25 =	smov.u32 s24  }
0x6f: {  	p0 =	sne.s32 s24, $0x4800;
	s24 =	sadd.s32 $0x400, s24;
	_ =	swait.ge [sflag:s19], $0x4000  }
0x70: {  	s25 =	sshra.s32 s25, $0x2;
	[sflag:s19] =	ssyncset.done $0x0  }
0x71: {  	s26 =	sadd.s32 $0x1400, s25;
	[sflag:s19] =	ssyncadd.s32 $0xFFFFC000  }
0x72: {  	[spmem:s2] =	stream.indirect.scatter.add.f32 [tilespmem:s17], [sflag:$0x3], $0x80, s26, s16, $0xb8;
	[tilespmem:$0x1E800] =	vst v63  }
0x73: {  	_ =	swait.ge [sflag:s14], $0x4000  }
0x74: {  	[sflag:s14] =	ssyncset.done $0x0  }
0x75: {  	s26 =	sadd.s32 $0x100, s25;
	[sflag:s14] =	ssyncadd.s32 $0xFFFFC000  }
0x76: {  	[tilespmem:s17], [sflag:$0x1] =	stream.indirect.gather [hbm4b:s4+s16], $0x80, s26, s16, $0xb8;
	[tilespmem:$0x1E800] =	vst v63  }
0x77: {  	_ =	swait.ge [sflag:s20], $0x4000  }
0x78: {  	[sflag:s20] =	ssyncset.done $0x0  }
.Ltmp1:
0x79: {  	s26 =	sadd.s32 $0x1480, s25;
	[sflag:s20] =	ssyncadd.s32 $0xFFFFC000;
	(pc) =	sbr.rel @p0 .LBB2_4-.Ltmp1, $4  }
0x7a: {  	[spmem:s2] =	stream.indirect.scatter.add.f32 [tilespmem:s18], [sflag:$0x3], $0x80, s26, s16, $0xb8;
	[tilespmem:$0x1E800] =	vst v63  }
0x7b: {  	_ =	swait.ge [sflag:s14], $0x4000  }
0x7c: {  	[sflag:s14] =	ssyncset.done $0x0  }
0x7d: {  	s25 =	sadd.s32 $0x180, s25;
	[sflag:s14] =	ssyncadd.s32 $0xFFFFC000  }
0x7e: {  	[tilespmem:s18], [sflag:$0x2] =	stream.indirect.gather [hbm4b:s4+s16], $0x80, s25, s16, $0xb8;
	[tilespmem:$0x1E800] =	vst v63  }
0x7f: {  	_ =	swait.ge [sflag:s19], $0x4000  }
0x80: {  	[sflag:s19] =	ssyncset.done $0x0  }
0x81: {  	[sflag:s19] =	ssyncadd.s32 $0xFFFFC000  }
0x82: {  	[spmem:s2] =	stream.indirect.scatter.add.f32 [tilespmem:s17], [sflag:$0x3], $0x80, s21, s16, $0xb8;
	[tilespmem:$0x1E800] =	vst v63  }
0x83: {  	_ =	swait.ge [sflag:s14], $0x4000  }
0x84: {  	[sflag:s14] =	ssyncset.done $0x0  }
0x85: {  	[sflag:s14] =	ssyncadd.s32 $0xFFFFC000  }
0x86: {  	_ =	swait.ge [sflag:s20], $0x4000  }
0x87: {  	[sflag:s20] =	ssyncset.done $0x0  }
0x88: {  	[sflag:s20] =	ssyncadd.s32 $0xFFFFC000  }
0x89: {  	[spmem:s2] =	stream.indirect.scatter.add.f32 [tilespmem:s18], [sflag:$0x3], $0x80, s22, s16, $0xb8;
	[tilespmem:$0x1E800] =	vst v63  }
0x8a: {  	_ =	swait.ge [sflag:s14], $0x4000  }
0x8b: {  	s23 =	sadd.s32 $0x1, s23;
	[sflag:s14] =	ssyncset.done $0x0  }
0x8c: {  	p0 =	sne.s32 s23, s8;
	[sflag:s14] =	ssyncadd.s32 $0xFFFFC000  }
.Ltmp2:
0x8d: {  	[bflag:$0x0] =	sbarrier.arrive $0xFFFF;
	(pc) =	sbr.rel @p0 .LBB2_1-.Ltmp2, $4  }
0x8e: {  	[hbm:s7], [sflag:s6] =	dma.local [spmem:s13], $0x2800  }
0x8f: {  	_ =	swait.ge [sflag:s14], $0x2800  }
0x90: {  	[sflag:s14] =	ssyncset.done $0x0  }
0x91: {  	[sflag:s14] =	ssyncadd.s32 $0xFFFFD800  }
0x92: {  	_ =	sfence.sel $0x180000  }
0x93: {  	[bflag:$0x0] =	sbarrier.arrive $0xFFFF  }
0x94: {  	p0 =	sne.s32 s1, $0x0;
	_ =	strace $0x9000004D  }
0x95: {  	s0 =	sadd.s32 @!p0 $0x100000, s0;
	[bflag:$0x2] =	sbarrier.arrive $0xFFFF  }
0x96: {  	[sflag:s0] =	ssyncadd.tile.s32 @!p0 $0x1;
	_ =	shalt  }
.Lfunc_end2:
_tile_overlayer_lowered:
.L_overlay_start_2:
0x97: {  	(tag) =	ssettag $0x2  }
0x98: {  	s0 =	rddreg [dreg:$0x0];
	s2 =	stileid.u32  }
0x99: {  	s1 =	rddreg [dreg:$0x1];
	p0 =	sne.s32 s2, $0x0  }
0x9a: {  	s3 =	rddreg [dreg:$0x2];
	[bflag:$0x3] =	sbarrier.arrive $0xFFFF;
	s2 =	simm.s32 @!p0 $0x1C03  }
0x9b: {  	[timem:s3], [sflag:s2] =	dma.local @!p0 [hbm:s0], s1  }
0x9c: {  	s0 =	simm.s32 @!p0 $0x3  }
0x9d: {  	_ =	swait.ge @!p0 [sflag:s0], s1  }
0x9e: {  	s1 =	ssub.s32 @!p0 $0x0, s1;
	[sflag:s0] =	ssyncset.done @!p0 $0x0  }
0x9f: {  	[sflag:s0] =	ssyncadd.s32 @!p0 s1  }
0xa0: {  	[bflag:$0x3] =	sbarrier.arrive $0xFFFF  }
0xa1: {  	_ =	shalt  }

// kernel: kernel.19.cloned.1.call-start
scs
__scs_entry_jumppad:
0x0: {  	(pc) =	sbr.rel $0x88, $3  }
0x1: {  	(tag) =	ssettag $0x0;
	lr =	simm.s32 $0x1  }
0x2: {  	[smem:$0x3F96] =	sst lr;
	_ =	strace $0xD0000000  }
0x3: {  	_ = 	snop  }
0x4: {  	_ = 	snop  }
0x5: {  	_ = 	snop  }
0x6: {  	_ = 	snop  }
0x7: {  	_ = 	snop  }
__scs_overlays_trampoline_lowered:
0x8: {  	[smem:$0x3FA5] =	sst s0  }
0x9: {  	[smem:$0x3FA6] =	sst s1  }
0xa: {  	[smem:$0x3FA7] =	sst s2  }
0xb: {  	[smem:$0x3FA8] =	sst s3  }
0xc: {  	[smem:$0x3FA9] =	sst s4  }
0xd: {  	[smem:$0x3FAA] =	sst s5  }
0xe: {  	[smem:$0x3FAB] =	sst s6  }
0xf: {  	[smem:$0x3FAC] =	sst s7  }
0x10: {  	[smem:$0x3FAD] =	sst s8  }
0x11: {  	[smem:$0x3FAE] =	sst s9;
	s0 =	simm.s32 @!p0 $0x0  }
0x12: {  	s1 =	sld [smem:$0x3F94];
	s0 =	simm.s32 @p0 $0x1  }
0x13: {  	[smem:$0x3FAF] =	sst s0;
	s0 =	simm.s32 @!p1 $0x0  }
0x14: {  	s2 =	sld [smem:$0x3F93];
	s0 =	simm.s32 @p1 $0x1  }
0x15: {  	[smem:$0x3FB0] =	sst s0;
	s0 =	simm.s32 @!p2 $0x0  }
0x16: {  	s3 =	sld [smem:$0x3FDB];
	s0 =	simm.s32 @p2 $0x1  }
0x17: {  	s4 =	simm.s32 $0x1BF5;
	[smem:$0x3FB2] =	sst s0  }
0x18: {  	s0 =	sld [smem:$0x3F95];
	_ =	swait.ge [sflag:s4], $0x0  }
0x19: {  	s7 =	sld [smem:$0x3F96]  }
0x1a: {  	s8 =	sadd.s32 $0xFFFFE003, lr  }
0x1b: {  	s9 =	sadd.s32 $0xFFFFFEF7, lr;
	s5 =	simm.s32 $0xFFFFFFFF;
	p2 =	slt.u32 s8, $0xFFFFF086  }
0x1c: {  	p1 =	slt.u32 s9, $0xF7A;
	s5 =	simm.s32 @!p2 $0x0  }
0x1d: {  	s5 =	simm.s32 @p1 $0x1;
	p0 =	seq.s32 s7, s2  }
0x1e: {  	s7 =	smul.u32 @!p0 $0xF7A, s2;
	p2 =	seq.s32 @!p0 s5, $0x0  }
0x1f: {  	s9 =	smul.u32 $0xF7A, s1;
	s8 =	simm.s32 @!p0 $0x1BF5;
	p2 =	por !p2, p0  }
0x20: {  	[sflag:s8] =	ssyncset.s32 @!p0 $0xFFFFF086;
	s6 =	sadd.s32 @!p0 s3, s7;
	s7 =	simm.s32 @!p0 $0x108  }
0x21: {  	s3 =	sadd.s32 s3, s9;
	s6 =	sadd.s32 @!p0 $0x88, s6;
	s7 =	simm.s32 @p2 $0x1082  }
0x22: {  	[simem:s7], [sflag:s8] =	dma.local @!p0 [hbm:s6], $0xF7A  }
0x23: {  	s9 =	sor.u32 $0xD0000000, s2;
	s6 =	simm.s32 $0x108;
	_ =	swait.ge @!p0 [sflag:s8], $0x0  }
0x24: {  	s3 =	sadd.s32 $0x88, s3;
	s6 =	simm.s32 @!p1 $0x1082;
	[sflag:s4] =	ssyncset.s32 $0xFFFFF086  }
0x25: {  	[simem:s6], [sflag:s4] =	dma.local [hbm:s3], $0xF7A  }
0x26: {  	[smem:$0x3F96] =	sst s1;
	(tag) =	ssettag s2;
	_ =	strace s9  }
0x27: {  	s1 =	sld [smem:$0x3FA6]  }
0x28: {  	s2 =	sld [smem:$0x3FA7]  }
0x29: {  	s4 =	sld [smem:$0x3FA9]  }
0x2a: {  	p0 =	seq.s32 s5, $0x0;
	s5 =	sld [smem:$0x3FAA]  }
0x2b: {  	s6 =	sld [smem:$0x3FAB]  }
0x2c: {  	s7 =	sld [smem:$0x3FAC]  }
0x2d: {  	s3 =	simm.s32 $0x108;
	s8 =	sld [smem:$0x3FAD]  }
0x2e: {  	s3 =	simm.s32 @!p0 $0x1082;
	s9 =	sld [smem:$0x3FAE]  }
0x2f: {  	lr =	sadd.s32 s0, s3;
	s0 =	sld [smem:$0x3FA5]  }
0x30: {  	s3 =	sld [smem:$0x3FA8]  }
0x31: {  	[smem:$0x3FB1] =	sst s10  }
0x32: {  	s10 =	sld [smem:$0x3FAF];
	_ =	sdelay $0x3  }
0x33: {  	p0 =	seq.s32 s10, $0x1;
	s10 =	sld [smem:$0x3FB1];
	_ =	sdelay $0x3  }
0x34: {  	[smem:$0x3FB1] =	sst s10  }
0x35: {  	s10 =	sld [smem:$0x3FB0];
	_ =	sdelay $0x3  }
0x36: {  	p1 =	seq.s32 s10, $0x1;
	s10 =	sld [smem:$0x3FB1];
	_ =	sdelay $0x3  }
0x37: {  	[smem:$0x3FB1] =	sst s10  }
0x38: {  	s10 =	sld [smem:$0x3FB2]  }
0x39: {  	_ = 	snop;
	(pc) =	sbr.ind lr, $3  }
0x3a: {  	_ = 	snop  }
0x3b: {  	_ = 	snop  }
0x3c: {  	p2 =	seq.s32 s10, $0x1;
	s10 =	sld [smem:$0x3FB1]  }
0x3d: {  	_ =	shalt  }
0x3e: {  	_ =	shalt  }
0x3f: {  	_ =	shalt  }
0x40: {  	_ =	shalt  }
0x41: {  	_ =	shalt  }
0x42: {  	_ =	shalt  }
0x43: {  	_ =	shalt  }
0x44: {  	_ =	shalt  }
0x45: {  	_ =	shalt  }
0x46: {  	_ =	shalt  }
0x47: {  	_ =	shalt  }
0x48: {  	_ =	shalt  }
0x49: {  	_ =	shalt  }
0x4a: {  	_ =	shalt  }
0x4b: {  	_ =	shalt  }
0x4c: {  	_ =	shalt  }
0x4d: {  	_ =	shalt  }
0x4e: {  	_ =	shalt  }
0x4f: {  	_ =	shalt  }
0x50: {  	_ =	shalt  }
0x51: {  	_ =	shalt  }
0x52: {  	_ =	shalt  }
0x53: {  	_ =	shalt  }
0x54: {  	_ =	shalt  }
0x55: {  	_ =	shalt  }
0x56: {  	_ =	shalt  }
0x57: {  	_ =	shalt  }
0x58: {  	_ =	shalt  }
0x59: {  	_ =	shalt  }
0x5a: {  	_ =	shalt  }
0x5b: {  	_ =	shalt  }
0x5c: {  	_ =	shalt  }
0x5d: {  	_ =	shalt  }
0x5e: {  	_ =	shalt  }
0x5f: {  	_ =	shalt  }
0x60: {  	_ =	shalt  }
0x61: {  	_ =	shalt  }
0x62: {  	_ =	shalt  }
0x63: {  	_ =	shalt  }
0x64: {  	_ =	shalt  }
0x65: {  	_ =	shalt  }
0x66: {  	_ =	shalt  }
0x67: {  	_ =	shalt  }
0x68: {  	_ =	shalt  }
0x69: {  	_ =	shalt  }
0x6a: {  	_ =	shalt  }
0x6b: {  	_ =	shalt  }
0x6c: {  	_ =	shalt  }
0x6d: {  	_ =	shalt  }
0x6e: {  	_ =	shalt  }
0x6f: {  	_ =	shalt  }
0x70: {  	_ =	shalt  }
0x71: {  	_ =	shalt  }
0x72: {  	_ =	shalt  }
0x73: {  	_ =	shalt  }
0x74: {  	_ =	shalt  }
0x75: {  	_ =	shalt  }
0x76: {  	_ =	shalt  }
0x77: {  	_ =	shalt  }
0x78: {  	_ =	shalt  }
0x79: {  	_ =	shalt  }
0x7a: {  	_ =	shalt  }
0x7b: {  	_ =	shalt  }
0x7c: {  	_ =	shalt  }
0x7d: {  	_ =	shalt  }
0x7e: {  	_ =	shalt  }
0x7f: {  	_ =	shalt  }
0x80: {  	_ =	shalt  }
0x81: {  	_ =	shalt  }
0x82: {  	_ =	shalt  }
0x83: {  	_ =	shalt  }
0x84: {  	_ =	shalt  }
0x85: {  	_ =	shalt  }
0x86: {  	_ =	shalt  }
0x87: {  	_ =	shalt  }
.Lfunc_end0:
.L_simem_size_0:
called_computation.3_lowered:
.L_overlay_start_0:
0x88: {  	s2 =	sld [smem:$0x3FD9]  }
0x89: {  	s3 =	sld [smem:$0x3FFE];
	_ =	sdelay $0x1  }
0x8a: {  	s1 =	srdreg.scid  }
0x8b: {  	s0 =	sand.u32 $0x1, s1  }
0x8c: {  	s17 =	sshll.u32 s0, $0xA;
	s2 =	sadd.s32 s3, s2  }
0x8d: {  	s2 =	sadd.s32 s2, s17  }
0x8e: {  	[smem:$0x3FBD] =	sst s2  }
0x8f: {  	_ = 	snop  }
0x90: {  	s2 =	sld [smem:$0x3FD0];
	(tm) =	ssettm $0x1  }
0x91: {  	s18 =	sld [smem:$0x3FFB];
	_ =	sdelay $0x3  }
0x92: {  	_ =	strace s18  }
0x93: {  	s3 =	sld [smem:$0x3FFC];
	_ =	sdelay $0x3  }
0x94: {  	_ =	strace s3  }
0x95: {  	s3 =	sld [smem:$0x3FFD];
	_ =	sdelay $0x3  }
0x96: {  	_ =	strace s3  }
0x97: {  	_ =	strace $0x8FFFFFFF  }
0x98: {  	s19 =	sld [smem:$0x3FDB];
	_ =	sdelay $0x1  }
0x99: {  	s4 =	simm.s32 $_scs_section_size  }
0x9a: {  	s5 =	simm.s32 $_size__tile_overlayer_lowered;
	s6 =	simm.s32 $_tile_overlayer_lowered  }
0x9b: {  	s22 =	simm.s32 $0x1BFF;
	s21 =	sshll.u32 s6, $0x1;
	s3 =	sadd.s32 s4, s19  }
0x9c: {  	s7 =	simm.s32 $0x0;
	s20 =	sshll.u32 s5, $0x1;
	s5 =	sadd.s32 s21, s3  }
0x9d: {  	[timem:s7], [sflag:s22] =	dma.local [hbm:s5], s20  }
0x9e: {  	_ =	swait.ge [sflag:s22], s20  }
0x9f: {  	s4 =	ssub.s32 $0x0, s20;
	[sflag:s22] =	ssyncset.done $0x0  }
0xa0: {  	[sflag:s22] =	ssyncadd.s32 s4;
	_ =	sdelay $0x1  }
0xa1: {  	s23 =	simm.s32 $0x1B8B  }
0xa2: {  	_ =	swait.ge [sflag:s23], $0x1  }
0xa3: {  	[sflag:s23] =	ssyncset.done $0x0  }
0xa4: {  	s25 =	simm.s32 $0x1B8E;
	s24 =	sld [smem:$0x3FFE];
	[sflag:s23] =	ssyncadd.s32 $0xFFFFFFFF  }
0xa5: {  	s26 =	simm.s32 $execute0_lowered;
	[smem:$0x3FD2] =	sst s25  }
0xa6: {  	s5 =	sshll.u32 s26, $0x1;
	_ =	strace $0x8000004F;
	[dreg:$0x1] =	wrdreg $0xFFFFFFFF  }
0xa7: {  	s28 =	simm.s32 $_size_execute0_lowered;
	s3 =	sadd.s32 s3, s5;
	[dreg:$0x0] =	wrdreg $0x0  }
0xa8: {  	s5 =	sshll.u32 s28, $0x1;
	[dreg:$0x2] =	wrdreg s3  }
0xa9: {  	[dreg:$0x3] =	wrdreg s5  }
0xaa: {  	[dreg:$0x4] =	wrdreg $0xC0  }
0xab: {  	_ =	task [dreg:s7], $0x5FFFF  }
0xac: {  	[dreg:$0x1] =	wrdreg $0xFFFFFFFF  }
0xad: {  	[dreg:$0x0] =	wrdreg $0x60  }
0xae: {  	[dreg:$0x2] =	wrdreg s24  }
0xaf: {  	[dreg:$0x3] =	wrdreg s2  }
0xb0: {  	[dreg:$0x4] =	wrdreg $0xA8000  }
0xb1: {  	[dreg:$0x5] =	wrdreg $0x9  }
0xb2: {  	_ =	task.clear_ibuf [dreg:s7], $0x6FFFF;
	_ =	strace $0x9000004F  }
0xb3: {  	s29 =	simm.s32 $0x9;
	_ =	strace $0x80000051  }
0xb4: {  	_ =	swait.ge [sflag:s29], $0x1  }
0xb5: {  	[sflag:s29] =	ssyncadd.s32 $0xFFFFFFFF  }
0xb6: {  	_ =	strace $0x90000051  }
0xb7: {  	_ =	sfence  }
0xb8: {  	s30 =	sld [smem:$0x0];
	_ =	sdelay $0x2  }
0xb9: {  	s31 =	sshll.u32 s1, $0xD;
	s1 =	sshrl.u32 s1, $0x2  }
0xba: {  	s3 =	sand.u32 $0x4000, s31;
	s1 =	sadd.s32 s1, s30  }
0xbb: {  	s0 =	sor.u32 s3, s0;
	s1 =	sshll.u32 s1, $0x11  }
0xbc: {  	s0 =	sor.u32 s1, s0  }
0xbd: {  	s0 =	sadd.s32 $0x8F2B, s0  }
0xbe: {  	[sflag:s0] =	ssyncadd.remote.s32 $0x1  }
0xbf: {  	_ =	sfence.sel $0xFFFF  }
0xc0: {  	[dreg:$0x0] =	wrdreg $0xFFFFFFFF;
	(pc) =	sbr.abs _section_cstart, $3  }
0xc1: {  	[dreg:$0x1] =	wrdreg $0xFFFFFFFF  }
0xc2: {  	_ =	task.clear_ibuf [dreg:s7], $0x2FFFF;
	_ =	strace $0x9FFFFFFF  }
0xc3: {  	(tm) =	ssettm $0x7FFFFFFF  }
tec
execute0_lowered:
.L_overlay_start_1:
0x0: {  	(tag) =	ssettag $0x1  }
0x1: {  	s5 =	rddreg [dreg:$0x0]  }
0x2: {  	s11 =	rddreg [dreg:$0x1]  }
0x3: {  	s2 =	rddreg [dreg:$0x2]  }
0x4: {  	s0 =	rddreg [dreg:$0x3];
	s1 =	stileid.u32  }
0x5: {  	s4 =	srdreg.scid;
	s3 =	simm.s32 $0x0;
	s16 =	simm.s32 $0x80  }
0x6: {  	s17 =	simm.s32 $0x2800;
	s18 =	simm.s32 $0x6800;
	s19 =	simm.s32 $0x1  }
0x7: {  	s20 =	simm.s32 $0x2;
	s21 =	simm.s32 $0x2700;
	s22 =	simm.s32 $0x2780  }
0x8: {  	s23 =	simm.s32 $0x0;
	s6 =	smul.u32 $0x14000, s1;
	s7 =	sand.u32 $0x1, s4  }
0x9: {  	[smem:$0x7FF] =	sst s3;
	s4 =	sadd.s32 $0xCA00, s5;
	s10 =	smul.u32 $0x50000, s1  }
0xa: {  	s12 =	sadd.s32 $0x2A00, s5;
	s30 =	sshll.u32 s1, $0x6;
	s8 =	smul.u32 $0x140000, s7  }
0xb: {  	_ =	strace $0x80000050;
	s24 =	sshll.u32 s7, $0x4;
	s25 =	ssub.s32 $0x2, s7  }
0xc: {  	s9 =	sshrl.u32 s6, $0x3;
	s26 =	sor.u32 s1, s24;
	s7 =	sshrl.u32 s25, $0x1  }
0xd: {  	s28 =	sshrl.u32 s10, $0x2;
	s9 =	sadd.s32 s9, s5;
	s6 =	sadd.s32 s6, s8  }
0xe: {  	s29 =	smul.u32 $0x2800, s26;
	s14 =	ssub.s32 s25, s7;
	s15 =	sadd.s32 s28, s2  }
0xf: {  	s6 =	sshrl.u32 s6, $0x3;
	s8 =	smax.u32 s14, $0x1;
	s14 =	simm.s32 $0x3  }
0x10: {  	s13 =	sadd.s32 s6, s5;
	s5 =	sadd.s32 $0x34A00, s9;
	s10 =	sshrl.u32 s29, $0x3  }
0x11: {  	s6 =	sor.u32 $0x1C03, s30;
	s7 =	sadd.s32 $0x5CA00, s13;
	s31 =	sadd.s32 $0x280, s10  }
0x12: {  	s9 =	sadd.s32 s11, s10;
	s10 =	sadd.s32 s12, s10;
	s13 =	sshrl.u32 s15, $0x3  }
0x13: {  	s15 =	simm.s32 $0x1400;
	s11 =	sadd.s32 s11, s31;
	s12 =	sadd.s32 s12, s31  }
.LBB2_1:
0x14: {  	[spmem:s13], [sflag:s6] =	dma.local [hbm:s5], $0x2800  }
0x15: {  	_ =	swait.ge [sflag:s14], $0x2800  }
0x16: {  	[sflag:s14] =	ssyncset.done $0x0  }
0x17: {  	[sflag:s14] =	ssyncadd.s32 $0xFFFFD800  }
0x18: {  	[bflag:$0x0] =	sbarrier.arrive $0xFFFF  }
0x19: {  	[tilespmem:s3], [sflag:$0x3] =	stream.linear.gather [hbm4b:s9+s3], $0x1400, $0x38;
	[tilespmem:$0x1E800] =	vst v63  }
0x1a: {  	_ =	swait.ge [sflag:s14], $0x1400  }
0x1b: {  	[sflag:s14] =	ssyncset.done $0x0  }
0x1c: {  	[sflag:s14] =	ssyncadd.s32 $0xFFFFEC00  }
0x1d: {  	[tilespmem:s15], [sflag:$0x3] =	stream.linear.gather [hbm4b:s10+s3], $0x1400, $0x38;
	[tilespmem:$0x1E800] =	vst v63  }
0x1e: {  	_ =	swait.ge [sflag:s14], $0x1400  }
0x1f: {  	[sflag:s14] =	ssyncset.done $0x0  }
0x20: {  	[sflag:s14] =	ssyncadd.s32 $0xFFFFEC00  }
0x21: {  	[tilespmem:s17], [sflag:$0x1] =	stream.indirect.gather [hbm4b:s4+s16], $0x80, s3, s16, $0xb8;
	[tilespmem:$0x1E800] =	vst v63  }
0x22: {  	_ = 	snop  }
0x23: {  	[tilespmem:s18], [sflag:$0x2] =	stream.indirect.gather [hbm4b:s4+s16], $0x80, s16, s16, $0xb8;
	[tilespmem:$0x1E800] =	vst v63  }
0x24: {  	_ =	swait.ge [sflag:s19], $0x4000  }
0x25: {  	[sflag:s19] =	ssyncset.done $0x0  }
0x26: {  	s24 =	simm.s32 $0x1400;
	[sflag:s19] =	ssyncadd.s32 $0xFFFFC000  }
0x27: {  	[spmem:s2] =	stream.indirect.scatter.add.f32 [tilespmem:s17], [sflag:$0x3], $0x80, s24, s16, $0xb8;
	[tilespmem:$0x1E800] =	vst v63  }
0x28: {  	_ =	swait.ge [sflag:s14], $0x4000  }
0x29: {  	[sflag:s14] =	ssyncset.done $0x0  }
0x2a: {  	s30 =	simm.s32 $0x100;
	[sflag:s14] =	ssyncadd.s32 $0xFFFFC000  }
0x2b: {  	[tilespmem:s17], [sflag:$0x1] =	stream.indirect.gather [hbm4b:s4+s16], $0x80, s30, s16, $0xb8;
	[tilespmem:$0x1E800] =	vst v63  }
0x2c: {  	_ =	swait.ge [sflag:s20], $0x4000  }
0x2d: {  	[sflag:s20] =	ssyncset.done $0x0  }
0x2e: {  	s31 =	simm.s32 $0x1480;
	[sflag:s20] =	ssyncadd.s32 $0xFFFFC000  }
0x2f: {  	[spmem:s2] =	stream.indirect.scatter.add.f32 [tilespmem:s18], [sflag:$0x3], $0x80, s31, s16, $0xb8;
	[tilespmem:$0x1E800] =	vst v63  }
0x30: {  	_ =	swait.ge [sflag:s14], $0x4000  }
0x31: {  	[sflag:s14] =	ssyncset.done $0x0  }
0x32: {  	s25 =	simm.s32 $0x180;
	s24 =	simm.s32 $0x400;
	[sflag:s14] =	ssyncadd.s32 $0xFFFFC000  }
.LBB2_2:
0x33: {  	[tilespmem:s18], [sflag:$0x2] =	stream.indirect.gather [hbm4b:s4+s16], $0x80, s25, s16, $0xb8;
	[tilespmem:$0x1E800] =	vst v63  }
0x34: {  	s25 =	smov.u32 s24  }
0x35: {  	p0 =	sne.s32 s24, $0x4800;
	s24 =	sadd.s32 $0x400, s24;
	_ =	swait.ge [sflag:s19], $0x4000  }
0x36: {  	s25 =	sshra.s32 s25, $0x2;
	[sflag:s19] =	ssyncset.done $0x0  }
0x37: {  	s26 =	sadd.s32 $0x1400, s25;
	[sflag:s19] =	ssyncadd.s32 $0xFFFFC000  }
0x38: {  	[spmem:s2] =	stream.indirect.scatter.add.f32 [tilespmem:s17], [sflag:$0x3], $0x80, s26, s16, $0xb8;
	[tilespmem:$0x1E800] =	vst v63  }
0x39: {  	_ =	swait.ge [sflag:s14], $0x4000  }
0x3a: {  	[sflag:s14] =	ssyncset.done $0x0  }
0x3b: {  	s26 =	sadd.s32 $0x100, s25;
	[sflag:s14] =	ssyncadd.s32 $0xFFFFC000  }
0x3c: {  	[tilespmem:s17], [sflag:$0x1] =	stream.indirect.gather [hbm4b:s4+s16], $0x80, s26, s16, $0xb8;
	[tilespmem:$0x1E800] =	vst v63  }
0x3d: {  	_ =	swait.ge [sflag:s20], $0x4000  }
0x3e: {  	[sflag:s20] =	ssyncset.done $0x0  }
.Ltmp0:
0x3f: {  	s26 =	sadd.s32 $0x1480, s25;
	[sflag:s20] =	ssyncadd.s32 $0xFFFFC000;
	(pc) =	sbr.rel @p0 .LBB2_2-.Ltmp0, $4  }
0x40: {  	[spmem:s2] =	stream.indirect.scatter.add.f32 [tilespmem:s18], [sflag:$0x3], $0x80, s26, s16, $0xb8;
	[tilespmem:$0x1E800] =	vst v63  }
0x41: {  	_ =	swait.ge [sflag:s14], $0x4000  }
0x42: {  	[sflag:s14] =	ssyncset.done $0x0  }
0x43: {  	s25 =	sadd.s32 $0x180, s25;
	[sflag:s14] =	ssyncadd.s32 $0xFFFFC000  }
0x44: {  	[tilespmem:s18], [sflag:$0x2] =	stream.indirect.gather [hbm4b:s4+s16], $0x80, s25, s16, $0xb8;
	[tilespmem:$0x1E800] =	vst v63  }
0x45: {  	_ =	swait.ge [sflag:s19], $0x4000  }
0x46: {  	[sflag:s19] =	ssyncset.done $0x0  }
0x47: {  	[sflag:s19] =	ssyncadd.s32 $0xFFFFC000  }
0x48: {  	[spmem:s2] =	stream.indirect.scatter.add.f32 [tilespmem:s17], [sflag:$0x3], $0x80, s21, s16, $0xb8;
	[tilespmem:$0x1E800] =	vst v63  }
0x49: {  	_ =	swait.ge [sflag:s14], $0x4000  }
0x4a: {  	[sflag:s14] =	ssyncset.done $0x0  }
0x4b: {  	[sflag:s14] =	ssyncadd.s32 $0xFFFFC000  }
0x4c: {  	_ =	swait.ge [sflag:s20], $0x4000  }
0x4d: {  	[sflag:s20] =	ssyncset.done $0x0  }
0x4e: {  	[sflag:s20] =	ssyncadd.s32 $0xFFFFC000  }
0x4f: {  	[spmem:s2] =	stream.indirect.scatter.add.f32 [tilespmem:s18], [sflag:$0x3], $0x80, s22, s16, $0xb8;
	[tilespmem:$0x1E800] =	vst v63  }
0x50: {  	_ =	swait.ge [sflag:s14], $0x4000  }
0x51: {  	[sflag:s14] =	ssyncset.done $0x0  }
0x52: {  	s24 =	simm.s32 $0x0;
	[sflag:s14] =	ssyncadd.s32 $0xFFFFC000  }
0x53: {  	[tilespmem:s24], [sflag:$0x3] =	stream.linear.gather [hbm4b:s11+s24], $0x1400, $0x38;
	[tilespmem:$0x1E800] =	vst v63  }
0x54: {  	_ =	swait.ge [sflag:s14], $0x1400  }
0x55: {  	[sflag:s14] =	ssyncset.done $0x0  }
0x56: {  	[sflag:s14] =	ssyncadd.s32 $0xFFFFEC00  }
0x57: {  	[tilespmem:s15], [sflag:$0x3] =	stream.linear.gather [hbm4b:s12+s24], $0x1400, $0x38;
	[tilespmem:$0x1E800] =	vst v63  }
0x58: {  	_ =	swait.ge [sflag:s14], $0x1400  }
0x59: {  	[sflag:s14] =	ssyncset.done $0x0  }
0x5a: {  	[sflag:s14] =	ssyncadd.s32 $0xFFFFEC00  }
0x5b: {  	[tilespmem:s17], [sflag:$0x1] =	stream.indirect.gather [hbm4b:s4+s16], $0x80, s24, s16, $0xb8;
	[tilespmem:$0x1E800] =	vst v63  }
0x5c: {  	_ = 	snop  }
0x5d: {  	[tilespmem:s18], [sflag:$0x2] =	stream.indirect.gather [hbm4b:s4+s16], $0x80, s16, s16, $0xb8;
	[tilespmem:$0x1E800] =	vst v63  }
0x5e: {  	_ =	swait.ge [sflag:s19], $0x4000  }
0x5f: {  	[sflag:s19] =	ssyncset.done $0x0  }
0x60: {  	s29 =	simm.s32 $0x1400;
	[sflag:s19] =	ssyncadd.s32 $0xFFFFC000  }
0x61: {  	[spmem:s2] =	stream.indirect.scatter.add.f32 [tilespmem:s17], [sflag:$0x3], $0x80, s29, s16, $0xb8;
	[tilespmem:$0x1E800] =	vst v63  }
0x62: {  	_ =	swait.ge [sflag:s14], $0x4000  }
0x63: {  	[sflag:s14] =	ssyncset.done $0x0  }
0x64: {  	s30 =	simm.s32 $0x100;
	[sflag:s14] =	ssyncadd.s32 $0xFFFFC000  }
0x65: {  	[tilespmem:s17], [sflag:$0x1] =	stream.indirect.gather [hbm4b:s4+s16], $0x80, s30, s16, $0xb8;
	[tilespmem:$0x1E800] =	vst v63  }
0x66: {  	_ =	swait.ge [sflag:s20], $0x4000  }
0x67: {  	[sflag:s20] =	ssyncset.done $0x0  }
0x68: {  	s31 =	simm.s32 $0x1480;
	[sflag:s20] =	ssyncadd.s32 $0xFFFFC000  }
0x69: {  	[spmem:s2] =	stream.indirect.scatter.add.f32 [tilespmem:s18], [sflag:$0x3], $0x80, s31, s16, $0xb8;
	[tilespmem:$0x1E800] =	vst v63  }
0x6a: {  	_ =	swait.ge [sflag:s14], $0x4000  }
0x6b: {  	[sflag:s14] =	ssyncset.done $0x0  }
0x6c: {  	s25 =	simm.s32 $0x180;
	s24 =	simm.s32 $0x400;
	[sflag:s14] =	ssyncadd.s32 $0xFFFFC000  }
.LBB2_4:
0x6d: {  	[tilespmem:s18], [sflag:$0x2] =	stream.indirect.gather [hbm4b:s4+s16], $0x80, s25, s16, $0xb8;
	[tilespmem:$0x1E800] =	vst v63  }
0x6e: {  	s25 =	smov.u32 s24  }
0x6f: {  	p0 =	sne.s32 s24, $0x4800;
	s24 =	sadd.s32 $0x400, s24;
	_ =	swait.ge [sflag:s19], $0x4000  }
0x70: {  	s25 =	sshra.s32 s25, $0x2;
	[sflag:s19] =	ssyncset.done $0x0  }
0x71: {  	s26 =	sadd.s32 $0x1400, s25;
	[sflag:s19] =	ssyncadd.s32 $0xFFFFC000  }
0x72: {  	[spmem:s2] =	stream.indirect.scatter.add.f32 [tilespmem:s17], [sflag:$0x3], $0x80, s26, s16, $0xb8;
	[tilespmem:$0x1E800] =	vst v63  }
0x73: {  	_ =	swait.ge [sflag:s14], $0x4000  }
0x74: {  	[sflag:s14] =	ssyncset.done $0x0  }
0x75: {  	s26 =	sadd.s32 $0x100, s25;
	[sflag:s14] =	ssyncadd.s32 $0xFFFFC000  }
0x76: {  	[tilespmem:s17], [sflag:$0x1] =	stream.indirect.gather [hbm4b:s4+s16], $0x80, s26, s16, $0xb8;
	[tilespmem:$0x1E800] =	vst v63  }
0x77: {  	_ =	swait.ge [sflag:s20], $0x4000  }
0x78: {  	[sflag:s20] =	ssyncset.done $0x0  }
.Ltmp1:
0x79: {  	s26 =	sadd.s32 $0x1480, s25;
	[sflag:s20] =	ssyncadd.s32 $0xFFFFC000;
	(pc) =	sbr.rel @p0 .LBB2_4-.Ltmp1, $4  }
0x7a: {  	[spmem:s2] =	stream.indirect.scatter.add.f32 [tilespmem:s18], [sflag:$0x3], $0x80, s26, s16, $0xb8;
	[tilespmem:$0x1E800] =	vst v63  }
0x7b: {  	_ =	swait.ge [sflag:s14], $0x4000  }
0x7c: {  	[sflag:s14] =	ssyncset.done $0x0  }
0x7d: {  	s25 =	sadd.s32 $0x180, s25;
	[sflag:s14] =	ssyncadd.s32 $0xFFFFC000  }
0x7e: {  	[tilespmem:s18], [sflag:$0x2] =	stream.indirect.gather [hbm4b:s4+s16], $0x80, s25, s16, $0xb8;
	[tilespmem:$0x1E800] =	vst v63  }
0x7f: {  	_ =	swait.ge [sflag:s19], $0x4000  }
0x80: {  	[sflag:s19] =	ssyncset.done $0x0  }
0x81: {  	[sflag:s19] =	ssyncadd.s32 $0xFFFFC000  }
0x82: {  	[spmem:s2] =	stream.indirect.scatter.add.f32 [tilespmem:s17], [sflag:$0x3], $0x80, s21, s16, $0xb8;
	[tilespmem:$0x1E800] =	vst v63  }
0x83: {  	_ =	swait.ge [sflag:s14], $0x4000  }
0x84: {  	[sflag:s14] =	ssyncset.done $0x0  }
0x85: {  	[sflag:s14] =	ssyncadd.s32 $0xFFFFC000  }
0x86: {  	_ =	swait.ge [sflag:s20], $0x4000  }
0x87: {  	[sflag:s20] =	ssyncset.done $0x0  }
0x88: {  	[sflag:s20] =	ssyncadd.s32 $0xFFFFC000  }
0x89: {  	[spmem:s2] =	stream.indirect.scatter.add.f32 [tilespmem:s18], [sflag:$0x3], $0x80, s22, s16, $0xb8;
	[tilespmem:$0x1E800] =	vst v63  }
0x8a: {  	_ =	swait.ge [sflag:s14], $0x4000  }
0x8b: {  	s23 =	sadd.s32 $0x1, s23;
	[sflag:s14] =	ssyncset.done $0x0  }
0x8c: {  	p0 =	sne.s32 s23, s8;
	[sflag:s14] =	ssyncadd.s32 $0xFFFFC000  }
.Ltmp2:
0x8d: {  	[bflag:$0x0] =	sbarrier.arrive $0xFFFF;
	(pc) =	sbr.rel @p0 .LBB2_1-.Ltmp2, $4  }
0x8e: {  	[hbm:s7], [sflag:s6] =	dma.local [spmem:s13], $0x2800  }
0x8f: {  	_ =	swait.ge [sflag:s14], $0x2800  }
0x90: {  	[sflag:s14] =	ssyncset.done $0x0  }
0x91: {  	[sflag:s14] =	ssyncadd.s32 $0xFFFFD800  }
0x92: {  	_ =	sfence.sel $0x180000  }
0x93: {  	[bflag:$0x0] =	sbarrier.arrive $0xFFFF  }
0x94: {  	p0 =	sne.s32 s1, $0x0;
	_ =	strace $0x90000050  }
0x95: {  	s0 =	sadd.s32 @!p0 $0x100000, s0;
	[bflag:$0x2] =	sbarrier.arrive $0xFFFF  }
0x96: {  	[sflag:s0] =	ssyncadd.tile.s32 @!p0 $0x1;
	_ =	shalt  }
.Lfunc_end2:
_tile_overlayer_lowered:
.L_overlay_start_2:
0x97: {  	(tag) =	ssettag $0x2  }
0x98: {  	s0 =	rddreg [dreg:$0x0];
	s2 =	stileid.u32  }
0x99: {  	s1 =	rddreg [dreg:$0x1];
	p0 =	sne.s32 s2, $0x0  }
0x9a: {  	s3 =	rddreg [dreg:$0x2];
	[bflag:$0x3] =	sbarrier.arrive $0xFFFF;
	s2 =	simm.s32 @!p0 $0x1C03  }
0x9b: {  	[timem:s3], [sflag:s2] =	dma.local @!p0 [hbm:s0], s1  }
0x9c: {  	s0 =	simm.s32 @!p0 $0x3  }
0x9d: {  	_ =	swait.ge @!p0 [sflag:s0], s1  }
0x9e: {  	s1 =	ssub.s32 @!p0 $0x0, s1;
	[sflag:s0] =	ssyncset.done @!p0 $0x0  }
0x9f: {  	[sflag:s0] =	ssyncadd.s32 @!p0 s1  }
0xa0: {  	[bflag:$0x3] =	sbarrier.arrive $0xFFFF  }
0xa1: {  	_ =	shalt  }

</sc_bundles>
